<compile_context>
chip_gen: v7x
topology: tpu7x:2x2x1
jax: 0.10.2.dev20260603
libtpu: 0.0.44.dev20260713+nightly
codegen_flags: <defaults>
</compile_context>

<pallas_src>
import functools

import jax
import jax.numpy as jnp
from jax import lax
from jax.experimental import pallas as pl
from jax.experimental.pallas import tpu as pltpu
from jax.experimental.pallas import tpu_sc as plsc

N = 10000
DIN = 128
HID = 128
DOUT = 16
E = 320000
NP = 10240

NC = 2
NS = 16
NW = NC * NS
EPW = E // NW
K = 125
NB = EPW // K
CH = 40
NCH = NB // CH
RPS = NP // NS
ZR = 32


def _sc_degree_body(dst_hbm, out_hbm, acc, ones_v, zbuf, dst_v):
  c = lax.axis_index("c")
  s = lax.axis_index("s")
  wid = s * NC + c

  pltpu.sync_copy(dst_hbm.at[wid], dst_v)

  def fill(i, _):
    for j in range(8):
      ones_v[i, pl.ds(j * 16, 16)] = jnp.ones((16,), jnp.float32)
    return 0
  lax.fori_loop(0, K, fill, 0)

  def zero(i, _):
    for j in range(8):
      zbuf[i, pl.ds(j * 16, 16)] = jnp.zeros((16,), jnp.float32)
    return 0
  lax.fori_loop(0, ZR, zero, 0)
  for z in range(RPS // ZR):
    pltpu.sync_copy(zbuf, acc.at[pl.ds(s * RPS + z * ZR, ZR)])
  plsc.subcore_barrier()

  def step(b, _):
    pltpu.sync_copy(ones_v, acc.at[dst_v.at[b]], add=True)
    return 0
  lax.fori_loop(0, NB, step, 0)
  plsc.subcore_barrier()

  pltpu.sync_copy(acc.at[pl.ds(s * RPS, RPS)],
                  out_hbm.at[pl.ds(c * NP + s * RPS, RPS)])


_sc_degree = functools.partial(
    pl.kernel,
    out_type=jax.ShapeDtypeStruct((2 * NP, HID), jnp.float32),
    mesh=plsc.VectorSubcoreMesh(core_axis_name="c", subcore_axis_name="s"),
    scratch_types=[
        pltpu.VMEM_SHARED((NP, HID), jnp.float32),
        pltpu.VMEM((K, HID), jnp.float32),
        pltpu.VMEM((ZR, HID), jnp.float32),
        pltpu.VMEM((NB, K), jnp.int32),
    ],
)(_sc_degree_body)


def _sc_scatter_body(g_hbm, src_hbm, dst_hbm, out_hbm,
                     acc, rows0, rows1, zbuf, src_v, dst_v, sem0, sem1):
  c = lax.axis_index("c")
  s = lax.axis_index("s")
  wid = s * NC + c

  def zero(i, _):
    for j in range(8):
      zbuf[i, pl.ds(j * 16, 16)] = jnp.zeros((16,), jnp.float32)
    return 0
  lax.fori_loop(0, ZR, zero, 0)
  for z in range(RPS // ZR):
    pltpu.sync_copy(zbuf, acc.at[pl.ds(s * RPS + z * ZR, ZR)])
  plsc.subcore_barrier()

  for ch in range(NCH):
    pltpu.sync_copy(src_hbm.at[wid, ch], src_v)
    pltpu.sync_copy(dst_hbm.at[wid, ch], dst_v)
    pltpu.async_copy(g_hbm.at[src_v.at[0]], rows0, sem0)

    def pair(p, _):
      b0 = 2 * p
      pltpu.async_copy(g_hbm.at[src_v.at[b0 + 1]], rows1, sem1)
      pltpu.make_async_copy(g_hbm.at[src_v.at[b0]], rows0, sem0).wait()
      pltpu.sync_copy(rows0, acc.at[dst_v.at[b0]], add=True)

      @pl.when(p < CH // 2 - 1)
      def _():
        pltpu.async_copy(g_hbm.at[src_v.at[b0 + 2]], rows0, sem0)

      pltpu.make_async_copy(g_hbm.at[src_v.at[b0 + 1]], rows1, sem1).wait()
      pltpu.sync_copy(rows1, acc.at[dst_v.at[b0 + 1]], add=True)
      return 0
    lax.fori_loop(0, CH // 2, pair, 0)
  plsc.subcore_barrier()

  pltpu.sync_copy(acc.at[pl.ds(s * RPS, RPS)],
                  out_hbm.at[pl.ds(c * NP + s * RPS, RPS)])


_sc_scatter = functools.partial(
    pl.kernel,
    out_type=jax.ShapeDtypeStruct((2 * NP, HID), jnp.float32),
    mesh=plsc.VectorSubcoreMesh(core_axis_name="c", subcore_axis_name="s"),
    scratch_types=[
        pltpu.VMEM_SHARED((NP, HID), jnp.float32),
        pltpu.VMEM((K, HID), jnp.float32),
        pltpu.VMEM((K, HID), jnp.float32),
        pltpu.VMEM((ZR, HID), jnp.float32),
        pltpu.VMEM((CH, K), jnp.int32),
        pltpu.VMEM((CH, K), jnp.int32),
        pltpu.SemaphoreType.DMA,
        pltpu.SemaphoreType.DMA,
    ],
)(_sc_scatter_body)


_RB = 512
_GRID = NP // _RB


def _tc_h_body(x_ref, w1_ref, h_ref):
  h_ref[...] = jnp.dot(x_ref[...], w1_ref[...],
                       preferred_element_type=jnp.float32)


def _tc_h(x, w1):
  return pl.pallas_call(
      _tc_h_body,
      grid=(_GRID,),
      in_specs=[
          pl.BlockSpec((_RB, DIN), lambda i: (i, 0)),
          pl.BlockSpec((DIN, HID), lambda i: (0, 0)),
      ],
      out_specs=pl.BlockSpec((_RB, HID), lambda i: (i, 0)),
      out_shape=jax.ShapeDtypeStruct((NP, HID), jnp.float32),
  )(x, w1)


def _tc_g_body(h_ref, d0_ref, d1_ref, g_ref, dis_ref):
  deg = d0_ref[:, 0:1] + d1_ref[:, 0:1] + 1.0
  dis = lax.rsqrt(deg)
  g_ref[...] = h_ref[...] * dis
  dis_ref[...] = jnp.broadcast_to(dis, (dis.shape[0], 8))


def _tc_g(h, degp):
  return pl.pallas_call(
      _tc_g_body,
      grid=(_GRID,),
      in_specs=[
          pl.BlockSpec((_RB, HID), lambda i: (i, 0)),
          pl.BlockSpec((_RB, HID), lambda i: (i, 0)),
          pl.BlockSpec((_RB, HID), lambda i: (i + _GRID, 0)),
      ],
      out_specs=[
          pl.BlockSpec((_RB, HID), lambda i: (i, 0)),
          pl.BlockSpec((_RB, 8), lambda i: (i, 0)),
      ],
      out_shape=[
          jax.ShapeDtypeStruct((NP, HID), jnp.float32),
          jax.ShapeDtypeStruct((NP, 8), jnp.float32),
      ],
  )(h, degp, degp)


def _tc_final_body(p0_ref, p1_ref, g_ref, dis_ref,
                   b1_ref, w2_ref, b2_ref, o_ref):
  dis = dis_ref[:, 0:1]
  o = (p0_ref[...] + p1_ref[...] + g_ref[...]) * dis
  a = jnp.maximum(o + b1_ref[...], 0.0)
  z = jnp.dot(a, w2_ref[...], preferred_element_type=jnp.float32)
  z = z + b2_ref[...]
  m = jnp.max(z, axis=1, keepdims=True)
  ez = jnp.exp(z - m)
  sz = jnp.sum(ez, axis=1, keepdims=True)
  o_ref[...] = z - m - jnp.log(sz)


def _tc_final(p, g, dis8, b1, w2, b2):
  return pl.pallas_call(
      _tc_final_body,
      grid=(_GRID,),
      in_specs=[
          pl.BlockSpec((_RB, HID), lambda i: (i, 0)),
          pl.BlockSpec((_RB, HID), lambda i: (i + _GRID, 0)),
          pl.BlockSpec((_RB, HID), lambda i: (i, 0)),
          pl.BlockSpec((_RB, 8), lambda i: (i, 0)),
          pl.BlockSpec((1, HID), lambda i: (0, 0)),
          pl.BlockSpec((HID, DOUT), lambda i: (0, 0)),
          pl.BlockSpec((1, DOUT), lambda i: (0, 0)),
      ],
      out_specs=pl.BlockSpec((_RB, DOUT), lambda i: (i, 0)),
      out_shape=jax.ShapeDtypeStruct((N, DOUT), jnp.float32),
  )(p, p, g, dis8, b1, w2, b2)


def kernel(x, edge_index, W1, b1, W2, b2):
  x = x.astype(jnp.float32)
  src = edge_index[0].astype(jnp.int32).reshape(NW, NCH, CH, K)
  dst = edge_index[1].astype(jnp.int32).reshape(NW, NB, K)
  src4 = src
  dst4 = dst.reshape(NW, NCH, CH, K)

  h = _tc_h(x, W1)
  degp = _sc_degree(dst)
  g, dis8 = _tc_g(h, degp)
  p = _sc_scatter(g, src4, dst4)
  return _tc_final(p, g, dis8, b1.reshape(1, HID), W2, b2.reshape(1, DOUT))

# --- scband reference (transcript-rebuilt; emitter-appended) ---
"""Pipeline reference for scband-karate-graph-lin1-68599217652364 (READ-ONLY COPY).

The authoritative reference and input builder live on the scoring server;
editing this copy changes nothing except your own understanding.
"""

import jax, jax.numpy as jnp
import numpy as np

N_NODES = 10000
IN_DIM = 128
HIDDEN = 128
OUT_DIM = 16
N_EDGES = 320000

def setup_inputs(seed: int = 0) -> dict:
    key = jax.random.key(seed)
    k1, k2, k3, k4, k5, k6 = jax.random.split(key, 6)
    x = jax.random.normal(k1, (N_NODES, IN_DIM), dtype=jnp.float32)
    edge_index = jax.random.randint(k2, (2, N_EDGES), 0, N_NODES, dtype=jnp.int64)
    # GCNConv weight (glorot) and bias
    W1 = jax.random.normal(k3, (IN_DIM, HIDDEN), dtype=jnp.float32) * (1.0 / np.sqrt(IN_DIM))
    b1 = jnp.zeros((HIDDEN,), dtype=jnp.float32)
    # Linear layer
    W2 = jax.random.normal(k4, (HIDDEN, OUT_DIM), dtype=jnp.float32) * (1.0 / np.sqrt(HIDDEN))
    b2 = jax.random.uniform(k5, (OUT_DIM,), dtype=jnp.float32, minval=-1.0/np.sqrt(HIDDEN), maxval=1.0/np.sqrt(HIDDEN))
    return {"x": x, "edge_index": edge_index, "W1": W1, "b1": b1, "W2": W2, "b2": b2}

def _gcn_conv(x, edge_index, W, b):
    N = x.shape[0]
    src = edge_index[0]
    dst = edge_index[1]
    # add self-loops (PyG GCNConv default)
    loop = jnp.arange(N, dtype=src.dtype)
    src = jnp.concatenate([src, loop], axis=0)
    dst = jnp.concatenate([dst, loop], axis=0)
    h = x @ W
    # symmetric normalization: deg computed on destination (col) with unit edge weights
    ones = jnp.ones(src.shape[0], dtype=h.dtype)
    deg = jnp.zeros((N,), dtype=h.dtype).at[dst].add(ones)
    deg_inv_sqrt = jnp.where(deg > 0, jax.lax.rsqrt(jnp.maximum(deg, 1e-12)), 0.0)
    norm = deg_inv_sqrt[src] * deg_inv_sqrt[dst]
    msg = h[src] * norm[:, None]
    out = jnp.zeros((N, h.shape[1]), dtype=h.dtype).at[dst].add(msg)
    return out + b

def reference(x, edge_index, W1, b1, W2, b2):
    x = x.astype(jnp.float32)
    h = _gcn_conv(x, edge_index, W1, b1)
    h = jax.nn.relu(h)
    # dropout is identity in eval mode (deterministic reference)
    h = h @ W2 + b2
    return jax.nn.log_softmax(h, axis=1)

if __name__ == "__main__":
    import jax
    _d = setup_inputs()
    print(jax.jit(kernel)(*tuple(_d.values())))

</pallas_src>

<mosaic_0001>
#map = affine_map<(d0, d1) -> (0, 0)>
#map1 = affine_map<(d0, d1) -> (0, 0, 0, 0)>
module attributes {stable_mosaic.version = 14 : i64} {
  func.func @_sc_scatter_body(%arg0: i32, %arg1: i32, %arg2: memref<10240x128xf32, #tpu.memory_space<hbm>>, %arg3: memref<32x2x40x125xi32, #tpu.memory_space<hbm>>, %arg4: memref<32x2x40x125xi32, #tpu.memory_space<hbm>>, %arg5: memref<20480x128xf32, #tpu.memory_space<hbm>>, %arg6: memref<10240x128xf32, #tpu.memory_space<vmem_shared>>, %arg7: memref<125x128xf32, #tpu.memory_space<vmem>>, %arg8: memref<125x128xf32, #tpu.memory_space<vmem>>, %arg9: memref<32x128xf32, #tpu.memory_space<vmem>>, %arg10: memref<40x125xi32, #tpu.memory_space<vmem>>, %arg11: memref<40x125xi32, #tpu.memory_space<vmem>>, %arg12: memref<!tpu.dma_semaphore, #tpu.memory_space<semaphore_mem>>, %arg13: memref<!tpu.dma_semaphore, #tpu.memory_space<semaphore_mem>>) attributes {dimension_semantics = [#tpu.dimension_semantics<core_parallel>, #tpu.dimension_semantics<subcore_parallel>], iteration_bounds = array<i64: 2, 16>, scalar_prefetch = 0 : i64, scratch_operands = 8 : i64, tpu.core_type = #tpu.core_type<sc_vector_subcore>, window_params = [{transform_indices = #map}, {transform_indices = #map1}, {transform_indices = #map1}, {transform_indices = #map}]} {
    %mul3A = arith.constant 2 : i32
    %mul3A_0 = arith.muli %arg1, %mul3A : i32
    %add3A = arith.addi %mul3A_0, %arg0 : i32
    %scan3A = arith.constant 0 : i32
    %scan3A_1 = arith.constant 0 : i32
    %scan3A_2 = arith.constant 32 : i32
    %scan3A_3 = arith.addi %scan3A_1, %scan3A_2 : i32
    %scan3A_4 = arith.constant 1 : i32
    %scan3A_5 = scf.for %scan3A_125 = %scan3A_1 to %scan3A_3 step %scan3A_4 iter_args(%scan3A_126 = %scan3A) -> (i32)  : i32 {
      %broadcast_in_dim3A = arith.constant 0.000000e+00 : f32
      %broadcast_in_dim3A_127 = vector.broadcast %broadcast_in_dim3A : f32 to vector<16xf32>
      %swap3A = arith.index_cast %scan3A_125 : i32 to index
      %swap3A_128 = arith.constant 0 : index
      %swap3A_129 = tpu.vector_load %arg9[%swap3A, %swap3A_128] {strides = array<i32>} : memref<32x128xf32, #tpu.memory_space<vmem>>, vector<1x16xf32>,
      %swap3A_130 = vector.shape_cast %swap3A_129 : vector<1x16xf32> to vector<16xf32>
      %swap3A_131 = vector.shape_cast %broadcast_in_dim3A_127 : vector<16xf32> to vector<1x16xf32>
      tpu.vector_store %arg9[%swap3A, %swap3A_128], %swap3A_131 {strides = array<i32>} : memref<32x128xf32, #tpu.memory_space<vmem>>, vector<1x16xf32>,
      %broadcast_in_dim3A_132 = arith.constant 0.000000e+00 : f32
      %broadcast_in_dim3A_133 = vector.broadcast %broadcast_in_dim3A_132 : f32 to vector<16xf32>
      %swap3A_134 = arith.index_cast %scan3A_125 : i32 to index
      %swap3A_135 = arith.constant 16 : index
      %swap3A_136 = tpu.vector_load %arg9[%swap3A_134, %swap3A_135] {strides = array<i32>} : memref<32x128xf32, #tpu.memory_space<vmem>>, vector<1x16xf32>,
      %swap3A_137 = vector.shape_cast %swap3A_136 : vector<1x16xf32> to vector<16xf32>
      %swap3A_138 = vector.shape_cast %broadcast_in_dim3A_133 : vector<16xf32> to vector<1x16xf32>
      tpu.vector_store %arg9[%swap3A_134, %swap3A_135], %swap3A_138 {strides = array<i32>} : memref<32x128xf32, #tpu.memory_space<vmem>>, vector<1x16xf32>,
      %broadcast_in_dim3A_139 = arith.constant 0.000000e+00 : f32
      %broadcast_in_dim3A_140 = vector.broadcast %broadcast_in_dim3A_139 : f32 to vector<16xf32>
      %swap3A_141 = arith.index_cast %scan3A_125 : i32 to index
      %swap3A_142 = arith.constant 32 : index
      %swap3A_143 = tpu.vector_load %arg9[%swap3A_141, %swap3A_142] {strides = array<i32>} : memref<32x128xf32, #tpu.memory_space<vmem>>, vector<1x16xf32>,
      %swap3A_144 = vector.shape_cast %swap3A_143 : vector<1x16xf32> to vector<16xf32>
      %swap3A_145 = vector.shape_cast %broadcast_in_dim3A_140 : vector<16xf32> to vector<1x16xf32>
      tpu.vector_store %arg9[%swap3A_141, %swap3A_142], %swap3A_145 {strides = array<i32>} : memref<32x128xf32, #tpu.memory_space<vmem>>, vector<1x16xf32>,
      %broadcast_in_dim3A_146 = arith.constant 0.000000e+00 : f32
      %broadcast_in_dim3A_147 = vector.broadcast %broadcast_in_dim3A_146 : f32 to vector<16xf32>
      %swap3A_148 = arith.index_cast %scan3A_125 : i32 to index
      %swap3A_149 = arith.constant 48 : index
      %swap3A_150 = tpu.vector_load %arg9[%swap3A_148, %swap3A_149] {strides = array<i32>} : memref<32x128xf32, #tpu.memory_space<vmem>>, vector<1x16xf32>,
      %swap3A_151 = vector.shape_cast %swap3A_150 : vector<1x16xf32> to vector<16xf32>
      %swap3A_152 = vector.shape_cast %broadcast_in_dim3A_147 : vector<16xf32> to vector<1x16xf32>
      tpu.vector_store %arg9[%swap3A_148, %swap3A_149], %swap3A_152 {strides = array<i32>} : memref<32x128xf32, #tpu.memory_space<vmem>>, vector<1x16xf32>,
      %broadcast_in_dim3A_153 = arith.constant 0.000000e+00 : f32
      %broadcast_in_dim3A_154 = vector.broadcast %broadcast_in_dim3A_153 : f32 to vector<16xf32>
      %swap3A_155 = arith.index_cast %scan3A_125 : i32 to index
      %swap3A_156 = arith.constant 64 : index
      %swap3A_157 = tpu.vector_load %arg9[%swap3A_155, %swap3A_156] {strides = array<i32>} : memref<32x128xf32, #tpu.memory_space<vmem>>, vector<1x16xf32>,
      %swap3A_158 = vector.shape_cast %swap3A_157 : vector<1x16xf32> to vector<16xf32>
      %swap3A_159 = vector.shape_cast %broadcast_in_dim3A_154 : vector<16xf32> to vector<1x16xf32>
      tpu.vector_store %arg9[%swap3A_155, %swap3A_156], %swap3A_159 {strides = array<i32>} : memref<32x128xf32, #tpu.memory_space<vmem>>, vector<1x16xf32>,
      %broadcast_in_dim3A_160 = arith.constant 0.000000e+00 : f32
      %broadcast_in_dim3A_161 = vector.broadcast %broadcast_in_dim3A_160 : f32 to vector<16xf32>
      %swap3A_162 = arith.index_cast %scan3A_125 : i32 to index
      %swap3A_163 = arith.constant 80 : index
      %swap3A_164 = tpu.vector_load %arg9[%swap3A_162, %swap3A_163] {strides = array<i32>} : memref<32x128xf32, #tpu.memory_space<vmem>>, vector<1x16xf32>,
      %swap3A_165 = vector.shape_cast %swap3A_164 : vector<1x16xf32> to vector<16xf32>
      %swap3A_166 = vector.shape_cast %broadcast_in_dim3A_161 : vector<16xf32> to vector<1x16xf32>
      tpu.vector_store %arg9[%swap3A_162, %swap3A_163], %swap3A_166 {strides = array<i32>} : memref<32x128xf32, #tpu.memory_space<vmem>>, vector<1x16xf32>,
      %broadcast_in_dim3A_167 = arith.constant 0.000000e+00 : f32
      %broadcast_in_dim3A_168 = vector.broadcast %broadcast_in_dim3A_167 : f32 to vector<16xf32>
      %swap3A_169 = arith.index_cast %scan3A_125 : i32 to index
      %swap3A_170 = arith.constant 96 : index
      %swap3A_171 = tpu.vector_load %arg9[%swap3A_169, %swap3A_170] {strides = array<i32>} : memref<32x128xf32, #tpu.memory_space<vmem>>, vector<1x16xf32>,
      %swap3A_172 = vector.shape_cast %swap3A_171 : vector<1x16xf32> to vector<16xf32>
      %swap3A_173 = vector.shape_cast %broadcast_in_dim3A_168 : vector<16xf32> to vector<1x16xf32>
      tpu.vector_store %arg9[%swap3A_169, %swap3A_170], %swap3A_173 {strides = array<i32>} : memref<32x128xf32, #tpu.memory_space<vmem>>, vector<1x16xf32>,
      %broadcast_in_dim3A_174 = arith.constant 0.000000e+00 : f32
      %broadcast_in_dim3A_175 = vector.broadcast %broadcast_in_dim3A_174 : f32 to vector<16xf32>
      %swap3A_176 = arith.index_cast %scan3A_125 : i32 to index
      %swap3A_177 = arith.constant 112 : index
      %swap3A_178 = tpu.vector_load %arg9[%swap3A_176, %swap3A_177] {strides = array<i32>} : memref<32x128xf32, #tpu.memory_space<vmem>>, vector<1x16xf32>,
      %swap3A_179 = vector.shape_cast %swap3A_178 : vector<1x16xf32> to vector<16xf32>
      %swap3A_180 = vector.shape_cast %broadcast_in_dim3A_175 : vector<16xf32> to vector<1x16xf32>
      tpu.vector_store %arg9[%swap3A_176, %swap3A_177], %swap3A_180 {strides = array<i32>} : memref<32x128xf32, #tpu.memory_space<vmem>>, vector<1x16xf32>,
      %scan3A_181 = arith.constant 0 : i32
      scf.yield %scan3A_181 : i32
    }
    %scan3A_6 = arith.constant 32 : i32
    %mul3A_7 = arith.constant 640 : i32
    %mul3A_8 = arith.muli %arg1, %mul3A_7 : i32
    %add3A_9 = arith.constant 0 : i32
    %add3A_10 = arith.addi %mul3A_8, %add3A_9 : i32
    "tpu.region"() ({
      %run_scoped3A_125 = tpu.sem_alloc : memref<!tpu.dma_semaphore, #tpu.memory_space<semaphore_mem>>
      %dma_start3A_126 = arith.constant 0 : i32
      %dma_start3A_127 = tpu.memref_slice %arg6[%add3A_10, %dma_start3A_126] : memref<10240x128xf32, #tpu.memory_space<vmem_shared>> -> memref<32x128xf32, #tpu.memory_space<vmem_shared>>
      %dma_start3A_128 = arith.constant 0 : i32
      %dma_start3A_129 = tpu.memref_slice %arg6[%add3A_10, %dma_start3A_128] : memref<10240x128xf32, #tpu.memory_space<vmem_shared>> -> memref<32x128xf32, #tpu.memory_space<vmem_shared>>
      tpu.enqueue_dma source(%arg9 : memref<32x128xf32, #tpu.memory_space<vmem>>) target(%dma_start3A_129 : memref<32x128xf32, #tpu.memory_space<vmem_shared>>) target_semaphore(%run_scoped3A_125 : memref<!tpu.dma_semaphore, #tpu.memory_space<semaphore_mem>>)
      %dma_wait3A = arith.constant 0 : i32
      %dma_wait3A_130 = tpu.memref_slice %arg6[%add3A_10, %dma_wait3A] : memref<10240x128xf32, #tpu.memory_space<vmem_shared>> -> memref<32x128xf32, #tpu.memory_space<vmem_shared>>
      %dma_wait3A_131 = arith.constant 0 : i32
      %dma_wait3A_132 = tpu.memref_slice %arg6[%add3A_10, %dma_wait3A_131] : memref<10240x128xf32, #tpu.memory_space<vmem_shared>> -> memref<32x128xf32, #tpu.memory_space<vmem_shared>>
      tpu.wait_dma2 semaphore(%run_scoped3A_125 : memref<!tpu.dma_semaphore, #tpu.memory_space<semaphore_mem>>) src(%arg9 : memref<32x128xf32, #tpu.memory_space<vmem>>) dst(%dma_wait3A_132 : memref<32x128xf32, #tpu.memory_space<vmem_shared>>)
      tpu.yield
    }) : () -> ()
    %mul3A_11 = arith.constant 640 : i32
    %mul3A_12 = arith.muli %arg1, %mul3A_11 : i32
    %add3A_13 = arith.constant 32 : i32
    %add3A_14 = arith.addi %mul3A_12, %add3A_13 : i32
    "tpu.region"() ({
      %run_scoped3A_125 = tpu.sem_alloc : memref<!tpu.dma_semaphore, #tpu.memory_space<semaphore_mem>>
      %dma_start3A_126 = arith.constant 0 : i32
      %dma_start3A_127 = tpu.memref_slice %arg6[%add3A_14, %dma_start3A_126] : memref<10240x128xf32, #tpu.memory_space<vmem_shared>> -> memref<32x128xf32, #tpu.memory_space<vmem_shared>>
      %dma_start3A_128 = arith.constant 0 : i32
      %dma_start3A_129 = tpu.memref_slice %arg6[%add3A_14, %dma_start3A_128] : memref<10240x128xf32, #tpu.memory_space<vmem_shared>> -> memref<32x128xf32, #tpu.memory_space<vmem_shared>>
      tpu.enqueue_dma source(%arg9 : memref<32x128xf32, #tpu.memory_space<vmem>>) target(%dma_start3A_129 : memref<32x128xf32, #tpu.memory_space<vmem_shared>>) target_semaphore(%run_scoped3A_125 : memref<!tpu.dma_semaphore, #tpu.memory_space<semaphore_mem>>)
      %dma_wait3A = arith.constant 0 : i32
      %dma_wait3A_130 = tpu.memref_slice %arg6[%add3A_14, %dma_wait3A] : memref<10240x128xf32, #tpu.memory_space<vmem_shared>> -> memref<32x128xf32, #tpu.memory_space<vmem_shared>>
      %dma_wait3A_131 = arith.constant 0 : i32
      %dma_wait3A_132 = tpu.memref_slice %arg6[%add3A_14, %dma_wait3A_131] : memref<10240x128xf32, #tpu.memory_space<vmem_shared>> -> memref<32x128xf32, #tpu.memory_space<vmem_shared>>
      tpu.wait_dma2 semaphore(%run_scoped3A_125 : memref<!tpu.dma_semaphore, #tpu.memory_space<semaphore_mem>>) src(%arg9 : memref<32x128xf32, #tpu.memory_space<vmem>>) dst(%dma_wait3A_132 : memref<32x128xf32, #tpu.memory_space<vmem_shared>>)
      tpu.yield
    }) : () -> ()
    %mul3A_15 = arith.constant 640 : i32
    %mul3A_16 = arith.muli %arg1, %mul3A_15 : i32
    %add3A_17 = arith.constant 64 : i32
    %add3A_18 = arith.addi %mul3A_16, %add3A_17 : i32
    "tpu.region"() ({
      %run_scoped3A_125 = tpu.sem_alloc : memref<!tpu.dma_semaphore, #tpu.memory_space<semaphore_mem>>
      %dma_start3A_126 = arith.constant 0 : i32
      %dma_start3A_127 = tpu.memref_slice %arg6[%add3A_18, %dma_start3A_126] : memref<10240x128xf32, #tpu.memory_space<vmem_shared>> -> memref<32x128xf32, #tpu.memory_space<vmem_shared>>
      %dma_start3A_128 = arith.constant 0 : i32
      %dma_start3A_129 = tpu.memref_slice %arg6[%add3A_18, %dma_start3A_128] : memref<10240x128xf32, #tpu.memory_space<vmem_shared>> -> memref<32x128xf32, #tpu.memory_space<vmem_shared>>
      tpu.enqueue_dma source(%arg9 : memref<32x128xf32, #tpu.memory_space<vmem>>) target(%dma_start3A_129 : memref<32x128xf32, #tpu.memory_space<vmem_shared>>) target_semaphore(%run_scoped3A_125 : memref<!tpu.dma_semaphore, #tpu.memory_space<semaphore_mem>>)
      %dma_wait3A = arith.constant 0 : i32
      %dma_wait3A_130 = tpu.memref_slice %arg6[%add3A_18, %dma_wait3A] : memref<10240x128xf32, #tpu.memory_space<vmem_shared>> -> memref<32x128xf32, #tpu.memory_space<vmem_shared>>
      %dma_wait3A_131 = arith.constant 0 : i32
      %dma_wait3A_132 = tpu.memref_slice %arg6[%add3A_18, %dma_wait3A_131] : memref<10240x128xf32, #tpu.memory_space<vmem_shared>> -> memref<32x128xf32, #tpu.memory_space<vmem_shared>>
      tpu.wait_dma2 semaphore(%run_scoped3A_125 : memref<!tpu.dma_semaphore, #tpu.memory_space<semaphore_mem>>) src(%arg9 : memref<32x128xf32, #tpu.memory_space<vmem>>) dst(%dma_wait3A_132 : memref<32x128xf32, #tpu.memory_space<vmem_shared>>)
      tpu.yield
    }) : () -> ()
    %mul3A_19 = arith.constant 640 : i32
    %mul3A_20 = arith.muli %arg1, %mul3A_19 : i32
    %add3A_21 = arith.constant 96 : i32
    %add3A_22 = arith.addi %mul3A_20, %add3A_21 : i32
    "tpu.region"() ({
      %run_scoped3A_125 = tpu.sem_alloc : memref<!tpu.dma_semaphore, #tpu.memory_space<semaphore_mem>>
      %dma_start3A_126 = arith.constant 0 : i32
      %dma_start3A_127 = tpu.memref_slice %arg6[%add3A_22, %dma_start3A_126] : memref<10240x128xf32, #tpu.memory_space<vmem_shared>> -> memref<32x128xf32, #tpu.memory_space<vmem_shared>>
      %dma_start3A_128 = arith.constant 0 : i32
      %dma_start3A_129 = tpu.memref_slice %arg6[%add3A_22, %dma_start3A_128] : memref<10240x128xf32, #tpu.memory_space<vmem_shared>> -> memref<32x128xf32, #tpu.memory_space<vmem_shared>>
      tpu.enqueue_dma source(%arg9 : memref<32x128xf32, #tpu.memory_space<vmem>>) target(%dma_start3A_129 : memref<32x128xf32, #tpu.memory_space<vmem_shared>>) target_semaphore(%run_scoped3A_125 : memref<!tpu.dma_semaphore, #tpu.memory_space<semaphore_mem>>)
      %dma_wait3A = arith.constant 0 : i32
      %dma_wait3A_130 = tpu.memref_slice %arg6[%add3A_22, %dma_wait3A] : memref<10240x128xf32, #tpu.memory_space<vmem_shared>> -> memref<32x128xf32, #tpu.memory_space<vmem_shared>>
      %dma_wait3A_131 = arith.constant 0 : i32
      %dma_wait3A_132 = tpu.memref_slice %arg6[%add3A_22, %dma_wait3A_131] : memref<10240x128xf32, #tpu.memory_space<vmem_shared>> -> memref<32x128xf32, #tpu.memory_space<vmem_shared>>
      tpu.wait_dma2 semaphore(%run_scoped3A_125 : memref<!tpu.dma_semaphore, #tpu.memory_space<semaphore_mem>>) src(%arg9 : memref<32x128xf32, #tpu.memory_space<vmem>>) dst(%dma_wait3A_132 : memref<32x128xf32, #tpu.memory_space<vmem_shared>>)
      tpu.yield
    }) : () -> ()
    %mul3A_23 = arith.constant 640 : i32
    %mul3A_24 = arith.muli %arg1, %mul3A_23 : i32
    %add3A_25 = arith.constant 128 : i32
    %add3A_26 = arith.addi %mul3A_24, %add3A_25 : i32
    "tpu.region"() ({
      %run_scoped3A_125 = tpu.sem_alloc : memref<!tpu.dma_semaphore, #tpu.memory_space<semaphore_mem>>
      %dma_start3A_126 = arith.constant 0 : i32
      %dma_start3A_127 = tpu.memref_slice %arg6[%add3A_26, %dma_start3A_126] : memref<10240x128xf32, #tpu.memory_space<vmem_shared>> -> memref<32x128xf32, #tpu.memory_space<vmem_shared>>
      %dma_start3A_128 = arith.constant 0 : i32
      %dma_start3A_129 = tpu.memref_slice %arg6[%add3A_26, %dma_start3A_128] : memref<10240x128xf32, #tpu.memory_space<vmem_shared>> -> memref<32x128xf32, #tpu.memory_space<vmem_shared>>
      tpu.enqueue_dma source(%arg9 : memref<32x128xf32, #tpu.memory_space<vmem>>) target(%dma_start3A_129 : memref<32x128xf32, #tpu.memory_space<vmem_shared>>) target_semaphore(%run_scoped3A_125 : memref<!tpu.dma_semaphore, #tpu.memory_space<semaphore_mem>>)
      %dma_wait3A = arith.constant 0 : i32
      %dma_wait3A_130 = tpu.memref_slice %arg6[%add3A_26, %dma_wait3A] : memref<10240x128xf32, #tpu.memory_space<vmem_shared>> -> memref<32x128xf32, #tpu.memory_space<vmem_shared>>
      %dma_wait3A_131 = arith.constant 0 : i32
      %dma_wait3A_132 = tpu.memref_slice %arg6[%add3A_26, %dma_wait3A_131] : memref<10240x128xf32, #tpu.memory_space<vmem_shared>> -> memref<32x128xf32, #tpu.memory_space<vmem_shared>>
      tpu.wait_dma2 semaphore(%run_scoped3A_125 : memref<!tpu.dma_semaphore, #tpu.memory_space<semaphore_mem>>) src(%arg9 : memref<32x128xf32, #tpu.memory_space<vmem>>) dst(%dma_wait3A_132 : memref<32x128xf32, #tpu.memory_space<vmem_shared>>)
      tpu.yield
    }) : () -> ()
    %mul3A_27 = arith.constant 640 : i32
    %mul3A_28 = arith.muli %arg1, %mul3A_27 : i32
    %add3A_29 = arith.constant 160 : i32
    %add3A_30 = arith.addi %mul3A_28, %add3A_29 : i32
    "tpu.region"() ({
      %run_scoped3A_125 = tpu.sem_alloc : memref<!tpu.dma_semaphore, #tpu.memory_space<semaphore_mem>>
      %dma_start3A_126 = arith.constant 0 : i32
      %dma_start3A_127 = tpu.memref_slice %arg6[%add3A_30, %dma_start3A_126] : memref<10240x128xf32, #tpu.memory_space<vmem_shared>> -> memref<32x128xf32, #tpu.memory_space<vmem_shared>>
      %dma_start3A_128 = arith.constant 0 : i32
      %dma_start3A_129 = tpu.memref_slice %arg6[%add3A_30, %dma_start3A_128] : memref<10240x128xf32, #tpu.memory_space<vmem_shared>> -> memref<32x128xf32, #tpu.memory_space<vmem_shared>>
      tpu.enqueue_dma source(%arg9 : memref<32x128xf32, #tpu.memory_space<vmem>>) target(%dma_start3A_129 : memref<32x128xf32, #tpu.memory_space<vmem_shared>>) target_semaphore(%run_scoped3A_125 : memref<!tpu.dma_semaphore, #tpu.memory_space<semaphore_mem>>)
      %dma_wait3A = arith.constant 0 : i32
      %dma_wait3A_130 = tpu.memref_slice %arg6[%add3A_30, %dma_wait3A] : memref<10240x128xf32, #tpu.memory_space<vmem_shared>> -> memref<32x128xf32, #tpu.memory_space<vmem_shared>>
      %dma_wait3A_131 = arith.constant 0 : i32
      %dma_wait3A_132 = tpu.memref_slice %arg6[%add3A_30, %dma_wait3A_131] : memref<10240x128xf32, #tpu.memory_space<vmem_shared>> -> memref<32x128xf32, #tpu.memory_space<vmem_shared>>
      tpu.wait_dma2 semaphore(%run_scoped3A_125 : memref<!tpu.dma_semaphore, #tpu.memory_space<semaphore_mem>>) src(%arg9 : memref<32x128xf32, #tpu.memory_space<vmem>>) dst(%dma_wait3A_132 : memref<32x128xf32, #tpu.memory_space<vmem_shared>>)
      tpu.yield
    }) : () -> ()
    %mul3A_31 = arith.constant 640 : i32
    %mul3A_32 = arith.muli %arg1, %mul3A_31 : i32
    %add3A_33 = arith.constant 192 : i32
    %add3A_34 = arith.addi %mul3A_32, %add3A_33 : i32
    "tpu.region"() ({
      %run_scoped3A_125 = tpu.sem_alloc : memref<!tpu.dma_semaphore, #tpu.memory_space<semaphore_mem>>
      %dma_start3A_126 = arith.constant 0 : i32
      %dma_start3A_127 = tpu.memref_slice %arg6[%add3A_34, %dma_start3A_126] : memref<10240x128xf32, #tpu.memory_space<vmem_shared>> -> memref<32x128xf32, #tpu.memory_space<vmem_shared>>
      %dma_start3A_128 = arith.constant 0 : i32
      %dma_start3A_129 = tpu.memref_slice %arg6[%add3A_34, %dma_start3A_128] : memref<10240x128xf32, #tpu.memory_space<vmem_shared>> -> memref<32x128xf32, #tpu.memory_space<vmem_shared>>
      tpu.enqueue_dma source(%arg9 : memref<32x128xf32, #tpu.memory_space<vmem>>) target(%dma_start3A_129 : memref<32x128xf32, #tpu.memory_space<vmem_shared>>) target_semaphore(%run_scoped3A_125 : memref<!tpu.dma_semaphore, #tpu.memory_space<semaphore_mem>>)
      %dma_wait3A = arith.constant 0 : i32
      %dma_wait3A_130 = tpu.memref_slice %arg6[%add3A_34, %dma_wait3A] : memref<10240x128xf32, #tpu.memory_space<vmem_shared>> -> memref<32x128xf32, #tpu.memory_space<vmem_shared>>
      %dma_wait3A_131 = arith.constant 0 : i32
      %dma_wait3A_132 = tpu.memref_slice %arg6[%add3A_34, %dma_wait3A_131] : memref<10240x128xf32, #tpu.memory_space<vmem_shared>> -> memref<32x128xf32, #tpu.memory_space<vmem_shared>>
      tpu.wait_dma2 semaphore(%run_scoped3A_125 : memref<!tpu.dma_semaphore, #tpu.memory_space<semaphore_mem>>) src(%arg9 : memref<32x128xf32, #tpu.memory_space<vmem>>) dst(%dma_wait3A_132 : memref<32x128xf32, #tpu.memory_space<vmem_shared>>)
      tpu.yield
    }) : () -> ()
    %mul3A_35 = arith.constant 640 : i32
    %mul3A_36 = arith.muli %arg1, %mul3A_35 : i32
    %add3A_37 = arith.constant 224 : i32
    %add3A_38 = arith.addi %mul3A_36, %add3A_37 : i32
    "tpu.region"() ({
      %run_scoped3A_125 = tpu.sem_alloc : memref<!tpu.dma_semaphore, #tpu.memory_space<semaphore_mem>>
      %dma_start3A_126 = arith.constant 0 : i32
      %dma_start3A_127 = tpu.memref_slice %arg6[%add3A_38, %dma_start3A_126] : memref<10240x128xf32, #tpu.memory_space<vmem_shared>> -> memref<32x128xf32, #tpu.memory_space<vmem_shared>>
      %dma_start3A_128 = arith.constant 0 : i32
      %dma_start3A_129 = tpu.memref_slice %arg6[%add3A_38, %dma_start3A_128] : memref<10240x128xf32, #tpu.memory_space<vmem_shared>> -> memref<32x128xf32, #tpu.memory_space<vmem_shared>>
      tpu.enqueue_dma source(%arg9 : memref<32x128xf32, #tpu.memory_space<vmem>>) target(%dma_start3A_129 : memref<32x128xf32, #tpu.memory_space<vmem_shared>>) target_semaphore(%run_scoped3A_125 : memref<!tpu.dma_semaphore, #tpu.memory_space<semaphore_mem>>)
      %dma_wait3A = arith.constant 0 : i32
      %dma_wait3A_130 = tpu.memref_slice %arg6[%add3A_38, %dma_wait3A] : memref<10240x128xf32, #tpu.memory_space<vmem_shared>> -> memref<32x128xf32, #tpu.memory_space<vmem_shared>>
      %dma_wait3A_131 = arith.constant 0 : i32
      %dma_wait3A_132 = tpu.memref_slice %arg6[%add3A_38, %dma_wait3A_131] : memref<10240x128xf32, #tpu.memory_space<vmem_shared>> -> memref<32x128xf32, #tpu.memory_space<vmem_shared>>
      tpu.wait_dma2 semaphore(%run_scoped3A_125 : memref<!tpu.dma_semaphore, #tpu.memory_space<semaphore_mem>>) src(%arg9 : memref<32x128xf32, #tpu.memory_space<vmem>>) dst(%dma_wait3A_132 : memref<32x128xf32, #tpu.memory_space<vmem_shared>>)
      tpu.yield
    }) : () -> ()
    %mul3A_39 = arith.constant 640 : i32
    %mul3A_40 = arith.muli %arg1, %mul3A_39 : i32
    %add3A_41 = arith.constant 256 : i32
    %add3A_42 = arith.addi %mul3A_40, %add3A_41 : i32
    "tpu.region"() ({
      %run_scoped3A_125 = tpu.sem_alloc : memref<!tpu.dma_semaphore, #tpu.memory_space<semaphore_mem>>
      %dma_start3A_126 = arith.constant 0 : i32
      %dma_start3A_127 = tpu.memref_slice %arg6[%add3A_42, %dma_start3A_126] : memref<10240x128xf32, #tpu.memory_space<vmem_shared>> -> memref<32x128xf32, #tpu.memory_space<vmem_shared>>
      %dma_start3A_128 = arith.constant 0 : i32
      %dma_start3A_129 = tpu.memref_slice %arg6[%add3A_42, %dma_start3A_128] : memref<10240x128xf32, #tpu.memory_space<vmem_shared>> -> memref<32x128xf32, #tpu.memory_space<vmem_shared>>
      tpu.enqueue_dma source(%arg9 : memref<32x128xf32, #tpu.memory_space<vmem>>) target(%dma_start3A_129 : memref<32x128xf32, #tpu.memory_space<vmem_shared>>) target_semaphore(%run_scoped3A_125 : memref<!tpu.dma_semaphore, #tpu.memory_space<semaphore_mem>>)
      %dma_wait3A = arith.constant 0 : i32
      %dma_wait3A_130 = tpu.memref_slice %arg6[%add3A_42, %dma_wait3A] : memref<10240x128xf32, #tpu.memory_space<vmem_shared>> -> memref<32x128xf32, #tpu.memory_space<vmem_shared>>
      %dma_wait3A_131 = arith.constant 0 : i32
      %dma_wait3A_132 = tpu.memref_slice %arg6[%add3A_42, %dma_wait3A_131] : memref<10240x128xf32, #tpu.memory_space<vmem_shared>> -> memref<32x128xf32, #tpu.memory_space<vmem_shared>>
      tpu.wait_dma2 semaphore(%run_scoped3A_125 : memref<!tpu.dma_semaphore, #tpu.memory_space<semaphore_mem>>) src(%arg9 : memref<32x128xf32, #tpu.memory_space<vmem>>) dst(%dma_wait3A_132 : memref<32x128xf32, #tpu.memory_space<vmem_shared>>)
      tpu.yield
    }) : () -> ()
    %mul3A_43 = arith.constant 640 : i32
    %mul3A_44 = arith.muli %arg1, %mul3A_43 : i32
    %add3A_45 = arith.constant 288 : i32
    %add3A_46 = arith.addi %mul3A_44, %add3A_45 : i32
    "tpu.region"() ({
      %run_scoped3A_125 = tpu.sem_alloc : memref<!tpu.dma_semaphore, #tpu.memory_space<semaphore_mem>>
      %dma_start3A_126 = arith.constant 0 : i32
      %dma_start3A_127 = tpu.memref_slice %arg6[%add3A_46, %dma_start3A_126] : memref<10240x128xf32, #tpu.memory_space<vmem_shared>> -> memref<32x128xf32, #tpu.memory_space<vmem_shared>>
      %dma_start3A_128 = arith.constant 0 : i32
      %dma_start3A_129 = tpu.memref_slice %arg6[%add3A_46, %dma_start3A_128] : memref<10240x128xf32, #tpu.memory_space<vmem_shared>> -> memref<32x128xf32, #tpu.memory_space<vmem_shared>>
      tpu.enqueue_dma source(%arg9 : memref<32x128xf32, #tpu.memory_space<vmem>>) target(%dma_start3A_129 : memref<32x128xf32, #tpu.memory_space<vmem_shared>>) target_semaphore(%run_scoped3A_125 : memref<!tpu.dma_semaphore, #tpu.memory_space<semaphore_mem>>)
      %dma_wait3A = arith.constant 0 : i32
      %dma_wait3A_130 = tpu.memref_slice %arg6[%add3A_46, %dma_wait3A] : memref<10240x128xf32, #tpu.memory_space<vmem_shared>> -> memref<32x128xf32, #tpu.memory_space<vmem_shared>>
      %dma_wait3A_131 = arith.constant 0 : i32
      %dma_wait3A_132 = tpu.memref_slice %arg6[%add3A_46, %dma_wait3A_131] : memref<10240x128xf32, #tpu.memory_space<vmem_shared>> -> memref<32x128xf32, #tpu.memory_space<vmem_shared>>
      tpu.wait_dma2 semaphore(%run_scoped3A_125 : memref<!tpu.dma_semaphore, #tpu.memory_space<semaphore_mem>>) src(%arg9 : memref<32x128xf32, #tpu.memory_space<vmem>>) dst(%dma_wait3A_132 : memref<32x128xf32, #tpu.memory_space<vmem_shared>>)
      tpu.yield
    }) : () -> ()
    %mul3A_47 = arith.constant 640 : i32
    %mul3A_48 = arith.muli %arg1, %mul3A_47 : i32
    %add3A_49 = arith.constant 320 : i32
    %add3A_50 = arith.addi %mul3A_48, %add3A_49 : i32
    "tpu.region"() ({
      %run_scoped3A_125 = tpu.sem_alloc : memref<!tpu.dma_semaphore, #tpu.memory_space<semaphore_mem>>
      %dma_start3A_126 = arith.constant 0 : i32
      %dma_start3A_127 = tpu.memref_slice %arg6[%add3A_50, %dma_start3A_126] : memref<10240x128xf32, #tpu.memory_space<vmem_shared>> -> memref<32x128xf32, #tpu.memory_space<vmem_shared>>
      %dma_start3A_128 = arith.constant 0 : i32
      %dma_start3A_129 = tpu.memref_slice %arg6[%add3A_50, %dma_start3A_128] : memref<10240x128xf32, #tpu.memory_space<vmem_shared>> -> memref<32x128xf32, #tpu.memory_space<vmem_shared>>
      tpu.enqueue_dma source(%arg9 : memref<32x128xf32, #tpu.memory_space<vmem>>) target(%dma_start3A_129 : memref<32x128xf32, #tpu.memory_space<vmem_shared>>) target_semaphore(%run_scoped3A_125 : memref<!tpu.dma_semaphore, #tpu.memory_space<semaphore_mem>>)
      %dma_wait3A = arith.constant 0 : i32
      %dma_wait3A_130 = tpu.memref_slice %arg6[%add3A_50, %dma_wait3A] : memref<10240x128xf32, #tpu.memory_space<vmem_shared>> -> memref<32x128xf32, #tpu.memory_space<vmem_shared>>
      %dma_wait3A_131 = arith.constant 0 : i32
      %dma_wait3A_132 = tpu.memref_slice %arg6[%add3A_50, %dma_wait3A_131] : memref<10240x128xf32, #tpu.memory_space<vmem_shared>> -> memref<32x128xf32, #tpu.memory_space<vmem_shared>>
      tpu.wait_dma2 semaphore(%run_scoped3A_125 : memref<!tpu.dma_semaphore, #tpu.memory_space<semaphore_mem>>) src(%arg9 : memref<32x128xf32, #tpu.memory_space<vmem>>) dst(%dma_wait3A_132 : memref<32x128xf32, #tpu.memory_space<vmem_shared>>)
      tpu.yield
    }) : () -> ()
    %mul3A_51 = arith.constant 640 : i32
    %mul3A_52 = arith.muli %arg1, %mul3A_51 : i32
    %add3A_53 = arith.constant 352 : i32
    %add3A_54 = arith.addi %mul3A_52, %add3A_53 : i32
    "tpu.region"() ({
      %run_scoped3A_125 = tpu.sem_alloc : memref<!tpu.dma_semaphore, #tpu.memory_space<semaphore_mem>>
      %dma_start3A_126 = arith.constant 0 : i32
      %dma_start3A_127 = tpu.memref_slice %arg6[%add3A_54, %dma_start3A_126] : memref<10240x128xf32, #tpu.memory_space<vmem_shared>> -> memref<32x128xf32, #tpu.memory_space<vmem_shared>>
      %dma_start3A_128 = arith.constant 0 : i32
      %dma_start3A_129 = tpu.memref_slice %arg6[%add3A_54, %dma_start3A_128] : memref<10240x128xf32, #tpu.memory_space<vmem_shared>> -> memref<32x128xf32, #tpu.memory_space<vmem_shared>>
      tpu.enqueue_dma source(%arg9 : memref<32x128xf32, #tpu.memory_space<vmem>>) target(%dma_start3A_129 : memref<32x128xf32, #tpu.memory_space<vmem_shared>>) target_semaphore(%run_scoped3A_125 : memref<!tpu.dma_semaphore, #tpu.memory_space<semaphore_mem>>)
      %dma_wait3A = arith.constant 0 : i32
      %dma_wait3A_130 = tpu.memref_slice %arg6[%add3A_54, %dma_wait3A] : memref<10240x128xf32, #tpu.memory_space<vmem_shared>> -> memref<32x128xf32, #tpu.memory_space<vmem_shared>>
      %dma_wait3A_131 = arith.constant 0 : i32
      %dma_wait3A_132 = tpu.memref_slice %arg6[%add3A_54, %dma_wait3A_131] : memref<10240x128xf32, #tpu.memory_space<vmem_shared>> -> memref<32x128xf32, #tpu.memory_space<vmem_shared>>
      tpu.wait_dma2 semaphore(%run_scoped3A_125 : memref<!tpu.dma_semaphore, #tpu.memory_space<semaphore_mem>>) src(%arg9 : memref<32x128xf32, #tpu.memory_space<vmem>>) dst(%dma_wait3A_132 : memref<32x128xf32, #tpu.memory_space<vmem_shared>>)
      tpu.yield
    }) : () -> ()
    %mul3A_55 = arith.constant 640 : i32
    %mul3A_56 = arith.muli %arg1, %mul3A_55 : i32
    %add3A_57 = arith.constant 384 : i32
    %add3A_58 = arith.addi %mul3A_56, %add3A_57 : i32
    "tpu.region"() ({
      %run_scoped3A_125 = tpu.sem_alloc : memref<!tpu.dma_semaphore, #tpu.memory_space<semaphore_mem>>
      %dma_start3A_126 = arith.constant 0 : i32
      %dma_start3A_127 = tpu.memref_slice %arg6[%add3A_58, %dma_start3A_126] : memref<10240x128xf32, #tpu.memory_space<vmem_shared>> -> memref<32x128xf32, #tpu.memory_space<vmem_shared>>
      %dma_start3A_128 = arith.constant 0 : i32
      %dma_start3A_129 = tpu.memref_slice %arg6[%add3A_58, %dma_start3A_128] : memref<10240x128xf32, #tpu.memory_space<vmem_shared>> -> memref<32x128xf32, #tpu.memory_space<vmem_shared>>
      tpu.enqueue_dma source(%arg9 : memref<32x128xf32, #tpu.memory_space<vmem>>) target(%dma_start3A_129 : memref<32x128xf32, #tpu.memory_space<vmem_shared>>) target_semaphore(%run_scoped3A_125 : memref<!tpu.dma_semaphore, #tpu.memory_space<semaphore_mem>>)
      %dma_wait3A = arith.constant 0 : i32
      %dma_wait3A_130 = tpu.memref_slice %arg6[%add3A_58, %dma_wait3A] : memref<10240x128xf32, #tpu.memory_space<vmem_shared>> -> memref<32x128xf32, #tpu.memory_space<vmem_shared>>
      %dma_wait3A_131 = arith.constant 0 : i32
      %dma_wait3A_132 = tpu.memref_slice %arg6[%add3A_58, %dma_wait3A_131] : memref<10240x128xf32, #tpu.memory_space<vmem_shared>> -> memref<32x128xf32, #tpu.memory_space<vmem_shared>>
      tpu.wait_dma2 semaphore(%run_scoped3A_125 : memref<!tpu.dma_semaphore, #tpu.memory_space<semaphore_mem>>) src(%arg9 : memref<32x128xf32, #tpu.memory_space<vmem>>) dst(%dma_wait3A_132 : memref<32x128xf32, #tpu.memory_space<vmem_shared>>)
      tpu.yield
    }) : () -> ()
    %mul3A_59 = arith.constant 640 : i32
    %mul3A_60 = arith.muli %arg1, %mul3A_59 : i32
    %add3A_61 = arith.constant 416 : i32
    %add3A_62 = arith.addi %mul3A_60, %add3A_61 : i32
    "tpu.region"() ({
      %run_scoped3A_125 = tpu.sem_alloc : memref<!tpu.dma_semaphore, #tpu.memory_space<semaphore_mem>>
      %dma_start3A_126 = arith.constant 0 : i32
      %dma_start3A_127 = tpu.memref_slice %arg6[%add3A_62, %dma_start3A_126] : memref<10240x128xf32, #tpu.memory_space<vmem_shared>> -> memref<32x128xf32, #tpu.memory_space<vmem_shared>>
      %dma_start3A_128 = arith.constant 0 : i32
      %dma_start3A_129 = tpu.memref_slice %arg6[%add3A_62, %dma_start3A_128] : memref<10240x128xf32, #tpu.memory_space<vmem_shared>> -> memref<32x128xf32, #tpu.memory_space<vmem_shared>>
      tpu.enqueue_dma source(%arg9 : memref<32x128xf32, #tpu.memory_space<vmem>>) target(%dma_start3A_129 : memref<32x128xf32, #tpu.memory_space<vmem_shared>>) target_semaphore(%run_scoped3A_125 : memref<!tpu.dma_semaphore, #tpu.memory_space<semaphore_mem>>)
      %dma_wait3A = arith.constant 0 : i32
      %dma_wait3A_130 = tpu.memref_slice %arg6[%add3A_62, %dma_wait3A] : memref<10240x128xf32, #tpu.memory_space<vmem_shared>> -> memref<32x128xf32, #tpu.memory_space<vmem_shared>>
      %dma_wait3A_131 = arith.constant 0 : i32
      %dma_wait3A_132 = tpu.memref_slice %arg6[%add3A_62, %dma_wait3A_131] : memref<10240x128xf32, #tpu.memory_space<vmem_shared>> -> memref<32x128xf32, #tpu.memory_space<vmem_shared>>
      tpu.wait_dma2 semaphore(%run_scoped3A_125 : memref<!tpu.dma_semaphore, #tpu.memory_space<semaphore_mem>>) src(%arg9 : memref<32x128xf32, #tpu.memory_space<vmem>>) dst(%dma_wait3A_132 : memref<32x128xf32, #tpu.memory_space<vmem_shared>>)
      tpu.yield
    }) : () -> ()
    %mul3A_63 = arith.constant 640 : i32
    %mul3A_64 = arith.muli %arg1, %mul3A_63 : i32
    %add3A_65 = arith.constant 448 : i32
    %add3A_66 = arith.addi %mul3A_64, %add3A_65 : i32
    "tpu.region"() ({
      %run_scoped3A_125 = tpu.sem_alloc : memref<!tpu.dma_semaphore, #tpu.memory_space<semaphore_mem>>
      %dma_start3A_126 = arith.constant 0 : i32
      %dma_start3A_127 = tpu.memref_slice %arg6[%add3A_66, %dma_start3A_126] : memref<10240x128xf32, #tpu.memory_space<vmem_shared>> -> memref<32x128xf32, #tpu.memory_space<vmem_shared>>
      %dma_start3A_128 = arith.constant 0 : i32
      %dma_start3A_129 = tpu.memref_slice %arg6[%add3A_66, %dma_start3A_128] : memref<10240x128xf32, #tpu.memory_space<vmem_shared>> -> memref<32x128xf32, #tpu.memory_space<vmem_shared>>
      tpu.enqueue_dma source(%arg9 : memref<32x128xf32, #tpu.memory_space<vmem>>) target(%dma_start3A_129 : memref<32x128xf32, #tpu.memory_space<vmem_shared>>) target_semaphore(%run_scoped3A_125 : memref<!tpu.dma_semaphore, #tpu.memory_space<semaphore_mem>>)
      %dma_wait3A = arith.constant 0 : i32
      %dma_wait3A_130 = tpu.memref_slice %arg6[%add3A_66, %dma_wait3A] : memref<10240x128xf32, #tpu.memory_space<vmem_shared>> -> memref<32x128xf32, #tpu.memory_space<vmem_shared>>
      %dma_wait3A_131 = arith.constant 0 : i32
      %dma_wait3A_132 = tpu.memref_slice %arg6[%add3A_66, %dma_wait3A_131] : memref<10240x128xf32, #tpu.memory_space<vmem_shared>> -> memref<32x128xf32, #tpu.memory_space<vmem_shared>>
      tpu.wait_dma2 semaphore(%run_scoped3A_125 : memref<!tpu.dma_semaphore, #tpu.memory_space<semaphore_mem>>) src(%arg9 : memref<32x128xf32, #tpu.memory_space<vmem>>) dst(%dma_wait3A_132 : memref<32x128xf32, #tpu.memory_space<vmem_shared>>)
      tpu.yield
    }) : () -> ()
    %mul3A_67 = arith.constant 640 : i32
    %mul3A_68 = arith.muli %arg1, %mul3A_67 : i32
    %add3A_69 = arith.constant 480 : i32
    %add3A_70 = arith.addi %mul3A_68, %add3A_69 : i32
    "tpu.region"() ({
      %run_scoped3A_125 = tpu.sem_alloc : memref<!tpu.dma_semaphore, #tpu.memory_space<semaphore_mem>>
      %dma_start3A_126 = arith.constant 0 : i32
      %dma_start3A_127 = tpu.memref_slice %arg6[%add3A_70, %dma_start3A_126] : memref<10240x128xf32, #tpu.memory_space<vmem_shared>> -> memref<32x128xf32, #tpu.memory_space<vmem_shared>>
      %dma_start3A_128 = arith.constant 0 : i32
      %dma_start3A_129 = tpu.memref_slice %arg6[%add3A_70, %dma_start3A_128] : memref<10240x128xf32, #tpu.memory_space<vmem_shared>> -> memref<32x128xf32, #tpu.memory_space<vmem_shared>>
      tpu.enqueue_dma source(%arg9 : memref<32x128xf32, #tpu.memory_space<vmem>>) target(%dma_start3A_129 : memref<32x128xf32, #tpu.memory_space<vmem_shared>>) target_semaphore(%run_scoped3A_125 : memref<!tpu.dma_semaphore, #tpu.memory_space<semaphore_mem>>)
      %dma_wait3A = arith.constant 0 : i32
      %dma_wait3A_130 = tpu.memref_slice %arg6[%add3A_70, %dma_wait3A] : memref<10240x128xf32, #tpu.memory_space<vmem_shared>> -> memref<32x128xf32, #tpu.memory_space<vmem_shared>>
      %dma_wait3A_131 = arith.constant 0 : i32
      %dma_wait3A_132 = tpu.memref_slice %arg6[%add3A_70, %dma_wait3A_131] : memref<10240x128xf32, #tpu.memory_space<vmem_shared>> -> memref<32x128xf32, #tpu.memory_space<vmem_shared>>
      tpu.wait_dma2 semaphore(%run_scoped3A_125 : memref<!tpu.dma_semaphore, #tpu.memory_space<semaphore_mem>>) src(%arg9 : memref<32x128xf32, #tpu.memory_space<vmem>>) dst(%dma_wait3A_132 : memref<32x128xf32, #tpu.memory_space<vmem_shared>>)
      tpu.yield
    }) : () -> ()
    %mul3A_71 = arith.constant 640 : i32
    %mul3A_72 = arith.muli %arg1, %mul3A_71 : i32
    %add3A_73 = arith.constant 512 : i32
    %add3A_74 = arith.addi %mul3A_72, %add3A_73 : i32
    "tpu.region"() ({
      %run_scoped3A_125 = tpu.sem_alloc : memref<!tpu.dma_semaphore, #tpu.memory_space<semaphore_mem>>
      %dma_start3A_126 = arith.constant 0 : i32
      %dma_start3A_127 = tpu.memref_slice %arg6[%add3A_74, %dma_start3A_126] : memref<10240x128xf32, #tpu.memory_space<vmem_shared>> -> memref<32x128xf32, #tpu.memory_space<vmem_shared>>
      %dma_start3A_128 = arith.constant 0 : i32
      %dma_start3A_129 = tpu.memref_slice %arg6[%add3A_74, %dma_start3A_128] : memref<10240x128xf32, #tpu.memory_space<vmem_shared>> -> memref<32x128xf32, #tpu.memory_space<vmem_shared>>
      tpu.enqueue_dma source(%arg9 : memref<32x128xf32, #tpu.memory_space<vmem>>) target(%dma_start3A_129 : memref<32x128xf32, #tpu.memory_space<vmem_shared>>) target_semaphore(%run_scoped3A_125 : memref<!tpu.dma_semaphore, #tpu.memory_space<semaphore_mem>>)
      %dma_wait3A = arith.constant 0 : i32
      %dma_wait3A_130 = tpu.memref_slice %arg6[%add3A_74, %dma_wait3A] : memref<10240x128xf32, #tpu.memory_space<vmem_shared>> -> memref<32x128xf32, #tpu.memory_space<vmem_shared>>
      %dma_wait3A_131 = arith.constant 0 : i32
      %dma_wait3A_132 = tpu.memref_slice %arg6[%add3A_74, %dma_wait3A_131] : memref<10240x128xf32, #tpu.memory_space<vmem_shared>> -> memref<32x128xf32, #tpu.memory_space<vmem_shared>>
      tpu.wait_dma2 semaphore(%run_scoped3A_125 : memref<!tpu.dma_semaphore, #tpu.memory_space<semaphore_mem>>) src(%arg9 : memref<32x128xf32, #tpu.memory_space<vmem>>) dst(%dma_wait3A_132 : memref<32x128xf32, #tpu.memory_space<vmem_shared>>)
      tpu.yield
    }) : () -> ()
    %mul3A_75 = arith.constant 640 : i32
    %mul3A_76 = arith.muli %arg1, %mul3A_75 : i32
    %add3A_77 = arith.constant 544 : i32
    %add3A_78 = arith.addi %mul3A_76, %add3A_77 : i32
    "tpu.region"() ({
      %run_scoped3A_125 = tpu.sem_alloc : memref<!tpu.dma_semaphore, #tpu.memory_space<semaphore_mem>>
      %dma_start3A_126 = arith.constant 0 : i32
      %dma_start3A_127 = tpu.memref_slice %arg6[%add3A_78, %dma_start3A_126] : memref<10240x128xf32, #tpu.memory_space<vmem_shared>> -> memref<32x128xf32, #tpu.memory_space<vmem_shared>>
      %dma_start3A_128 = arith.constant 0 : i32
      %dma_start3A_129 = tpu.memref_slice %arg6[%add3A_78, %dma_start3A_128] : memref<10240x128xf32, #tpu.memory_space<vmem_shared>> -> memref<32x128xf32, #tpu.memory_space<vmem_shared>>
      tpu.enqueue_dma source(%arg9 : memref<32x128xf32, #tpu.memory_space<vmem>>) target(%dma_start3A_129 : memref<32x128xf32, #tpu.memory_space<vmem_shared>>) target_semaphore(%run_scoped3A_125 : memref<!tpu.dma_semaphore, #tpu.memory_space<semaphore_mem>>)
      %dma_wait3A = arith.constant 0 : i32
      %dma_wait3A_130 = tpu.memref_slice %arg6[%add3A_78, %dma_wait3A] : memref<10240x128xf32, #tpu.memory_space<vmem_shared>> -> memref<32x128xf32, #tpu.memory_space<vmem_shared>>
      %dma_wait3A_131 = arith.constant 0 : i32
      %dma_wait3A_132 = tpu.memref_slice %arg6[%add3A_78, %dma_wait3A_131] : memref<10240x128xf32, #tpu.memory_space<vmem_shared>> -> memref<32x128xf32, #tpu.memory_space<vmem_shared>>
      tpu.wait_dma2 semaphore(%run_scoped3A_125 : memref<!tpu.dma_semaphore, #tpu.memory_space<semaphore_mem>>) src(%arg9 : memref<32x128xf32, #tpu.memory_space<vmem>>) dst(%dma_wait3A_132 : memref<32x128xf32, #tpu.memory_space<vmem_shared>>)
      tpu.yield
    }) : () -> ()
    %mul3A_79 = arith.constant 640 : i32
    %mul3A_80 = arith.muli %arg1, %mul3A_79 : i32
    %add3A_81 = arith.constant 576 : i32
    %add3A_82 = arith.addi %mul3A_80, %add3A_81 : i32
    "tpu.region"() ({
      %run_scoped3A_125 = tpu.sem_alloc : memref<!tpu.dma_semaphore, #tpu.memory_space<semaphore_mem>>
      %dma_start3A_126 = arith.constant 0 : i32
      %dma_start3A_127 = tpu.memref_slice %arg6[%add3A_82, %dma_start3A_126] : memref<10240x128xf32, #tpu.memory_space<vmem_shared>> -> memref<32x128xf32, #tpu.memory_space<vmem_shared>>
      %dma_start3A_128 = arith.constant 0 : i32
      %dma_start3A_129 = tpu.memref_slice %arg6[%add3A_82, %dma_start3A_128] : memref<10240x128xf32, #tpu.memory_space<vmem_shared>> -> memref<32x128xf32, #tpu.memory_space<vmem_shared>>
      tpu.enqueue_dma source(%arg9 : memref<32x128xf32, #tpu.memory_space<vmem>>) target(%dma_start3A_129 : memref<32x128xf32, #tpu.memory_space<vmem_shared>>) target_semaphore(%run_scoped3A_125 : memref<!tpu.dma_semaphore, #tpu.memory_space<semaphore_mem>>)
      %dma_wait3A = arith.constant 0 : i32
      %dma_wait3A_130 = tpu.memref_slice %arg6[%add3A_82, %dma_wait3A] : memref<10240x128xf32, #tpu.memory_space<vmem_shared>> -> memref<32x128xf32, #tpu.memory_space<vmem_shared>>
      %dma_wait3A_131 = arith.constant 0 : i32
      %dma_wait3A_132 = tpu.memref_slice %arg6[%add3A_82, %dma_wait3A_131] : memref<10240x128xf32, #tpu.memory_space<vmem_shared>> -> memref<32x128xf32, #tpu.memory_space<vmem_shared>>
      tpu.wait_dma2 semaphore(%run_scoped3A_125 : memref<!tpu.dma_semaphore, #tpu.memory_space<semaphore_mem>>) src(%arg9 : memref<32x128xf32, #tpu.memory_space<vmem>>) dst(%dma_wait3A_132 : memref<32x128xf32, #tpu.memory_space<vmem_shared>>)
      tpu.yield
    }) : () -> ()
    %mul3A_83 = arith.constant 640 : i32
    %mul3A_84 = arith.muli %arg1, %mul3A_83 : i32
    %add3A_85 = arith.constant 608 : i32
    %add3A_86 = arith.addi %mul3A_84, %add3A_85 : i32
    "tpu.region"() ({
      %run_scoped3A_125 = tpu.sem_alloc : memref<!tpu.dma_semaphore, #tpu.memory_space<semaphore_mem>>
      %dma_start3A_126 = arith.constant 0 : i32
      %dma_start3A_127 = tpu.memref_slice %arg6[%add3A_86, %dma_start3A_126] : memref<10240x128xf32, #tpu.memory_space<vmem_shared>> -> memref<32x128xf32, #tpu.memory_space<vmem_shared>>
      %dma_start3A_128 = arith.constant 0 : i32
      %dma_start3A_129 = tpu.memref_slice %arg6[%add3A_86, %dma_start3A_128] : memref<10240x128xf32, #tpu.memory_space<vmem_shared>> -> memref<32x128xf32, #tpu.memory_space<vmem_shared>>
      tpu.enqueue_dma source(%arg9 : memref<32x128xf32, #tpu.memory_space<vmem>>) target(%dma_start3A_129 : memref<32x128xf32, #tpu.memory_space<vmem_shared>>) target_semaphore(%run_scoped3A_125 : memref<!tpu.dma_semaphore, #tpu.memory_space<semaphore_mem>>)
      %dma_wait3A = arith.constant 0 : i32
      %dma_wait3A_130 = tpu.memref_slice %arg6[%add3A_86, %dma_wait3A] : memref<10240x128xf32, #tpu.memory_space<vmem_shared>> -> memref<32x128xf32, #tpu.memory_space<vmem_shared>>
      %dma_wait3A_131 = arith.constant 0 : i32
      %dma_wait3A_132 = tpu.memref_slice %arg6[%add3A_86, %dma_wait3A_131] : memref<10240x128xf32, #tpu.memory_space<vmem_shared>> -> memref<32x128xf32, #tpu.memory_space<vmem_shared>>
      tpu.wait_dma2 semaphore(%run_scoped3A_125 : memref<!tpu.dma_semaphore, #tpu.memory_space<semaphore_mem>>) src(%arg9 : memref<32x128xf32, #tpu.memory_space<vmem>>) dst(%dma_wait3A_132 : memref<32x128xf32, #tpu.memory_space<vmem_shared>>)
      tpu.yield
    }) : () -> ()
    %barrier3A = arith.constant 0 : index
    tpu.barrier barrier_id(%barrier3A)
    %run_scoped3A = arith.constant 0 : i32
    "tpu.region"() ({
      %run_scoped3A_125 = tpu.sem_alloc : memref<!tpu.dma_semaphore, #tpu.memory_space<semaphore_mem>>
      %dma_start3A_126 = arith.constant 0 : i32
      %dma_start3A_127 = arith.constant 0 : i32
      %dma_start3A_128 = tpu.memref_slice %arg3[%add3A, %run_scoped3A, %dma_start3A_126, %dma_start3A_127] : memref<32x2x40x125xi32, #tpu.memory_space<hbm>> -> memref<1x1x40x125xi32, #tpu.memory_space<hbm>>
      %dma_start3A_129 = tpu.memref_squeeze %dma_start3A_128 : memref<1x1x40x125xi32, #tpu.memory_space<hbm>> -> memref<40x125xi32, #tpu.memory_space<hbm>>
      %dma_start3A_130 = arith.constant 0 : i32
      %dma_start3A_131 = arith.constant 0 : i32
      %dma_start3A_132 = tpu.memref_slice %arg3[%add3A, %run_scoped3A, %dma_start3A_130, %dma_start3A_131] : memref<32x2x40x125xi32, #tpu.memory_space<hbm>> -> memref<1x1x40x125xi32, #tpu.memory_space<hbm>>
      %dma_start3A_133 = tpu.memref_squeeze %dma_start3A_132 : memref<1x1x40x125xi32, #tpu.memory_space<hbm>> -> memref<40x125xi32, #tpu.memory_space<hbm>>
      tpu.enqueue_dma source(%dma_start3A_133 : memref<40x125xi32, #tpu.memory_space<hbm>>) target(%arg10 : memref<40x125xi32, #tpu.memory_space<vmem>>) target_semaphore(%run_scoped3A_125 : memref<!tpu.dma_semaphore, #tpu.memory_space<semaphore_mem>>)
      %dma_wait3A = arith.constant 0 : i32
      %dma_wait3A_134 = arith.constant 0 : i32
      %dma_wait3A_135 = tpu.memref_slice %arg3[%add3A, %run_scoped3A, %dma_wait3A, %dma_wait3A_134] : memref<32x2x40x125xi32, #tpu.memory_space<hbm>> -> memref<1x1x40x125xi32, #tpu.memory_space<hbm>>
      %dma_wait3A_136 = tpu.memref_squeeze %dma_wait3A_135 : memref<1x1x40x125xi32, #tpu.memory_space<hbm>> -> memref<40x125xi32, #tpu.memory_space<hbm>>
      %dma_wait3A_137 = arith.constant 0 : i32
      %dma_wait3A_138 = arith.constant 0 : i32
      %dma_wait3A_139 = tpu.memref_slice %arg3[%add3A, %run_scoped3A, %dma_wait3A_137, %dma_wait3A_138] : memref<32x2x40x125xi32, #tpu.memory_space<hbm>> -> memref<1x1x40x125xi32, #tpu.memory_space<hbm>>
      %dma_wait3A_140 = tpu.memref_squeeze %dma_wait3A_139 : memref<1x1x40x125xi32, #tpu.memory_space<hbm>> -> memref<40x125xi32, #tpu.memory_space<hbm>>
      tpu.wait_dma2 semaphore(%run_scoped3A_125 : memref<!tpu.dma_semaphore, #tpu.memory_space<semaphore_mem>>) src(%dma_wait3A_140 : memref<40x125xi32, #tpu.memory_space<hbm>>) dst(%arg10 : memref<40x125xi32, #tpu.memory_space<vmem>>)
      tpu.yield
    }) : () -> ()
    %run_scoped3A_87 = arith.constant 0 : i32
    "tpu.region"() ({
      %run_scoped3A_125 = tpu.sem_alloc : memref<!tpu.dma_semaphore, #tpu.memory_space<semaphore_mem>>
      %dma_start3A_126 = arith.constant 0 : i32
      %dma_start3A_127 = arith.constant 0 : i32
      %dma_start3A_128 = tpu.memref_slice %arg4[%add3A, %run_scoped3A_87, %dma_start3A_126, %dma_start3A_127] : memref<32x2x40x125xi32, #tpu.memory_space<hbm>> -> memref<1x1x40x125xi32, #tpu.memory_space<hbm>>
      %dma_start3A_129 = tpu.memref_squeeze %dma_start3A_128 : memref<1x1x40x125xi32, #tpu.memory_space<hbm>> -> memref<40x125xi32, #tpu.memory_space<hbm>>
      %dma_start3A_130 = arith.constant 0 : i32
      %dma_start3A_131 = arith.constant 0 : i32
      %dma_start3A_132 = tpu.memref_slice %arg4[%add3A, %run_scoped3A_87, %dma_start3A_130, %dma_start3A_131] : memref<32x2x40x125xi32, #tpu.memory_space<hbm>> -> memref<1x1x40x125xi32, #tpu.memory_space<hbm>>
      %dma_start3A_133 = tpu.memref_squeeze %dma_start3A_132 : memref<1x1x40x125xi32, #tpu.memory_space<hbm>> -> memref<40x125xi32, #tpu.memory_space<hbm>>
      tpu.enqueue_dma source(%dma_start3A_133 : memref<40x125xi32, #tpu.memory_space<hbm>>) target(%arg11 : memref<40x125xi32, #tpu.memory_space<vmem>>) target_semaphore(%run_scoped3A_125 : memref<!tpu.dma_semaphore, #tpu.memory_space<semaphore_mem>>)
      %dma_wait3A = arith.constant 0 : i32
      %dma_wait3A_134 = arith.constant 0 : i32
      %dma_wait3A_135 = tpu.memref_slice %arg4[%add3A, %run_scoped3A_87, %dma_wait3A, %dma_wait3A_134] : memref<32x2x40x125xi32, #tpu.memory_space<hbm>> -> memref<1x1x40x125xi32, #tpu.memory_space<hbm>>
      %dma_wait3A_136 = tpu.memref_squeeze %dma_wait3A_135 : memref<1x1x40x125xi32, #tpu.memory_space<hbm>> -> memref<40x125xi32, #tpu.memory_space<hbm>>
      %dma_wait3A_137 = arith.constant 0 : i32
      %dma_wait3A_138 = arith.constant 0 : i32
      %dma_wait3A_139 = tpu.memref_slice %arg4[%add3A, %run_scoped3A_87, %dma_wait3A_137, %dma_wait3A_138] : memref<32x2x40x125xi32, #tpu.memory_space<hbm>> -> memref<1x1x40x125xi32, #tpu.memory_space<hbm>>
      %dma_wait3A_140 = tpu.memref_squeeze %dma_wait3A_139 : memref<1x1x40x125xi32, #tpu.memory_space<hbm>> -> memref<40x125xi32, #tpu.memory_space<hbm>>
      tpu.wait_dma2 semaphore(%run_scoped3A_125 : memref<!tpu.dma_semaphore, #tpu.memory_space<semaphore_mem>>) src(%dma_wait3A_140 : memref<40x125xi32, #tpu.memory_space<hbm>>) dst(%arg11 : memref<40x125xi32, #tpu.memory_space<vmem>>)
      tpu.yield
    }) : () -> ()
    %dma_start3A = arith.constant 0 : i32
    %dma_start3A_88 = arith.constant 0 : i32
    %dma_start3A_89 = tpu.memref_slice %arg10[%dma_start3A, %dma_start3A_88] : memref<40x125xi32, #tpu.memory_space<vmem>> -> memref<1x125xi32, #tpu.memory_space<vmem>>
    %dma_start3A_90 = tpu.memref_squeeze %dma_start3A_89 : memref<1x125xi32, #tpu.memory_space<vmem>> -> memref<125xi32, #tpu.memory_space<vmem>>
    %dma_start3A_91 = arith.constant 0 : i32
    %dma_start3A_92 = arith.constant 0 : i32
    %dma_start3A_93 = tpu.memref_slice %arg2[%dma_start3A_91, %dma_start3A_92] : memref<10240x128xf32, #tpu.memory_space<hbm>> -> memref<10240x128xf32, #tpu.memory_space<hbm>>
    tpu.enqueue_indirect_dma source(%dma_start3A_93 : memref<10240x128xf32, #tpu.memory_space<hbm>>) target(%arg7 : memref<125x128xf32, #tpu.memory_space<vmem>>) offsets(%dma_start3A_90 : memref<125xi32, #tpu.memory_space<vmem>>) semaphore(%arg12 : memref<!tpu.dma_semaphore, #tpu.memory_space<semaphore_mem>>)
    %scan3A_94 = arith.constant 0 : i32
    %scan3A_95 = arith.constant 0 : i32
    %scan3A_96 = arith.constant 20 : i32
    %scan3A_97 = arith.addi %scan3A_95, %scan3A_96 : i32
    %scan3A_98 = arith.constant 1 : i32
    %scan3A_99 = scf.for %scan3A_125 = %scan3A_95 to %scan3A_97 step %scan3A_98 iter_args(%scan3A_126 = %scan3A_94) -> (i32)  : i32 {
      %mul3A_127 = arith.constant 2 : i32
      %mul3A_128 = arith.muli %mul3A_127, %scan3A_125 : i32
      %add3A_129 = arith.constant 1 : i32
      %add3A_130 = arith.addi %mul3A_128, %add3A_129 : i32
      %dma_start3A_131 = arith.constant 0 : i32
      %dma_start3A_132 = tpu.memref_slice %arg10[%add3A_130, %dma_start3A_131] : memref<40x125xi32, #tpu.memory_space<vmem>> -> memref<1x125xi32, #tpu.memory_space<vmem>>
      %dma_start3A_133 = tpu.memref_squeeze %dma_start3A_132 : memref<1x125xi32, #tpu.memory_space<vmem>> -> memref<125xi32, #tpu.memory_space<vmem>>
      %dma_start3A_134 = arith.constant 0 : i32
      %dma_start3A_135 = arith.constant 0 : i32
      %dma_start3A_136 = tpu.memref_slice %arg2[%dma_start3A_134, %dma_start3A_135] : memref<10240x128xf32, #tpu.memory_space<hbm>> -> memref<10240x128xf32, #tpu.memory_space<hbm>>
      tpu.enqueue_indirect_dma source(%dma_start3A_136 : memref<10240x128xf32, #tpu.memory_space<hbm>>) target(%arg8 : memref<125x128xf32, #tpu.memory_space<vmem>>) offsets(%dma_start3A_133 : memref<125xi32, #tpu.memory_space<vmem>>) semaphore(%arg13 : memref<!tpu.dma_semaphore, #tpu.memory_space<semaphore_mem>>)
      %dma_wait3A = arith.constant 0 : i32
      %dma_wait3A_137 = tpu.memref_slice %arg10[%mul3A_128, %dma_wait3A] : memref<40x125xi32, #tpu.memory_space<vmem>> -> memref<1x125xi32, #tpu.memory_space<vmem>>
      %dma_wait3A_138 = tpu.memref_squeeze %dma_wait3A_137 : memref<1x125xi32, #tpu.memory_space<vmem>> -> memref<125xi32, #tpu.memory_space<vmem>>
      %dma_wait3A_139 = arith.constant 0 : i32
      %dma_wait3A_140 = arith.constant 0 : i32
      %dma_wait3A_141 = tpu.memref_slice %arg2[%dma_wait3A_139, %dma_wait3A_140] : memref<10240x128xf32, #tpu.memory_space<hbm>> -> memref<10240x128xf32, #tpu.memory_space<hbm>>
      tpu.wait_indirect_dma semaphore(%arg12 : memref<!tpu.dma_semaphore, #tpu.memory_space<semaphore_mem>>) src(%dma_wait3A_141 : memref<10240x128xf32, #tpu.memory_space<hbm>>) dst(%arg7 : memref<125x128xf32, #tpu.memory_space<vmem>>)
      "tpu.region"() ({
        %run_scoped3A_155 = tpu.sem_alloc : memref<!tpu.dma_semaphore, #tpu.memory_space<semaphore_mem>>
        %dma_start3A_156 = arith.constant 0 : i32
        %dma_start3A_157 = tpu.memref_slice %arg11[%mul3A_128, %dma_start3A_156] : memref<40x125xi32, #tpu.memory_space<vmem>> -> memref<1x125xi32, #tpu.memory_space<vmem>>
        %dma_start3A_158 = tpu.memref_squeeze %dma_start3A_157 : memref<1x125xi32, #tpu.memory_space<vmem>> -> memref<125xi32, #tpu.memory_space<vmem>>
        %dma_start3A_159 = arith.constant 0 : i32
        %dma_start3A_160 = arith.constant 0 : i32
        %dma_start3A_161 = tpu.memref_slice %arg6[%dma_start3A_159, %dma_start3A_160] : memref<10240x128xf32, #tpu.memory_space<vmem_shared>> -> memref<10240x128xf32, #tpu.memory_space<vmem_shared>>
        tpu.enqueue_indirect_dma source(%arg7 : memref<125x128xf32, #tpu.memory_space<vmem>>) target(%dma_start3A_161 : memref<10240x128xf32, #tpu.memory_space<vmem_shared>>) offsets(%dma_start3A_158 : memref<125xi32, #tpu.memory_space<vmem>>) semaphore(%run_scoped3A_155 : memref<!tpu.dma_semaphore, #tpu.memory_space<semaphore_mem>>) {add = true}
        %dma_wait3A_162 = arith.constant 0 : i32
        %dma_wait3A_163 = tpu.memref_slice %arg11[%mul3A_128, %dma_wait3A_162] : memref<40x125xi32, #tpu.memory_space<vmem>> -> memref<1x125xi32, #tpu.memory_space<vmem>>
        %dma_wait3A_164 = tpu.memref_squeeze %dma_wait3A_163 : memref<1x125xi32, #tpu.memory_space<vmem>> -> memref<125xi32, #tpu.memory_space<vmem>>
        %dma_wait3A_165 = arith.constant 0 : i32
        %dma_wait3A_166 = arith.constant 0 : i32
        %dma_wait3A_167 = tpu.memref_slice %arg6[%dma_wait3A_165, %dma_wait3A_166] : memref<10240x128xf32, #tpu.memory_space<vmem_shared>> -> memref<10240x128xf32, #tpu.memory_space<vmem_shared>>
        tpu.wait_indirect_dma semaphore(%run_scoped3A_155 : memref<!tpu.dma_semaphore, #tpu.memory_space<semaphore_mem>>) src(%arg7 : memref<125x128xf32, #tpu.memory_space<vmem>>) dst(%dma_wait3A_167 : memref<10240x128xf32, #tpu.memory_space<vmem_shared>>)
        tpu.yield
      }) : () -> ()
      %lt3A = arith.constant 19 : i32
      %lt3A_142 = arith.cmpi slt, %scan3A_125, %lt3A : i32
      %convert_element_type3A = arith.extui %lt3A_142 : i1 to i32
      %cond3A = arith.constant 0 : i32
      %cond3A_143 = arith.cmpi ne, %convert_element_type3A, %cond3A : i32
      scf.if %cond3A_143 {
        %add3A_155 = arith.constant 2 : i32
        %add3A_156 = arith.addi %mul3A_128, %add3A_155 : i32
        %dma_start3A_157 = arith.constant 0 : i32
        %dma_start3A_158 = tpu.memref_slice %arg10[%add3A_156, %dma_start3A_157] : memref<40x125xi32, #tpu.memory_space<vmem>> -> memref<1x125xi32, #tpu.memory_space<vmem>>
        %dma_start3A_159 = tpu.memref_squeeze %dma_start3A_158 : memref<1x125xi32, #tpu.memory_space<vmem>> -> memref<125xi32, #tpu.memory_space<vmem>>
        %dma_start3A_160 = arith.constant 0 : i32
        %dma_start3A_161 = arith.constant 0 : i32
        %dma_start3A_162 = tpu.memref_slice %arg2[%dma_start3A_160, %dma_start3A_161] : memref<10240x128xf32, #tpu.memory_space<hbm>> -> memref<10240x128xf32, #tpu.memory_space<hbm>>
        tpu.enqueue_indirect_dma source(%dma_start3A_162 : memref<10240x128xf32, #tpu.memory_space<hbm>>) target(%arg7 : memref<125x128xf32, #tpu.memory_space<vmem>>) offsets(%dma_start3A_159 : memref<125xi32, #tpu.memory_space<vmem>>) semaphore(%arg12 : memref<!tpu.dma_semaphore, #tpu.memory_space<semaphore_mem>>)
      } else {
      }
      %add3A_144 = arith.constant 1 : i32
      %add3A_145 = arith.addi %mul3A_128, %add3A_144 : i32
      %dma_wait3A_146 = arith.constant 0 : i32
      %dma_wait3A_147 = tpu.memref_slice %arg10[%add3A_145, %dma_wait3A_146] : memref<40x125xi32, #tpu.memory_space<vmem>> -> memref<1x125xi32, #tpu.memory_space<vmem>>
      %dma_wait3A_148 = tpu.memref_squeeze %dma_wait3A_147 : memref<1x125xi32, #tpu.memory_space<vmem>> -> memref<125xi32, #tpu.memory_space<vmem>>
      %dma_wait3A_149 = arith.constant 0 : i32
      %dma_wait3A_150 = arith.constant 0 : i32
      %dma_wait3A_151 = tpu.memref_slice %arg2[%dma_wait3A_149, %dma_wait3A_150] : memref<10240x128xf32, #tpu.memory_space<hbm>> -> memref<10240x128xf32, #tpu.memory_space<hbm>>
      tpu.wait_indirect_dma semaphore(%arg13 : memref<!tpu.dma_semaphore, #tpu.memory_space<semaphore_mem>>) src(%dma_wait3A_151 : memref<10240x128xf32, #tpu.memory_space<hbm>>) dst(%arg8 : memref<125x128xf32, #tpu.memory_space<vmem>>)
      %add3A_152 = arith.constant 1 : i32
      %add3A_153 = arith.addi %mul3A_128, %add3A_152 : i32
      "tpu.region"() ({
        %run_scoped3A_155 = tpu.sem_alloc : memref<!tpu.dma_semaphore, #tpu.memory_space<semaphore_mem>>
        %dma_start3A_156 = arith.constant 0 : i32
        %dma_start3A_157 = tpu.memref_slice %arg11[%add3A_153, %dma_start3A_156] : memref<40x125xi32, #tpu.memory_space<vmem>> -> memref<1x125xi32, #tpu.memory_space<vmem>>
        %dma_start3A_158 = tpu.memref_squeeze %dma_start3A_157 : memref<1x125xi32, #tpu.memory_space<vmem>> -> memref<125xi32, #tpu.memory_space<vmem>>
        %dma_start3A_159 = arith.constant 0 : i32
        %dma_start3A_160 = arith.constant 0 : i32
        %dma_start3A_161 = tpu.memref_slice %arg6[%dma_start3A_159, %dma_start3A_160] : memref<10240x128xf32, #tpu.memory_space<vmem_shared>> -> memref<10240x128xf32, #tpu.memory_space<vmem_shared>>
        tpu.enqueue_indirect_dma source(%arg8 : memref<125x128xf32, #tpu.memory_space<vmem>>) target(%dma_start3A_161 : memref<10240x128xf32, #tpu.memory_space<vmem_shared>>) offsets(%dma_start3A_158 : memref<125xi32, #tpu.memory_space<vmem>>) semaphore(%run_scoped3A_155 : memref<!tpu.dma_semaphore, #tpu.memory_space<semaphore_mem>>) {add = true}
        %dma_wait3A_162 = arith.constant 0 : i32
        %dma_wait3A_163 = tpu.memref_slice %arg11[%add3A_153, %dma_wait3A_162] : memref<40x125xi32, #tpu.memory_space<vmem>> -> memref<1x125xi32, #tpu.memory_space<vmem>>
        %dma_wait3A_164 = tpu.memref_squeeze %dma_wait3A_163 : memref<1x125xi32, #tpu.memory_space<vmem>> -> memref<125xi32, #tpu.memory_space<vmem>>
        %dma_wait3A_165 = arith.constant 0 : i32
        %dma_wait3A_166 = arith.constant 0 : i32
        %dma_wait3A_167 = tpu.memref_slice %arg6[%dma_wait3A_165, %dma_wait3A_166] : memref<10240x128xf32, #tpu.memory_space<vmem_shared>> -> memref<10240x128xf32, #tpu.memory_space<vmem_shared>>
        tpu.wait_indirect_dma semaphore(%run_scoped3A_155 : memref<!tpu.dma_semaphore, #tpu.memory_space<semaphore_mem>>) src(%arg8 : memref<125x128xf32, #tpu.memory_space<vmem>>) dst(%dma_wait3A_167 : memref<10240x128xf32, #tpu.memory_space<vmem_shared>>)
        tpu.yield
      }) : () -> ()
      %scan3A_154 = arith.constant 0 : i32
      scf.yield %scan3A_154 : i32
    }
    %scan3A_100 = arith.constant 20 : i32
    %run_scoped3A_101 = arith.constant 1 : i32
    "tpu.region"() ({
      %run_scoped3A_125 = tpu.sem_alloc : memref<!tpu.dma_semaphore, #tpu.memory_space<semaphore_mem>>
      %dma_start3A_126 = arith.constant 0 : i32
      %dma_start3A_127 = arith.constant 0 : i32
      %dma_start3A_128 = tpu.memref_slice %arg3[%add3A, %run_scoped3A_101, %dma_start3A_126, %dma_start3A_127] : memref<32x2x40x125xi32, #tpu.memory_space<hbm>> -> memref<1x1x40x125xi32, #tpu.memory_space<hbm>>
      %dma_start3A_129 = tpu.memref_squeeze %dma_start3A_128 : memref<1x1x40x125xi32, #tpu.memory_space<hbm>> -> memref<40x125xi32, #tpu.memory_space<hbm>>
      %dma_start3A_130 = arith.constant 0 : i32
      %dma_start3A_131 = arith.constant 0 : i32
      %dma_start3A_132 = tpu.memref_slice %arg3[%add3A, %run_scoped3A_101, %dma_start3A_130, %dma_start3A_131] : memref<32x2x40x125xi32, #tpu.memory_space<hbm>> -> memref<1x1x40x125xi32, #tpu.memory_space<hbm>>
      %dma_start3A_133 = tpu.memref_squeeze %dma_start3A_132 : memref<1x1x40x125xi32, #tpu.memory_space<hbm>> -> memref<40x125xi32, #tpu.memory_space<hbm>>
      tpu.enqueue_dma source(%dma_start3A_133 : memref<40x125xi32, #tpu.memory_space<hbm>>) target(%arg10 : memref<40x125xi32, #tpu.memory_space<vmem>>) target_semaphore(%run_scoped3A_125 : memref<!tpu.dma_semaphore, #tpu.memory_space<semaphore_mem>>)
      %dma_wait3A = arith.constant 0 : i32
      %dma_wait3A_134 = arith.constant 0 : i32
      %dma_wait3A_135 = tpu.memref_slice %arg3[%add3A, %run_scoped3A_101, %dma_wait3A, %dma_wait3A_134] : memref<32x2x40x125xi32, #tpu.memory_space<hbm>> -> memref<1x1x40x125xi32, #tpu.memory_space<hbm>>
      %dma_wait3A_136 = tpu.memref_squeeze %dma_wait3A_135 : memref<1x1x40x125xi32, #tpu.memory_space<hbm>> -> memref<40x125xi32, #tpu.memory_space<hbm>>
      %dma_wait3A_137 = arith.constant 0 : i32
      %dma_wait3A_138 = arith.constant 0 : i32
      %dma_wait3A_139 = tpu.memref_slice %arg3[%add3A, %run_scoped3A_101, %dma_wait3A_137, %dma_wait3A_138] : memref<32x2x40x125xi32, #tpu.memory_space<hbm>> -> memref<1x1x40x125xi32, #tpu.memory_space<hbm>>
      %dma_wait3A_140 = tpu.memref_squeeze %dma_wait3A_139 : memref<1x1x40x125xi32, #tpu.memory_space<hbm>> -> memref<40x125xi32, #tpu.memory_space<hbm>>
      tpu.wait_dma2 semaphore(%run_scoped3A_125 : memref<!tpu.dma_semaphore, #tpu.memory_space<semaphore_mem>>) src(%dma_wait3A_140 : memref<40x125xi32, #tpu.memory_space<hbm>>) dst(%arg10 : memref<40x125xi32, #tpu.memory_space<vmem>>)
      tpu.yield
    }) : () -> ()
    %run_scoped3A_102 = arith.constant 1 : i32
    "tpu.region"() ({
      %run_scoped3A_125 = tpu.sem_alloc : memref<!tpu.dma_semaphore, #tpu.memory_space<semaphore_mem>>
      %dma_start3A_126 = arith.constant 0 : i32
      %dma_start3A_127 = arith.constant 0 : i32
      %dma_start3A_128 = tpu.memref_slice %arg4[%add3A, %run_scoped3A_102, %dma_start3A_126, %dma_start3A_127] : memref<32x2x40x125xi32, #tpu.memory_space<hbm>> -> memref<1x1x40x125xi32, #tpu.memory_space<hbm>>
      %dma_start3A_129 = tpu.memref_squeeze %dma_start3A_128 : memref<1x1x40x125xi32, #tpu.memory_space<hbm>> -> memref<40x125xi32, #tpu.memory_space<hbm>>
      %dma_start3A_130 = arith.constant 0 : i32
      %dma_start3A_131 = arith.constant 0 : i32
      %dma_start3A_132 = tpu.memref_slice %arg4[%add3A, %run_scoped3A_102, %dma_start3A_130, %dma_start3A_131] : memref<32x2x40x125xi32, #tpu.memory_space<hbm>> -> memref<1x1x40x125xi32, #tpu.memory_space<hbm>>
      %dma_start3A_133 = tpu.memref_squeeze %dma_start3A_132 : memref<1x1x40x125xi32, #tpu.memory_space<hbm>> -> memref<40x125xi32, #tpu.memory_space<hbm>>
      tpu.enqueue_dma source(%dma_start3A_133 : memref<40x125xi32, #tpu.memory_space<hbm>>) target(%arg11 : memref<40x125xi32, #tpu.memory_space<vmem>>) target_semaphore(%run_scoped3A_125 : memref<!tpu.dma_semaphore, #tpu.memory_space<semaphore_mem>>)
      %dma_wait3A = arith.constant 0 : i32
      %dma_wait3A_134 = arith.constant 0 : i32
      %dma_wait3A_135 = tpu.memref_slice %arg4[%add3A, %run_scoped3A_102, %dma_wait3A, %dma_wait3A_134] : memref<32x2x40x125xi32, #tpu.memory_space<hbm>> -> memref<1x1x40x125xi32, #tpu.memory_space<hbm>>
      %dma_wait3A_136 = tpu.memref_squeeze %dma_wait3A_135 : memref<1x1x40x125xi32, #tpu.memory_space<hbm>> -> memref<40x125xi32, #tpu.memory_space<hbm>>
      %dma_wait3A_137 = arith.constant 0 : i32
      %dma_wait3A_138 = arith.constant 0 : i32
      %dma_wait3A_139 = tpu.memref_slice %arg4[%add3A, %run_scoped3A_102, %dma_wait3A_137, %dma_wait3A_138] : memref<32x2x40x125xi32, #tpu.memory_space<hbm>> -> memref<1x1x40x125xi32, #tpu.memory_space<hbm>>
      %dma_wait3A_140 = tpu.memref_squeeze %dma_wait3A_139 : memref<1x1x40x125xi32, #tpu.memory_space<hbm>> -> memref<40x125xi32, #tpu.memory_space<hbm>>
      tpu.wait_dma2 semaphore(%run_scoped3A_125 : memref<!tpu.dma_semaphore, #tpu.memory_space<semaphore_mem>>) src(%dma_wait3A_140 : memref<40x125xi32, #tpu.memory_space<hbm>>) dst(%arg11 : memref<40x125xi32, #tpu.memory_space<vmem>>)
      tpu.yield
    }) : () -> ()
    %dma_start3A_103 = arith.constant 0 : i32
    %dma_start3A_104 = arith.constant 0 : i32
    %dma_start3A_105 = tpu.memref_slice %arg10[%dma_start3A_103, %dma_start3A_104] : memref<40x125xi32, #tpu.memory_space<vmem>> -> memref<1x125xi32, #tpu.memory_space<vmem>>
    %dma_start3A_106 = tpu.memref_squeeze %dma_start3A_105 : memref<1x125xi32, #tpu.memory_space<vmem>> -> memref<125xi32, #tpu.memory_space<vmem>>
    %dma_start3A_107 = arith.constant 0 : i32
    %dma_start3A_108 = arith.constant 0 : i32
    %dma_start3A_109 = tpu.memref_slice %arg2[%dma_start3A_107, %dma_start3A_108] : memref<10240x128xf32, #tpu.memory_space<hbm>> -> memref<10240x128xf32, #tpu.memory_space<hbm>>
    tpu.enqueue_indirect_dma source(%dma_start3A_109 : memref<10240x128xf32, #tpu.memory_space<hbm>>) target(%arg7 : memref<125x128xf32, #tpu.memory_space<vmem>>) offsets(%dma_start3A_106 : memref<125xi32, #tpu.memory_space<vmem>>) semaphore(%arg12 : memref<!tpu.dma_semaphore, #tpu.memory_space<semaphore_mem>>)
    %scan3A_110 = arith.constant 0 : i32
    %scan3A_111 = arith.constant 0 : i32
    %scan3A_112 = arith.constant 20 : i32
    %scan3A_113 = arith.addi %scan3A_111, %scan3A_112 : i32
    %scan3A_114 = arith.constant 1 : i32
    %scan3A_115 = scf.for %scan3A_125 = %scan3A_111 to %scan3A_113 step %scan3A_114 iter_args(%scan3A_126 = %scan3A_110) -> (i32)  : i32 {
      %mul3A_127 = arith.constant 2 : i32
      %mul3A_128 = arith.muli %mul3A_127, %scan3A_125 : i32
      %add3A_129 = arith.constant 1 : i32
      %add3A_130 = arith.addi %mul3A_128, %add3A_129 : i32
      %dma_start3A_131 = arith.constant 0 : i32
      %dma_start3A_132 = tpu.memref_slice %arg10[%add3A_130, %dma_start3A_131] : memref<40x125xi32, #tpu.memory_space<vmem>> -> memref<1x125xi32, #tpu.memory_space<vmem>>
      %dma_start3A_133 = tpu.memref_squeeze %dma_start3A_132 : memref<1x125xi32, #tpu.memory_space<vmem>> -> memref<125xi32, #tpu.memory_space<vmem>>
      %dma_start3A_134 = arith.constant 0 : i32
      %dma_start3A_135 = arith.constant 0 : i32
      %dma_start3A_136 = tpu.memref_slice %arg2[%dma_start3A_134, %dma_start3A_135] : memref<10240x128xf32, #tpu.memory_space<hbm>> -> memref<10240x128xf32, #tpu.memory_space<hbm>>
      tpu.enqueue_indirect_dma source(%dma_start3A_136 : memref<10240x128xf32, #tpu.memory_space<hbm>>) target(%arg8 : memref<125x128xf32, #tpu.memory_space<vmem>>) offsets(%dma_start3A_133 : memref<125xi32, #tpu.memory_space<vmem>>) semaphore(%arg13 : memref<!tpu.dma_semaphore, #tpu.memory_space<semaphore_mem>>)
      %dma_wait3A = arith.constant 0 : i32
      %dma_wait3A_137 = tpu.memref_slice %arg10[%mul3A_128, %dma_wait3A] : memref<40x125xi32, #tpu.memory_space<vmem>> -> memref<1x125xi32, #tpu.memory_space<vmem>>
      %dma_wait3A_138 = tpu.memref_squeeze %dma_wait3A_137 : memref<1x125xi32, #tpu.memory_space<vmem>> -> memref<125xi32, #tpu.memory_space<vmem>>
      %dma_wait3A_139 = arith.constant 0 : i32
      %dma_wait3A_140 = arith.constant 0 : i32
      %dma_wait3A_141 = tpu.memref_slice %arg2[%dma_wait3A_139, %dma_wait3A_140] : memref<10240x128xf32, #tpu.memory_space<hbm>> -> memref<10240x128xf32, #tpu.memory_space<hbm>>
      tpu.wait_indirect_dma semaphore(%arg12 : memref<!tpu.dma_semaphore, #tpu.memory_space<semaphore_mem>>) src(%dma_wait3A_141 : memref<10240x128xf32, #tpu.memory_space<hbm>>) dst(%arg7 : memref<125x128xf32, #tpu.memory_space<vmem>>)
      "tpu.region"() ({
        %run_scoped3A_155 = tpu.sem_alloc : memref<!tpu.dma_semaphore, #tpu.memory_space<semaphore_mem>>
        %dma_start3A_156 = arith.constant 0 : i32
        %dma_start3A_157 = tpu.memref_slice %arg11[%mul3A_128, %dma_start3A_156] : memref<40x125xi32, #tpu.memory_space<vmem>> -> memref<1x125xi32, #tpu.memory_space<vmem>>
        %dma_start3A_158 = tpu.memref_squeeze %dma_start3A_157 : memref<1x125xi32, #tpu.memory_space<vmem>> -> memref<125xi32, #tpu.memory_space<vmem>>
        %dma_start3A_159 = arith.constant 0 : i32
        %dma_start3A_160 = arith.constant 0 : i32
        %dma_start3A_161 = tpu.memref_slice %arg6[%dma_start3A_159, %dma_start3A_160] : memref<10240x128xf32, #tpu.memory_space<vmem_shared>> -> memref<10240x128xf32, #tpu.memory_space<vmem_shared>>
        tpu.enqueue_indirect_dma source(%arg7 : memref<125x128xf32, #tpu.memory_space<vmem>>) target(%dma_start3A_161 : memref<10240x128xf32, #tpu.memory_space<vmem_shared>>) offsets(%dma_start3A_158 : memref<125xi32, #tpu.memory_space<vmem>>) semaphore(%run_scoped3A_155 : memref<!tpu.dma_semaphore, #tpu.memory_space<semaphore_mem>>) {add = true}
        %dma_wait3A_162 = arith.constant 0 : i32
        %dma_wait3A_163 = tpu.memref_slice %arg11[%mul3A_128, %dma_wait3A_162] : memref<40x125xi32, #tpu.memory_space<vmem>> -> memref<1x125xi32, #tpu.memory_space<vmem>>
        %dma_wait3A_164 = tpu.memref_squeeze %dma_wait3A_163 : memref<1x125xi32, #tpu.memory_space<vmem>> -> memref<125xi32, #tpu.memory_space<vmem>>
        %dma_wait3A_165 = arith.constant 0 : i32
        %dma_wait3A_166 = arith.constant 0 : i32
        %dma_wait3A_167 = tpu.memref_slice %arg6[%dma_wait3A_165, %dma_wait3A_166] : memref<10240x128xf32, #tpu.memory_space<vmem_shared>> -> memref<10240x128xf32, #tpu.memory_space<vmem_shared>>
        tpu.wait_indirect_dma semaphore(%run_scoped3A_155 : memref<!tpu.dma_semaphore, #tpu.memory_space<semaphore_mem>>) src(%arg7 : memref<125x128xf32, #tpu.memory_space<vmem>>) dst(%dma_wait3A_167 : memref<10240x128xf32, #tpu.memory_space<vmem_shared>>)
        tpu.yield
      }) : () -> ()
      %lt3A = arith.constant 19 : i32
      %lt3A_142 = arith.cmpi slt, %scan3A_125, %lt3A : i32
      %convert_element_type3A = arith.extui %lt3A_142 : i1 to i32
      %cond3A = arith.constant 0 : i32
      %cond3A_143 = arith.cmpi ne, %convert_element_type3A, %cond3A : i32
      scf.if %cond3A_143 {
        %add3A_155 = arith.constant 2 : i32
        %add3A_156 = arith.addi %mul3A_128, %add3A_155 : i32
        %dma_start3A_157 = arith.constant 0 : i32
        %dma_start3A_158 = tpu.memref_slice %arg10[%add3A_156, %dma_start3A_157] : memref<40x125xi32, #tpu.memory_space<vmem>> -> memref<1x125xi32, #tpu.memory_space<vmem>>
        %dma_start3A_159 = tpu.memref_squeeze %dma_start3A_158 : memref<1x125xi32, #tpu.memory_space<vmem>> -> memref<125xi32, #tpu.memory_space<vmem>>
        %dma_start3A_160 = arith.constant 0 : i32
        %dma_start3A_161 = arith.constant 0 : i32
        %dma_start3A_162 = tpu.memref_slice %arg2[%dma_start3A_160, %dma_start3A_161] : memref<10240x128xf32, #tpu.memory_space<hbm>> -> memref<10240x128xf32, #tpu.memory_space<hbm>>
        tpu.enqueue_indirect_dma source(%dma_start3A_162 : memref<10240x128xf32, #tpu.memory_space<hbm>>) target(%arg7 : memref<125x128xf32, #tpu.memory_space<vmem>>) offsets(%dma_start3A_159 : memref<125xi32, #tpu.memory_space<vmem>>) semaphore(%arg12 : memref<!tpu.dma_semaphore, #tpu.memory_space<semaphore_mem>>)
      } else {
      }
      %add3A_144 = arith.constant 1 : i32
      %add3A_145 = arith.addi %mul3A_128, %add3A_144 : i32
      %dma_wait3A_146 = arith.constant 0 : i32
      %dma_wait3A_147 = tpu.memref_slice %arg10[%add3A_145, %dma_wait3A_146] : memref<40x125xi32, #tpu.memory_space<vmem>> -> memref<1x125xi32, #tpu.memory_space<vmem>>
      %dma_wait3A_148 = tpu.memref_squeeze %dma_wait3A_147 : memref<1x125xi32, #tpu.memory_space<vmem>> -> memref<125xi32, #tpu.memory_space<vmem>>
      %dma_wait3A_149 = arith.constant 0 : i32
      %dma_wait3A_150 = arith.constant 0 : i32
      %dma_wait3A_151 = tpu.memref_slice %arg2[%dma_wait3A_149, %dma_wait3A_150] : memref<10240x128xf32, #tpu.memory_space<hbm>> -> memref<10240x128xf32, #tpu.memory_space<hbm>>
      tpu.wait_indirect_dma semaphore(%arg13 : memref<!tpu.dma_semaphore, #tpu.memory_space<semaphore_mem>>) src(%dma_wait3A_151 : memref<10240x128xf32, #tpu.memory_space<hbm>>) dst(%arg8 : memref<125x128xf32, #tpu.memory_space<vmem>>)
      %add3A_152 = arith.constant 1 : i32
      %add3A_153 = arith.addi %mul3A_128, %add3A_152 : i32
      "tpu.region"() ({
        %run_scoped3A_155 = tpu.sem_alloc : memref<!tpu.dma_semaphore, #tpu.memory_space<semaphore_mem>>
        %dma_start3A_156 = arith.constant 0 : i32
        %dma_start3A_157 = tpu.memref_slice %arg11[%add3A_153, %dma_start3A_156] : memref<40x125xi32, #tpu.memory_space<vmem>> -> memref<1x125xi32, #tpu.memory_space<vmem>>
        %dma_start3A_158 = tpu.memref_squeeze %dma_start3A_157 : memref<1x125xi32, #tpu.memory_space<vmem>> -> memref<125xi32, #tpu.memory_space<vmem>>
        %dma_start3A_159 = arith.constant 0 : i32
        %dma_start3A_160 = arith.constant 0 : i32
        %dma_start3A_161 = tpu.memref_slice %arg6[%dma_start3A_159, %dma_start3A_160] : memref<10240x128xf32, #tpu.memory_space<vmem_shared>> -> memref<10240x128xf32, #tpu.memory_space<vmem_shared>>
        tpu.enqueue_indirect_dma source(%arg8 : memref<125x128xf32, #tpu.memory_space<vmem>>) target(%dma_start3A_161 : memref<10240x128xf32, #tpu.memory_space<vmem_shared>>) offsets(%dma_start3A_158 : memref<125xi32, #tpu.memory_space<vmem>>) semaphore(%run_scoped3A_155 : memref<!tpu.dma_semaphore, #tpu.memory_space<semaphore_mem>>) {add = true}
        %dma_wait3A_162 = arith.constant 0 : i32
        %dma_wait3A_163 = tpu.memref_slice %arg11[%add3A_153, %dma_wait3A_162] : memref<40x125xi32, #tpu.memory_space<vmem>> -> memref<1x125xi32, #tpu.memory_space<vmem>>
        %dma_wait3A_164 = tpu.memref_squeeze %dma_wait3A_163 : memref<1x125xi32, #tpu.memory_space<vmem>> -> memref<125xi32, #tpu.memory_space<vmem>>
        %dma_wait3A_165 = arith.constant 0 : i32
        %dma_wait3A_166 = arith.constant 0 : i32
        %dma_wait3A_167 = tpu.memref_slice %arg6[%dma_wait3A_165, %dma_wait3A_166] : memref<10240x128xf32, #tpu.memory_space<vmem_shared>> -> memref<10240x128xf32, #tpu.memory_space<vmem_shared>>
        tpu.wait_indirect_dma semaphore(%run_scoped3A_155 : memref<!tpu.dma_semaphore, #tpu.memory_space<semaphore_mem>>) src(%arg8 : memref<125x128xf32, #tpu.memory_space<vmem>>) dst(%dma_wait3A_167 : memref<10240x128xf32, #tpu.memory_space<vmem_shared>>)
        tpu.yield
      }) : () -> ()
      %scan3A_154 = arith.constant 0 : i32
      scf.yield %scan3A_154 : i32
    }
    %scan3A_116 = arith.constant 20 : i32
    %barrier3A_117 = arith.constant 0 : index
    tpu.barrier barrier_id(%barrier3A_117)
    %mul3A_118 = arith.constant 640 : i32
    %mul3A_119 = arith.muli %arg1, %mul3A_118 : i32
    %mul3A_120 = arith.constant 10240 : i32
    %mul3A_121 = arith.muli %arg0, %mul3A_120 : i32
    %mul3A_122 = arith.constant 640 : i32
    %mul3A_123 = arith.muli %arg1, %mul3A_122 : i32
    %add3A_124 = arith.addi %mul3A_121, %mul3A_123 : i32
    "tpu.region"() ({
      %run_scoped3A_125 = tpu.sem_alloc : memref<!tpu.dma_semaphore, #tpu.memory_space<semaphore_mem>>
      %dma_start3A_126 = arith.constant 0 : i32
      %dma_start3A_127 = tpu.memref_slice %arg5[%add3A_124, %dma_start3A_126] : memref<20480x128xf32, #tpu.memory_space<hbm>> -> memref<640x128xf32, #tpu.memory_space<hbm>>
      %dma_start3A_128 = arith.constant 0 : i32
      %dma_start3A_129 = tpu.memref_slice %arg6[%mul3A_119, %dma_start3A_128] : memref<10240x128xf32, #tpu.memory_space<vmem_shared>> -> memref<640x128xf32, #tpu.memory_space<vmem_shared>>
      tpu.enqueue_dma source(%dma_start3A_129 : memref<640x128xf32, #tpu.memory_space<vmem_shared>>) target(%dma_start3A_127 : memref<640x128xf32, #tpu.memory_space<hbm>>) target_semaphore(%run_scoped3A_125 : memref<!tpu.dma_semaphore, #tpu.memory_space<semaphore_mem>>)
      %dma_wait3A = arith.constant 0 : i32
      %dma_wait3A_130 = tpu.memref_slice %arg5[%add3A_124, %dma_wait3A] : memref<20480x128xf32, #tpu.memory_space<hbm>> -> memref<640x128xf32, #tpu.memory_space<hbm>>
      %dma_wait3A_131 = arith.constant 0 : i32
      %dma_wait3A_132 = tpu.memref_slice %arg6[%mul3A_119, %dma_wait3A_131] : memref<10240x128xf32, #tpu.memory_space<vmem_shared>> -> memref<640x128xf32, #tpu.memory_space<vmem_shared>>
      tpu.wait_dma2 semaphore(%run_scoped3A_125 : memref<!tpu.dma_semaphore, #tpu.memory_space<semaphore_mem>>) src(%dma_wait3A_132 : memref<640x128xf32, #tpu.memory_space<vmem_shared>>) dst(%dma_wait3A_130 : memref<640x128xf32, #tpu.memory_space<hbm>>)
      tpu.yield
    }) : () -> ()
    return
  }
}

#map = affine_map<(d0, d1) -> (0, 0, 0)>
#map1 = affine_map<(d0, d1) -> (0, 0)>
module attributes {stable_mosaic.version = 14 : i64} {
  func.func @_sc_degree_body(%arg0: i32, %arg1: i32, %arg2: memref<32x80x125xi32, #tpu.memory_space<hbm>>, %arg3: memref<20480x128xf32, #tpu.memory_space<hbm>>, %arg4: memref<10240x128xf32, #tpu.memory_space<vmem_shared>>, %arg5: memref<125x128xf32, #tpu.memory_space<vmem>>, %arg6: memref<32x128xf32, #tpu.memory_space<vmem>>, %arg7: memref<80x125xi32, #tpu.memory_space<vmem>>) attributes {dimension_semantics = [#tpu.dimension_semantics<core_parallel>, #tpu.dimension_semantics<subcore_parallel>], iteration_bounds = array<i64: 2, 16>, scalar_prefetch = 0 : i64, scratch_operands = 4 : i64, tpu.core_type = #tpu.core_type<sc_vector_subcore>, window_params = [{transform_indices = #map}, {transform_indices = #map1}]} {
    %mul3A = arith.constant 2 : i32
    %mul3A_0 = arith.muli %arg1, %mul3A : i32
    %add3A = arith.addi %mul3A_0, %arg0 : i32
    "tpu.region"() ({
      %run_scoped3A = tpu.sem_alloc : memref<!tpu.dma_semaphore, #tpu.memory_space<semaphore_mem>>
      %dma_start3A = arith.constant 0 : i32
      %dma_start3A_109 = arith.constant 0 : i32
      %dma_start3A_110 = tpu.memref_slice %arg2[%add3A, %dma_start3A, %dma_start3A_109] : memref<32x80x125xi32, #tpu.memory_space<hbm>> -> memref<1x80x125xi32, #tpu.memory_space<hbm>>
      %dma_start3A_111 = tpu.memref_squeeze %dma_start3A_110 : memref<1x80x125xi32, #tpu.memory_space<hbm>> -> memref<80x125xi32, #tpu.memory_space<hbm>>
      %dma_start3A_112 = arith.constant 0 : i32
      %dma_start3A_113 = arith.constant 0 : i32
      %dma_start3A_114 = tpu.memref_slice %arg2[%add3A, %dma_start3A_112, %dma_start3A_113] : memref<32x80x125xi32, #tpu.memory_space<hbm>> -> memref<1x80x125xi32, #tpu.memory_space<hbm>>
      %dma_start3A_115 = tpu.memref_squeeze %dma_start3A_114 : memref<1x80x125xi32, #tpu.memory_space<hbm>> -> memref<80x125xi32, #tpu.memory_space<hbm>>
      tpu.enqueue_dma source(%dma_start3A_115 : memref<80x125xi32, #tpu.memory_space<hbm>>) target(%arg7 : memref<80x125xi32, #tpu.memory_space<vmem>>) target_semaphore(%run_scoped3A : memref<!tpu.dma_semaphore, #tpu.memory_space<semaphore_mem>>)
      %dma_wait3A = arith.constant 0 : i32
      %dma_wait3A_116 = arith.constant 0 : i32
      %dma_wait3A_117 = tpu.memref_slice %arg2[%add3A, %dma_wait3A, %dma_wait3A_116] : memref<32x80x125xi32, #tpu.memory_space<hbm>> -> memref<1x80x125xi32, #tpu.memory_space<hbm>>
      %dma_wait3A_118 = tpu.memref_squeeze %dma_wait3A_117 : memref<1x80x125xi32, #tpu.memory_space<hbm>> -> memref<80x125xi32, #tpu.memory_space<hbm>>
      %dma_wait3A_119 = arith.constant 0 : i32
      %dma_wait3A_120 = arith.constant 0 : i32
      %dma_wait3A_121 = tpu.memref_slice %arg2[%add3A, %dma_wait3A_119, %dma_wait3A_120] : memref<32x80x125xi32, #tpu.memory_space<hbm>> -> memref<1x80x125xi32, #tpu.memory_space<hbm>>
      %dma_wait3A_122 = tpu.memref_squeeze %dma_wait3A_121 : memref<1x80x125xi32, #tpu.memory_space<hbm>> -> memref<80x125xi32, #tpu.memory_space<hbm>>
      tpu.wait_dma2 semaphore(%run_scoped3A : memref<!tpu.dma_semaphore, #tpu.memory_space<semaphore_mem>>) src(%dma_wait3A_122 : memref<80x125xi32, #tpu.memory_space<hbm>>) dst(%arg7 : memref<80x125xi32, #tpu.memory_space<vmem>>)
      tpu.yield
    }) : () -> ()
    %scan3A = arith.constant 0 : i32
    %scan3A_1 = arith.constant 0 : i32
    %scan3A_2 = arith.constant 125 : i32
    %scan3A_3 = arith.addi %scan3A_1, %scan3A_2 : i32
    %scan3A_4 = arith.constant 1 : i32
    %scan3A_5 = scf.for %scan3A_109 = %scan3A_1 to %scan3A_3 step %scan3A_4 iter_args(%scan3A_110 = %scan3A) -> (i32)  : i32 {
      %broadcast_in_dim3A = arith.constant 1.000000e+00 : f32
      %broadcast_in_dim3A_111 = vector.broadcast %broadcast_in_dim3A : f32 to vector<16xf32>
      %swap3A = arith.index_cast %scan3A_109 : i32 to index
      %swap3A_112 = arith.constant 0 : index
      %swap3A_113 = tpu.vector_load %arg5[%swap3A, %swap3A_112] {strides = array<i32>} : memref<125x128xf32, #tpu.memory_space<vmem>>, vector<1x16xf32>,
      %swap3A_114 = vector.shape_cast %swap3A_113 : vector<1x16xf32> to vector<16xf32>
      %swap3A_115 = vector.shape_cast %broadcast_in_dim3A_111 : vector<16xf32> to vector<1x16xf32>
      tpu.vector_store %arg5[%swap3A, %swap3A_112], %swap3A_115 {strides = array<i32>} : memref<125x128xf32, #tpu.memory_space<vmem>>, vector<1x16xf32>,
      %broadcast_in_dim3A_116 = arith.constant 1.000000e+00 : f32
      %broadcast_in_dim3A_117 = vector.broadcast %broadcast_in_dim3A_116 : f32 to vector<16xf32>
      %swap3A_118 = arith.index_cast %scan3A_109 : i32 to index
      %swap3A_119 = arith.constant 16 : index
      %swap3A_120 = tpu.vector_load %arg5[%swap3A_118, %swap3A_119] {strides = array<i32>} : memref<125x128xf32, #tpu.memory_space<vmem>>, vector<1x16xf32>,
      %swap3A_121 = vector.shape_cast %swap3A_120 : vector<1x16xf32> to vector<16xf32>
      %swap3A_122 = vector.shape_cast %broadcast_in_dim3A_117 : vector<16xf32> to vector<1x16xf32>
      tpu.vector_store %arg5[%swap3A_118, %swap3A_119], %swap3A_122 {strides = array<i32>} : memref<125x128xf32, #tpu.memory_space<vmem>>, vector<1x16xf32>,
      %broadcast_in_dim3A_123 = arith.constant 1.000000e+00 : f32
      %broadcast_in_dim3A_124 = vector.broadcast %broadcast_in_dim3A_123 : f32 to vector<16xf32>
      %swap3A_125 = arith.index_cast %scan3A_109 : i32 to index
      %swap3A_126 = arith.constant 32 : index
      %swap3A_127 = tpu.vector_load %arg5[%swap3A_125, %swap3A_126] {strides = array<i32>} : memref<125x128xf32, #tpu.memory_space<vmem>>, vector<1x16xf32>,
      %swap3A_128 = vector.shape_cast %swap3A_127 : vector<1x16xf32> to vector<16xf32>
      %swap3A_129 = vector.shape_cast %broadcast_in_dim3A_124 : vector<16xf32> to vector<1x16xf32>
      tpu.vector_store %arg5[%swap3A_125, %swap3A_126], %swap3A_129 {strides = array<i32>} : memref<125x128xf32, #tpu.memory_space<vmem>>, vector<1x16xf32>,
      %broadcast_in_dim3A_130 = arith.constant 1.000000e+00 : f32
      %broadcast_in_dim3A_131 = vector.broadcast %broadcast_in_dim3A_130 : f32 to vector<16xf32>
      %swap3A_132 = arith.index_cast %scan3A_109 : i32 to index
      %swap3A_133 = arith.constant 48 : index
      %swap3A_134 = tpu.vector_load %arg5[%swap3A_132, %swap3A_133] {strides = array<i32>} : memref<125x128xf32, #tpu.memory_space<vmem>>, vector<1x16xf32>,
      %swap3A_135 = vector.shape_cast %swap3A_134 : vector<1x16xf32> to vector<16xf32>
      %swap3A_136 = vector.shape_cast %broadcast_in_dim3A_131 : vector<16xf32> to vector<1x16xf32>
      tpu.vector_store %arg5[%swap3A_132, %swap3A_133], %swap3A_136 {strides = array<i32>} : memref<125x128xf32, #tpu.memory_space<vmem>>, vector<1x16xf32>,
      %broadcast_in_dim3A_137 = arith.constant 1.000000e+00 : f32
      %broadcast_in_dim3A_138 = vector.broadcast %broadcast_in_dim3A_137 : f32 to vector<16xf32>
      %swap3A_139 = arith.index_cast %scan3A_109 : i32 to index
      %swap3A_140 = arith.constant 64 : index
      %swap3A_141 = tpu.vector_load %arg5[%swap3A_139, %swap3A_140] {strides = array<i32>} : memref<125x128xf32, #tpu.memory_space<vmem>>, vector<1x16xf32>,
      %swap3A_142 = vector.shape_cast %swap3A_141 : vector<1x16xf32> to vector<16xf32>
      %swap3A_143 = vector.shape_cast %broadcast_in_dim3A_138 : vector<16xf32> to vector<1x16xf32>
      tpu.vector_store %arg5[%swap3A_139, %swap3A_140], %swap3A_143 {strides = array<i32>} : memref<125x128xf32, #tpu.memory_space<vmem>>, vector<1x16xf32>,
      %broadcast_in_dim3A_144 = arith.constant 1.000000e+00 : f32
      %broadcast_in_dim3A_145 = vector.broadcast %broadcast_in_dim3A_144 : f32 to vector<16xf32>
      %swap3A_146 = arith.index_cast %scan3A_109 : i32 to index
      %swap3A_147 = arith.constant 80 : index
      %swap3A_148 = tpu.vector_load %arg5[%swap3A_146, %swap3A_147] {strides = array<i32>} : memref<125x128xf32, #tpu.memory_space<vmem>>, vector<1x16xf32>,
      %swap3A_149 = vector.shape_cast %swap3A_148 : vector<1x16xf32> to vector<16xf32>
      %swap3A_150 = vector.shape_cast %broadcast_in_dim3A_145 : vector<16xf32> to vector<1x16xf32>
      tpu.vector_store %arg5[%swap3A_146, %swap3A_147], %swap3A_150 {strides = array<i32>} : memref<125x128xf32, #tpu.memory_space<vmem>>, vector<1x16xf32>,
      %broadcast_in_dim3A_151 = arith.constant 1.000000e+00 : f32
      %broadcast_in_dim3A_152 = vector.broadcast %broadcast_in_dim3A_151 : f32 to vector<16xf32>
      %swap3A_153 = arith.index_cast %scan3A_109 : i32 to index
      %swap3A_154 = arith.constant 96 : index
      %swap3A_155 = tpu.vector_load %arg5[%swap3A_153, %swap3A_154] {strides = array<i32>} : memref<125x128xf32, #tpu.memory_space<vmem>>, vector<1x16xf32>,
      %swap3A_156 = vector.shape_cast %swap3A_155 : vector<1x16xf32> to vector<16xf32>
      %swap3A_157 = vector.shape_cast %broadcast_in_dim3A_152 : vector<16xf32> to vector<1x16xf32>
      tpu.vector_store %arg5[%swap3A_153, %swap3A_154], %swap3A_157 {strides = array<i32>} : memref<125x128xf32, #tpu.memory_space<vmem>>, vector<1x16xf32>,
      %broadcast_in_dim3A_158 = arith.constant 1.000000e+00 : f32
      %broadcast_in_dim3A_159 = vector.broadcast %broadcast_in_dim3A_158 : f32 to vector<16xf32>
      %swap3A_160 = arith.index_cast %scan3A_109 : i32 to index
      %swap3A_161 = arith.constant 112 : index
      %swap3A_162 = tpu.vector_load %arg5[%swap3A_160, %swap3A_161] {strides = array<i32>} : memref<125x128xf32, #tpu.memory_space<vmem>>, vector<1x16xf32>,
      %swap3A_163 = vector.shape_cast %swap3A_162 : vector<1x16xf32> to vector<16xf32>
      %swap3A_164 = vector.shape_cast %broadcast_in_dim3A_159 : vector<16xf32> to vector<1x16xf32>
      tpu.vector_store %arg5[%swap3A_160, %swap3A_161], %swap3A_164 {strides = array<i32>} : memref<125x128xf32, #tpu.memory_space<vmem>>, vector<1x16xf32>,
      %scan3A_165 = arith.constant 0 : i32
      scf.yield %scan3A_165 : i32
    }
    %scan3A_6 = arith.constant 125 : i32
    %scan3A_7 = arith.constant 0 : i32
    %scan3A_8 = arith.constant 0 : i32
    %scan3A_9 = arith.constant 32 : i32
    %scan3A_10 = arith.addi %scan3A_8, %scan3A_9 : i32
    %scan3A_11 = arith.constant 1 : i32
    %scan3A_12 = scf.for %scan3A_109 = %scan3A_8 to %scan3A_10 step %scan3A_11 iter_args(%scan3A_110 = %scan3A_7) -> (i32)  : i32 {
      %broadcast_in_dim3A = arith.constant 0.000000e+00 : f32
      %broadcast_in_dim3A_111 = vector.broadcast %broadcast_in_dim3A : f32 to vector<16xf32>
      %swap3A = arith.index_cast %scan3A_109 : i32 to index
      %swap3A_112 = arith.constant 0 : index
      %swap3A_113 = tpu.vector_load %arg6[%swap3A, %swap3A_112] {strides = array<i32>} : memref<32x128xf32, #tpu.memory_space<vmem>>, vector<1x16xf32>,
      %swap3A_114 = vector.shape_cast %swap3A_113 : vector<1x16xf32> to vector<16xf32>
      %swap3A_115 = vector.shape_cast %broadcast_in_dim3A_111 : vector<16xf32> to vector<1x16xf32>
      tpu.vector_store %arg6[%swap3A, %swap3A_112], %swap3A_115 {strides = array<i32>} : memref<32x128xf32, #tpu.memory_space<vmem>>, vector<1x16xf32>,
      %broadcast_in_dim3A_116 = arith.constant 0.000000e+00 : f32
      %broadcast_in_dim3A_117 = vector.broadcast %broadcast_in_dim3A_116 : f32 to vector<16xf32>
      %swap3A_118 = arith.index_cast %scan3A_109 : i32 to index
      %swap3A_119 = arith.constant 16 : index
      %swap3A_120 = tpu.vector_load %arg6[%swap3A_118, %swap3A_119] {strides = array<i32>} : memref<32x128xf32, #tpu.memory_space<vmem>>, vector<1x16xf32>,
      %swap3A_121 = vector.shape_cast %swap3A_120 : vector<1x16xf32> to vector<16xf32>
      %swap3A_122 = vector.shape_cast %broadcast_in_dim3A_117 : vector<16xf32> to vector<1x16xf32>
      tpu.vector_store %arg6[%swap3A_118, %swap3A_119], %swap3A_122 {strides = array<i32>} : memref<32x128xf32, #tpu.memory_space<vmem>>, vector<1x16xf32>,
      %broadcast_in_dim3A_123 = arith.constant 0.000000e+00 : f32
      %broadcast_in_dim3A_124 = vector.broadcast %broadcast_in_dim3A_123 : f32 to vector<16xf32>
      %swap3A_125 = arith.index_cast %scan3A_109 : i32 to index
      %swap3A_126 = arith.constant 32 : index
      %swap3A_127 = tpu.vector_load %arg6[%swap3A_125, %swap3A_126] {strides = array<i32>} : memref<32x128xf32, #tpu.memory_space<vmem>>, vector<1x16xf32>,
      %swap3A_128 = vector.shape_cast %swap3A_127 : vector<1x16xf32> to vector<16xf32>
      %swap3A_129 = vector.shape_cast %broadcast_in_dim3A_124 : vector<16xf32> to vector<1x16xf32>
      tpu.vector_store %arg6[%swap3A_125, %swap3A_126], %swap3A_129 {strides = array<i32>} : memref<32x128xf32, #tpu.memory_space<vmem>>, vector<1x16xf32>,
      %broadcast_in_dim3A_130 = arith.constant 0.000000e+00 : f32
      %broadcast_in_dim3A_131 = vector.broadcast %broadcast_in_dim3A_130 : f32 to vector<16xf32>
      %swap3A_132 = arith.index_cast %scan3A_109 : i32 to index
      %swap3A_133 = arith.constant 48 : index
      %swap3A_134 = tpu.vector_load %arg6[%swap3A_132, %swap3A_133] {strides = array<i32>} : memref<32x128xf32, #tpu.memory_space<vmem>>, vector<1x16xf32>,
      %swap3A_135 = vector.shape_cast %swap3A_134 : vector<1x16xf32> to vector<16xf32>
      %swap3A_136 = vector.shape_cast %broadcast_in_dim3A_131 : vector<16xf32> to vector<1x16xf32>
      tpu.vector_store %arg6[%swap3A_132, %swap3A_133], %swap3A_136 {strides = array<i32>} : memref<32x128xf32, #tpu.memory_space<vmem>>, vector<1x16xf32>,
      %broadcast_in_dim3A_137 = arith.constant 0.000000e+00 : f32
      %broadcast_in_dim3A_138 = vector.broadcast %broadcast_in_dim3A_137 : f32 to vector<16xf32>
      %swap3A_139 = arith.index_cast %scan3A_109 : i32 to index
      %swap3A_140 = arith.constant 64 : index
      %swap3A_141 = tpu.vector_load %arg6[%swap3A_139, %swap3A_140] {strides = array<i32>} : memref<32x128xf32, #tpu.memory_space<vmem>>, vector<1x16xf32>,
      %swap3A_142 = vector.shape_cast %swap3A_141 : vector<1x16xf32> to vector<16xf32>
      %swap3A_143 = vector.shape_cast %broadcast_in_dim3A_138 : vector<16xf32> to vector<1x16xf32>
      tpu.vector_store %arg6[%swap3A_139, %swap3A_140], %swap3A_143 {strides = array<i32>} : memref<32x128xf32, #tpu.memory_space<vmem>>, vector<1x16xf32>,
      %broadcast_in_dim3A_144 = arith.constant 0.000000e+00 : f32
      %broadcast_in_dim3A_145 = vector.broadcast %broadcast_in_dim3A_144 : f32 to vector<16xf32>
      %swap3A_146 = arith.index_cast %scan3A_109 : i32 to index
      %swap3A_147 = arith.constant 80 : index
      %swap3A_148 = tpu.vector_load %arg6[%swap3A_146, %swap3A_147] {strides = array<i32>} : memref<32x128xf32, #tpu.memory_space<vmem>>, vector<1x16xf32>,
      %swap3A_149 = vector.shape_cast %swap3A_148 : vector<1x16xf32> to vector<16xf32>
      %swap3A_150 = vector.shape_cast %broadcast_in_dim3A_145 : vector<16xf32> to vector<1x16xf32>
      tpu.vector_store %arg6[%swap3A_146, %swap3A_147], %swap3A_150 {strides = array<i32>} : memref<32x128xf32, #tpu.memory_space<vmem>>, vector<1x16xf32>,
      %broadcast_in_dim3A_151 = arith.constant 0.000000e+00 : f32
      %broadcast_in_dim3A_152 = vector.broadcast %broadcast_in_dim3A_151 : f32 to vector<16xf32>
      %swap3A_153 = arith.index_cast %scan3A_109 : i32 to index
      %swap3A_154 = arith.constant 96 : index
      %swap3A_155 = tpu.vector_load %arg6[%swap3A_153, %swap3A_154] {strides = array<i32>} : memref<32x128xf32, #tpu.memory_space<vmem>>, vector<1x16xf32>,
      %swap3A_156 = vector.shape_cast %swap3A_155 : vector<1x16xf32> to vector<16xf32>
      %swap3A_157 = vector.shape_cast %broadcast_in_dim3A_152 : vector<16xf32> to vector<1x16xf32>
      tpu.vector_store %arg6[%swap3A_153, %swap3A_154], %swap3A_157 {strides = array<i32>} : memref<32x128xf32, #tpu.memory_space<vmem>>, vector<1x16xf32>,
      %broadcast_in_dim3A_158 = arith.constant 0.000000e+00 : f32
      %broadcast_in_dim3A_159 = vector.broadcast %broadcast_in_dim3A_158 : f32 to vector<16xf32>
      %swap3A_160 = arith.index_cast %scan3A_109 : i32 to index
      %swap3A_161 = arith.constant 112 : index
      %swap3A_162 = tpu.vector_load %arg6[%swap3A_160, %swap3A_161] {strides = array<i32>} : memref<32x128xf32, #tpu.memory_space<vmem>>, vector<1x16xf32>,
      %swap3A_163 = vector.shape_cast %swap3A_162 : vector<1x16xf32> to vector<16xf32>
      %swap3A_164 = vector.shape_cast %broadcast_in_dim3A_159 : vector<16xf32> to vector<1x16xf32>
      tpu.vector_store %arg6[%swap3A_160, %swap3A_161], %swap3A_164 {strides = array<i32>} : memref<32x128xf32, #tpu.memory_space<vmem>>, vector<1x16xf32>,
      %scan3A_165 = arith.constant 0 : i32
      scf.yield %scan3A_165 : i32
    }
    %scan3A_13 = arith.constant 32 : i32
    %mul3A_14 = arith.constant 640 : i32
    %mul3A_15 = arith.muli %arg1, %mul3A_14 : i32
    %add3A_16 = arith.constant 0 : i32
    %add3A_17 = arith.addi %mul3A_15, %add3A_16 : i32
    "tpu.region"() ({
      %run_scoped3A = tpu.sem_alloc : memref<!tpu.dma_semaphore, #tpu.memory_space<semaphore_mem>>
      %dma_start3A = arith.constant 0 : i32
      %dma_start3A_109 = tpu.memref_slice %arg4[%add3A_17, %dma_start3A] : memref<10240x128xf32, #tpu.memory_space<vmem_shared>> -> memref<32x128xf32, #tpu.memory_space<vmem_shared>>
      %dma_start3A_110 = arith.constant 0 : i32
      %dma_start3A_111 = tpu.memref_slice %arg4[%add3A_17, %dma_start3A_110] : memref<10240x128xf32, #tpu.memory_space<vmem_shared>> -> memref<32x128xf32, #tpu.memory_space<vmem_shared>>
      tpu.enqueue_dma source(%arg6 : memref<32x128xf32, #tpu.memory_space<vmem>>) target(%dma_start3A_111 : memref<32x128xf32, #tpu.memory_space<vmem_shared>>) target_semaphore(%run_scoped3A : memref<!tpu.dma_semaphore, #tpu.memory_space<semaphore_mem>>)
      %dma_wait3A = arith.constant 0 : i32
      %dma_wait3A_112 = tpu.memref_slice %arg4[%add3A_17, %dma_wait3A] : memref<10240x128xf32, #tpu.memory_space<vmem_shared>> -> memref<32x128xf32, #tpu.memory_space<vmem_shared>>
      %dma_wait3A_113 = arith.constant 0 : i32
      %dma_wait3A_114 = tpu.memref_slice %arg4[%add3A_17, %dma_wait3A_113] : memref<10240x128xf32, #tpu.memory_space<vmem_shared>> -> memref<32x128xf32, #tpu.memory_space<vmem_shared>>
      tpu.wait_dma2 semaphore(%run_scoped3A : memref<!tpu.dma_semaphore, #tpu.memory_space<semaphore_mem>>) src(%arg6 : memref<32x128xf32, #tpu.memory_space<vmem>>) dst(%dma_wait3A_114 : memref<32x128xf32, #tpu.memory_space<vmem_shared>>)
      tpu.yield
    }) : () -> ()
    %mul3A_18 = arith.constant 640 : i32
    %mul3A_19 = arith.muli %arg1, %mul3A_18 : i32
    %add3A_20 = arith.constant 32 : i32
    %add3A_21 = arith.addi %mul3A_19, %add3A_20 : i32
    "tpu.region"() ({
      %run_scoped3A = tpu.sem_alloc : memref<!tpu.dma_semaphore, #tpu.memory_space<semaphore_mem>>
      %dma_start3A = arith.constant 0 : i32
      %dma_start3A_109 = tpu.memref_slice %arg4[%add3A_21, %dma_start3A] : memref<10240x128xf32, #tpu.memory_space<vmem_shared>> -> memref<32x128xf32, #tpu.memory_space<vmem_shared>>
      %dma_start3A_110 = arith.constant 0 : i32
      %dma_start3A_111 = tpu.memref_slice %arg4[%add3A_21, %dma_start3A_110] : memref<10240x128xf32, #tpu.memory_space<vmem_shared>> -> memref<32x128xf32, #tpu.memory_space<vmem_shared>>
      tpu.enqueue_dma source(%arg6 : memref<32x128xf32, #tpu.memory_space<vmem>>) target(%dma_start3A_111 : memref<32x128xf32, #tpu.memory_space<vmem_shared>>) target_semaphore(%run_scoped3A : memref<!tpu.dma_semaphore, #tpu.memory_space<semaphore_mem>>)
      %dma_wait3A = arith.constant 0 : i32
      %dma_wait3A_112 = tpu.memref_slice %arg4[%add3A_21, %dma_wait3A] : memref<10240x128xf32, #tpu.memory_space<vmem_shared>> -> memref<32x128xf32, #tpu.memory_space<vmem_shared>>
      %dma_wait3A_113 = arith.constant 0 : i32
      %dma_wait3A_114 = tpu.memref_slice %arg4[%add3A_21, %dma_wait3A_113] : memref<10240x128xf32, #tpu.memory_space<vmem_shared>> -> memref<32x128xf32, #tpu.memory_space<vmem_shared>>
      tpu.wait_dma2 semaphore(%run_scoped3A : memref<!tpu.dma_semaphore, #tpu.memory_space<semaphore_mem>>) src(%arg6 : memref<32x128xf32, #tpu.memory_space<vmem>>) dst(%dma_wait3A_114 : memref<32x128xf32, #tpu.memory_space<vmem_shared>>)
      tpu.yield
    }) : () -> ()
    %mul3A_22 = arith.constant 640 : i32
    %mul3A_23 = arith.muli %arg1, %mul3A_22 : i32
    %add3A_24 = arith.constant 64 : i32
    %add3A_25 = arith.addi %mul3A_23, %add3A_24 : i32
    "tpu.region"() ({
      %run_scoped3A = tpu.sem_alloc : memref<!tpu.dma_semaphore, #tpu.memory_space<semaphore_mem>>
      %dma_start3A = arith.constant 0 : i32
      %dma_start3A_109 = tpu.memref_slice %arg4[%add3A_25, %dma_start3A] : memref<10240x128xf32, #tpu.memory_space<vmem_shared>> -> memref<32x128xf32, #tpu.memory_space<vmem_shared>>
      %dma_start3A_110 = arith.constant 0 : i32
      %dma_start3A_111 = tpu.memref_slice %arg4[%add3A_25, %dma_start3A_110] : memref<10240x128xf32, #tpu.memory_space<vmem_shared>> -> memref<32x128xf32, #tpu.memory_space<vmem_shared>>
      tpu.enqueue_dma source(%arg6 : memref<32x128xf32, #tpu.memory_space<vmem>>) target(%dma_start3A_111 : memref<32x128xf32, #tpu.memory_space<vmem_shared>>) target_semaphore(%run_scoped3A : memref<!tpu.dma_semaphore, #tpu.memory_space<semaphore_mem>>)
      %dma_wait3A = arith.constant 0 : i32
      %dma_wait3A_112 = tpu.memref_slice %arg4[%add3A_25, %dma_wait3A] : memref<10240x128xf32, #tpu.memory_space<vmem_shared>> -> memref<32x128xf32, #tpu.memory_space<vmem_shared>>
      %dma_wait3A_113 = arith.constant 0 : i32
      %dma_wait3A_114 = tpu.memref_slice %arg4[%add3A_25, %dma_wait3A_113] : memref<10240x128xf32, #tpu.memory_space<vmem_shared>> -> memref<32x128xf32, #tpu.memory_space<vmem_shared>>
      tpu.wait_dma2 semaphore(%run_scoped3A : memref<!tpu.dma_semaphore, #tpu.memory_space<semaphore_mem>>) src(%arg6 : memref<32x128xf32, #tpu.memory_space<vmem>>) dst(%dma_wait3A_114 : memref<32x128xf32, #tpu.memory_space<vmem_shared>>)
      tpu.yield
    }) : () -> ()
    %mul3A_26 = arith.constant 640 : i32
    %mul3A_27 = arith.muli %arg1, %mul3A_26 : i32
    %add3A_28 = arith.constant 96 : i32
    %add3A_29 = arith.addi %mul3A_27, %add3A_28 : i32
    "tpu.region"() ({
      %run_scoped3A = tpu.sem_alloc : memref<!tpu.dma_semaphore, #tpu.memory_space<semaphore_mem>>
      %dma_start3A = arith.constant 0 : i32
      %dma_start3A_109 = tpu.memref_slice %arg4[%add3A_29, %dma_start3A] : memref<10240x128xf32, #tpu.memory_space<vmem_shared>> -> memref<32x128xf32, #tpu.memory_space<vmem_shared>>
      %dma_start3A_110 = arith.constant 0 : i32
      %dma_start3A_111 = tpu.memref_slice %arg4[%add3A_29, %dma_start3A_110] : memref<10240x128xf32, #tpu.memory_space<vmem_shared>> -> memref<32x128xf32, #tpu.memory_space<vmem_shared>>
      tpu.enqueue_dma source(%arg6 : memref<32x128xf32, #tpu.memory_space<vmem>>) target(%dma_start3A_111 : memref<32x128xf32, #tpu.memory_space<vmem_shared>>) target_semaphore(%run_scoped3A : memref<!tpu.dma_semaphore, #tpu.memory_space<semaphore_mem>>)
      %dma_wait3A = arith.constant 0 : i32
      %dma_wait3A_112 = tpu.memref_slice %arg4[%add3A_29, %dma_wait3A] : memref<10240x128xf32, #tpu.memory_space<vmem_shared>> -> memref<32x128xf32, #tpu.memory_space<vmem_shared>>
      %dma_wait3A_113 = arith.constant 0 : i32
      %dma_wait3A_114 = tpu.memref_slice %arg4[%add3A_29, %dma_wait3A_113] : memref<10240x128xf32, #tpu.memory_space<vmem_shared>> -> memref<32x128xf32, #tpu.memory_space<vmem_shared>>
      tpu.wait_dma2 semaphore(%run_scoped3A : memref<!tpu.dma_semaphore, #tpu.memory_space<semaphore_mem>>) src(%arg6 : memref<32x128xf32, #tpu.memory_space<vmem>>) dst(%dma_wait3A_114 : memref<32x128xf32, #tpu.memory_space<vmem_shared>>)
      tpu.yield
    }) : () -> ()
    %mul3A_30 = arith.constant 640 : i32
    %mul3A_31 = arith.muli %arg1, %mul3A_30 : i32
    %add3A_32 = arith.constant 128 : i32
    %add3A_33 = arith.addi %mul3A_31, %add3A_32 : i32
    "tpu.region"() ({
      %run_scoped3A = tpu.sem_alloc : memref<!tpu.dma_semaphore, #tpu.memory_space<semaphore_mem>>
      %dma_start3A = arith.constant 0 : i32
      %dma_start3A_109 = tpu.memref_slice %arg4[%add3A_33, %dma_start3A] : memref<10240x128xf32, #tpu.memory_space<vmem_shared>> -> memref<32x128xf32, #tpu.memory_space<vmem_shared>>
      %dma_start3A_110 = arith.constant 0 : i32
      %dma_start3A_111 = tpu.memref_slice %arg4[%add3A_33, %dma_start3A_110] : memref<10240x128xf32, #tpu.memory_space<vmem_shared>> -> memref<32x128xf32, #tpu.memory_space<vmem_shared>>
      tpu.enqueue_dma source(%arg6 : memref<32x128xf32, #tpu.memory_space<vmem>>) target(%dma_start3A_111 : memref<32x128xf32, #tpu.memory_space<vmem_shared>>) target_semaphore(%run_scoped3A : memref<!tpu.dma_semaphore, #tpu.memory_space<semaphore_mem>>)
      %dma_wait3A = arith.constant 0 : i32
      %dma_wait3A_112 = tpu.memref_slice %arg4[%add3A_33, %dma_wait3A] : memref<10240x128xf32, #tpu.memory_space<vmem_shared>> -> memref<32x128xf32, #tpu.memory_space<vmem_shared>>
      %dma_wait3A_113 = arith.constant 0 : i32
      %dma_wait3A_114 = tpu.memref_slice %arg4[%add3A_33, %dma_wait3A_113] : memref<10240x128xf32, #tpu.memory_space<vmem_shared>> -> memref<32x128xf32, #tpu.memory_space<vmem_shared>>
      tpu.wait_dma2 semaphore(%run_scoped3A : memref<!tpu.dma_semaphore, #tpu.memory_space<semaphore_mem>>) src(%arg6 : memref<32x128xf32, #tpu.memory_space<vmem>>) dst(%dma_wait3A_114 : memref<32x128xf32, #tpu.memory_space<vmem_shared>>)
      tpu.yield
    }) : () -> ()
    %mul3A_34 = arith.constant 640 : i32
    %mul3A_35 = arith.muli %arg1, %mul3A_34 : i32
    %add3A_36 = arith.constant 160 : i32
    %add3A_37 = arith.addi %mul3A_35, %add3A_36 : i32
    "tpu.region"() ({
      %run_scoped3A = tpu.sem_alloc : memref<!tpu.dma_semaphore, #tpu.memory_space<semaphore_mem>>
      %dma_start3A = arith.constant 0 : i32
      %dma_start3A_109 = tpu.memref_slice %arg4[%add3A_37, %dma_start3A] : memref<10240x128xf32, #tpu.memory_space<vmem_shared>> -> memref<32x128xf32, #tpu.memory_space<vmem_shared>>
      %dma_start3A_110 = arith.constant 0 : i32
      %dma_start3A_111 = tpu.memref_slice %arg4[%add3A_37, %dma_start3A_110] : memref<10240x128xf32, #tpu.memory_space<vmem_shared>> -> memref<32x128xf32, #tpu.memory_space<vmem_shared>>
      tpu.enqueue_dma source(%arg6 : memref<32x128xf32, #tpu.memory_space<vmem>>) target(%dma_start3A_111 : memref<32x128xf32, #tpu.memory_space<vmem_shared>>) target_semaphore(%run_scoped3A : memref<!tpu.dma_semaphore, #tpu.memory_space<semaphore_mem>>)
      %dma_wait3A = arith.constant 0 : i32
      %dma_wait3A_112 = tpu.memref_slice %arg4[%add3A_37, %dma_wait3A] : memref<10240x128xf32, #tpu.memory_space<vmem_shared>> -> memref<32x128xf32, #tpu.memory_space<vmem_shared>>
      %dma_wait3A_113 = arith.constant 0 : i32
      %dma_wait3A_114 = tpu.memref_slice %arg4[%add3A_37, %dma_wait3A_113] : memref<10240x128xf32, #tpu.memory_space<vmem_shared>> -> memref<32x128xf32, #tpu.memory_space<vmem_shared>>
      tpu.wait_dma2 semaphore(%run_scoped3A : memref<!tpu.dma_semaphore, #tpu.memory_space<semaphore_mem>>) src(%arg6 : memref<32x128xf32, #tpu.memory_space<vmem>>) dst(%dma_wait3A_114 : memref<32x128xf32, #tpu.memory_space<vmem_shared>>)
      tpu.yield
    }) : () -> ()
    %mul3A_38 = arith.constant 640 : i32
    %mul3A_39 = arith.muli %arg1, %mul3A_38 : i32
    %add3A_40 = arith.constant 192 : i32
    %add3A_41 = arith.addi %mul3A_39, %add3A_40 : i32
    "tpu.region"() ({
      %run_scoped3A = tpu.sem_alloc : memref<!tpu.dma_semaphore, #tpu.memory_space<semaphore_mem>>
      %dma_start3A = arith.constant 0 : i32
      %dma_start3A_109 = tpu.memref_slice %arg4[%add3A_41, %dma_start3A] : memref<10240x128xf32, #tpu.memory_space<vmem_shared>> -> memref<32x128xf32, #tpu.memory_space<vmem_shared>>
      %dma_start3A_110 = arith.constant 0 : i32
      %dma_start3A_111 = tpu.memref_slice %arg4[%add3A_41, %dma_start3A_110] : memref<10240x128xf32, #tpu.memory_space<vmem_shared>> -> memref<32x128xf32, #tpu.memory_space<vmem_shared>>
      tpu.enqueue_dma source(%arg6 : memref<32x128xf32, #tpu.memory_space<vmem>>) target(%dma_start3A_111 : memref<32x128xf32, #tpu.memory_space<vmem_shared>>) target_semaphore(%run_scoped3A : memref<!tpu.dma_semaphore, #tpu.memory_space<semaphore_mem>>)
      %dma_wait3A = arith.constant 0 : i32
      %dma_wait3A_112 = tpu.memref_slice %arg4[%add3A_41, %dma_wait3A] : memref<10240x128xf32, #tpu.memory_space<vmem_shared>> -> memref<32x128xf32, #tpu.memory_space<vmem_shared>>
      %dma_wait3A_113 = arith.constant 0 : i32
      %dma_wait3A_114 = tpu.memref_slice %arg4[%add3A_41, %dma_wait3A_113] : memref<10240x128xf32, #tpu.memory_space<vmem_shared>> -> memref<32x128xf32, #tpu.memory_space<vmem_shared>>
      tpu.wait_dma2 semaphore(%run_scoped3A : memref<!tpu.dma_semaphore, #tpu.memory_space<semaphore_mem>>) src(%arg6 : memref<32x128xf32, #tpu.memory_space<vmem>>) dst(%dma_wait3A_114 : memref<32x128xf32, #tpu.memory_space<vmem_shared>>)
      tpu.yield
    }) : () -> ()
    %mul3A_42 = arith.constant 640 : i32
    %mul3A_43 = arith.muli %arg1, %mul3A_42 : i32
    %add3A_44 = arith.constant 224 : i32
    %add3A_45 = arith.addi %mul3A_43, %add3A_44 : i32
    "tpu.region"() ({
      %run_scoped3A = tpu.sem_alloc : memref<!tpu.dma_semaphore, #tpu.memory_space<semaphore_mem>>
      %dma_start3A = arith.constant 0 : i32
      %dma_start3A_109 = tpu.memref_slice %arg4[%add3A_45, %dma_start3A] : memref<10240x128xf32, #tpu.memory_space<vmem_shared>> -> memref<32x128xf32, #tpu.memory_space<vmem_shared>>
      %dma_start3A_110 = arith.constant 0 : i32
      %dma_start3A_111 = tpu.memref_slice %arg4[%add3A_45, %dma_start3A_110] : memref<10240x128xf32, #tpu.memory_space<vmem_shared>> -> memref<32x128xf32, #tpu.memory_space<vmem_shared>>
      tpu.enqueue_dma source(%arg6 : memref<32x128xf32, #tpu.memory_space<vmem>>) target(%dma_start3A_111 : memref<32x128xf32, #tpu.memory_space<vmem_shared>>) target_semaphore(%run_scoped3A : memref<!tpu.dma_semaphore, #tpu.memory_space<semaphore_mem>>)
      %dma_wait3A = arith.constant 0 : i32
      %dma_wait3A_112 = tpu.memref_slice %arg4[%add3A_45, %dma_wait3A] : memref<10240x128xf32, #tpu.memory_space<vmem_shared>> -> memref<32x128xf32, #tpu.memory_space<vmem_shared>>
      %dma_wait3A_113 = arith.constant 0 : i32
      %dma_wait3A_114 = tpu.memref_slice %arg4[%add3A_45, %dma_wait3A_113] : memref<10240x128xf32, #tpu.memory_space<vmem_shared>> -> memref<32x128xf32, #tpu.memory_space<vmem_shared>>
      tpu.wait_dma2 semaphore(%run_scoped3A : memref<!tpu.dma_semaphore, #tpu.memory_space<semaphore_mem>>) src(%arg6 : memref<32x128xf32, #tpu.memory_space<vmem>>) dst(%dma_wait3A_114 : memref<32x128xf32, #tpu.memory_space<vmem_shared>>)
      tpu.yield
    }) : () -> ()
    %mul3A_46 = arith.constant 640 : i32
    %mul3A_47 = arith.muli %arg1, %mul3A_46 : i32
    %add3A_48 = arith.constant 256 : i32
    %add3A_49 = arith.addi %mul3A_47, %add3A_48 : i32
    "tpu.region"() ({
      %run_scoped3A = tpu.sem_alloc : memref<!tpu.dma_semaphore, #tpu.memory_space<semaphore_mem>>
      %dma_start3A = arith.constant 0 : i32
      %dma_start3A_109 = tpu.memref_slice %arg4[%add3A_49, %dma_start3A] : memref<10240x128xf32, #tpu.memory_space<vmem_shared>> -> memref<32x128xf32, #tpu.memory_space<vmem_shared>>
      %dma_start3A_110 = arith.constant 0 : i32
      %dma_start3A_111 = tpu.memref_slice %arg4[%add3A_49, %dma_start3A_110] : memref<10240x128xf32, #tpu.memory_space<vmem_shared>> -> memref<32x128xf32, #tpu.memory_space<vmem_shared>>
      tpu.enqueue_dma source(%arg6 : memref<32x128xf32, #tpu.memory_space<vmem>>) target(%dma_start3A_111 : memref<32x128xf32, #tpu.memory_space<vmem_shared>>) target_semaphore(%run_scoped3A : memref<!tpu.dma_semaphore, #tpu.memory_space<semaphore_mem>>)
      %dma_wait3A = arith.constant 0 : i32
      %dma_wait3A_112 = tpu.memref_slice %arg4[%add3A_49, %dma_wait3A] : memref<10240x128xf32, #tpu.memory_space<vmem_shared>> -> memref<32x128xf32, #tpu.memory_space<vmem_shared>>
      %dma_wait3A_113 = arith.constant 0 : i32
      %dma_wait3A_114 = tpu.memref_slice %arg4[%add3A_49, %dma_wait3A_113] : memref<10240x128xf32, #tpu.memory_space<vmem_shared>> -> memref<32x128xf32, #tpu.memory_space<vmem_shared>>
      tpu.wait_dma2 semaphore(%run_scoped3A : memref<!tpu.dma_semaphore, #tpu.memory_space<semaphore_mem>>) src(%arg6 : memref<32x128xf32, #tpu.memory_space<vmem>>) dst(%dma_wait3A_114 : memref<32x128xf32, #tpu.memory_space<vmem_shared>>)
      tpu.yield
    }) : () -> ()
    %mul3A_50 = arith.constant 640 : i32
    %mul3A_51 = arith.muli %arg1, %mul3A_50 : i32
    %add3A_52 = arith.constant 288 : i32
    %add3A_53 = arith.addi %mul3A_51, %add3A_52 : i32
    "tpu.region"() ({
      %run_scoped3A = tpu.sem_alloc : memref<!tpu.dma_semaphore, #tpu.memory_space<semaphore_mem>>
      %dma_start3A = arith.constant 0 : i32
      %dma_start3A_109 = tpu.memref_slice %arg4[%add3A_53, %dma_start3A] : memref<10240x128xf32, #tpu.memory_space<vmem_shared>> -> memref<32x128xf32, #tpu.memory_space<vmem_shared>>
      %dma_start3A_110 = arith.constant 0 : i32
      %dma_start3A_111 = tpu.memref_slice %arg4[%add3A_53, %dma_start3A_110] : memref<10240x128xf32, #tpu.memory_space<vmem_shared>> -> memref<32x128xf32, #tpu.memory_space<vmem_shared>>
      tpu.enqueue_dma source(%arg6 : memref<32x128xf32, #tpu.memory_space<vmem>>) target(%dma_start3A_111 : memref<32x128xf32, #tpu.memory_space<vmem_shared>>) target_semaphore(%run_scoped3A : memref<!tpu.dma_semaphore, #tpu.memory_space<semaphore_mem>>)
      %dma_wait3A = arith.constant 0 : i32
      %dma_wait3A_112 = tpu.memref_slice %arg4[%add3A_53, %dma_wait3A] : memref<10240x128xf32, #tpu.memory_space<vmem_shared>> -> memref<32x128xf32, #tpu.memory_space<vmem_shared>>
      %dma_wait3A_113 = arith.constant 0 : i32
      %dma_wait3A_114 = tpu.memref_slice %arg4[%add3A_53, %dma_wait3A_113] : memref<10240x128xf32, #tpu.memory_space<vmem_shared>> -> memref<32x128xf32, #tpu.memory_space<vmem_shared>>
      tpu.wait_dma2 semaphore(%run_scoped3A : memref<!tpu.dma_semaphore, #tpu.memory_space<semaphore_mem>>) src(%arg6 : memref<32x128xf32, #tpu.memory_space<vmem>>) dst(%dma_wait3A_114 : memref<32x128xf32, #tpu.memory_space<vmem_shared>>)
      tpu.yield
    }) : () -> ()
    %mul3A_54 = arith.constant 640 : i32
    %mul3A_55 = arith.muli %arg1, %mul3A_54 : i32
    %add3A_56 = arith.constant 320 : i32
    %add3A_57 = arith.addi %mul3A_55, %add3A_56 : i32
    "tpu.region"() ({
      %run_scoped3A = tpu.sem_alloc : memref<!tpu.dma_semaphore, #tpu.memory_space<semaphore_mem>>
      %dma_start3A = arith.constant 0 : i32
      %dma_start3A_109 = tpu.memref_slice %arg4[%add3A_57, %dma_start3A] : memref<10240x128xf32, #tpu.memory_space<vmem_shared>> -> memref<32x128xf32, #tpu.memory_space<vmem_shared>>
      %dma_start3A_110 = arith.constant 0 : i32
      %dma_start3A_111 = tpu.memref_slice %arg4[%add3A_57, %dma_start3A_110] : memref<10240x128xf32, #tpu.memory_space<vmem_shared>> -> memref<32x128xf32, #tpu.memory_space<vmem_shared>>
      tpu.enqueue_dma source(%arg6 : memref<32x128xf32, #tpu.memory_space<vmem>>) target(%dma_start3A_111 : memref<32x128xf32, #tpu.memory_space<vmem_shared>>) target_semaphore(%run_scoped3A : memref<!tpu.dma_semaphore, #tpu.memory_space<semaphore_mem>>)
      %dma_wait3A = arith.constant 0 : i32
      %dma_wait3A_112 = tpu.memref_slice %arg4[%add3A_57, %dma_wait3A] : memref<10240x128xf32, #tpu.memory_space<vmem_shared>> -> memref<32x128xf32, #tpu.memory_space<vmem_shared>>
      %dma_wait3A_113 = arith.constant 0 : i32
      %dma_wait3A_114 = tpu.memref_slice %arg4[%add3A_57, %dma_wait3A_113] : memref<10240x128xf32, #tpu.memory_space<vmem_shared>> -> memref<32x128xf32, #tpu.memory_space<vmem_shared>>
      tpu.wait_dma2 semaphore(%run_scoped3A : memref<!tpu.dma_semaphore, #tpu.memory_space<semaphore_mem>>) src(%arg6 : memref<32x128xf32, #tpu.memory_space<vmem>>) dst(%dma_wait3A_114 : memref<32x128xf32, #tpu.memory_space<vmem_shared>>)
      tpu.yield
    }) : () -> ()
    %mul3A_58 = arith.constant 640 : i32
    %mul3A_59 = arith.muli %arg1, %mul3A_58 : i32
    %add3A_60 = arith.constant 352 : i32
    %add3A_61 = arith.addi %mul3A_59, %add3A_60 : i32
    "tpu.region"() ({
      %run_scoped3A = tpu.sem_alloc : memref<!tpu.dma_semaphore, #tpu.memory_space<semaphore_mem>>
      %dma_start3A = arith.constant 0 : i32
      %dma_start3A_109 = tpu.memref_slice %arg4[%add3A_61, %dma_start3A] : memref<10240x128xf32, #tpu.memory_space<vmem_shared>> -> memref<32x128xf32, #tpu.memory_space<vmem_shared>>
      %dma_start3A_110 = arith.constant 0 : i32
      %dma_start3A_111 = tpu.memref_slice %arg4[%add3A_61, %dma_start3A_110] : memref<10240x128xf32, #tpu.memory_space<vmem_shared>> -> memref<32x128xf32, #tpu.memory_space<vmem_shared>>
      tpu.enqueue_dma source(%arg6 : memref<32x128xf32, #tpu.memory_space<vmem>>) target(%dma_start3A_111 : memref<32x128xf32, #tpu.memory_space<vmem_shared>>) target_semaphore(%run_scoped3A : memref<!tpu.dma_semaphore, #tpu.memory_space<semaphore_mem>>)
      %dma_wait3A = arith.constant 0 : i32
      %dma_wait3A_112 = tpu.memref_slice %arg4[%add3A_61, %dma_wait3A] : memref<10240x128xf32, #tpu.memory_space<vmem_shared>> -> memref<32x128xf32, #tpu.memory_space<vmem_shared>>
      %dma_wait3A_113 = arith.constant 0 : i32
      %dma_wait3A_114 = tpu.memref_slice %arg4[%add3A_61, %dma_wait3A_113] : memref<10240x128xf32, #tpu.memory_space<vmem_shared>> -> memref<32x128xf32, #tpu.memory_space<vmem_shared>>
      tpu.wait_dma2 semaphore(%run_scoped3A : memref<!tpu.dma_semaphore, #tpu.memory_space<semaphore_mem>>) src(%arg6 : memref<32x128xf32, #tpu.memory_space<vmem>>) dst(%dma_wait3A_114 : memref<32x128xf32, #tpu.memory_space<vmem_shared>>)
      tpu.yield
    }) : () -> ()
    %mul3A_62 = arith.constant 640 : i32
    %mul3A_63 = arith.muli %arg1, %mul3A_62 : i32
    %add3A_64 = arith.constant 384 : i32
    %add3A_65 = arith.addi %mul3A_63, %add3A_64 : i32
    "tpu.region"() ({
      %run_scoped3A = tpu.sem_alloc : memref<!tpu.dma_semaphore, #tpu.memory_space<semaphore_mem>>
      %dma_start3A = arith.constant 0 : i32
      %dma_start3A_109 = tpu.memref_slice %arg4[%add3A_65, %dma_start3A] : memref<10240x128xf32, #tpu.memory_space<vmem_shared>> -> memref<32x128xf32, #tpu.memory_space<vmem_shared>>
      %dma_start3A_110 = arith.constant 0 : i32
      %dma_start3A_111 = tpu.memref_slice %arg4[%add3A_65, %dma_start3A_110] : memref<10240x128xf32, #tpu.memory_space<vmem_shared>> -> memref<32x128xf32, #tpu.memory_space<vmem_shared>>
      tpu.enqueue_dma source(%arg6 : memref<32x128xf32, #tpu.memory_space<vmem>>) target(%dma_start3A_111 : memref<32x128xf32, #tpu.memory_space<vmem_shared>>) target_semaphore(%run_scoped3A : memref<!tpu.dma_semaphore, #tpu.memory_space<semaphore_mem>>)
      %dma_wait3A = arith.constant 0 : i32
      %dma_wait3A_112 = tpu.memref_slice %arg4[%add3A_65, %dma_wait3A] : memref<10240x128xf32, #tpu.memory_space<vmem_shared>> -> memref<32x128xf32, #tpu.memory_space<vmem_shared>>
      %dma_wait3A_113 = arith.constant 0 : i32
      %dma_wait3A_114 = tpu.memref_slice %arg4[%add3A_65, %dma_wait3A_113] : memref<10240x128xf32, #tpu.memory_space<vmem_shared>> -> memref<32x128xf32, #tpu.memory_space<vmem_shared>>
      tpu.wait_dma2 semaphore(%run_scoped3A : memref<!tpu.dma_semaphore, #tpu.memory_space<semaphore_mem>>) src(%arg6 : memref<32x128xf32, #tpu.memory_space<vmem>>) dst(%dma_wait3A_114 : memref<32x128xf32, #tpu.memory_space<vmem_shared>>)
      tpu.yield
    }) : () -> ()
    %mul3A_66 = arith.constant 640 : i32
    %mul3A_67 = arith.muli %arg1, %mul3A_66 : i32
    %add3A_68 = arith.constant 416 : i32
    %add3A_69 = arith.addi %mul3A_67, %add3A_68 : i32
    "tpu.region"() ({
      %run_scoped3A = tpu.sem_alloc : memref<!tpu.dma_semaphore, #tpu.memory_space<semaphore_mem>>
      %dma_start3A = arith.constant 0 : i32
      %dma_start3A_109 = tpu.memref_slice %arg4[%add3A_69, %dma_start3A] : memref<10240x128xf32, #tpu.memory_space<vmem_shared>> -> memref<32x128xf32, #tpu.memory_space<vmem_shared>>
      %dma_start3A_110 = arith.constant 0 : i32
      %dma_start3A_111 = tpu.memref_slice %arg4[%add3A_69, %dma_start3A_110] : memref<10240x128xf32, #tpu.memory_space<vmem_shared>> -> memref<32x128xf32, #tpu.memory_space<vmem_shared>>
      tpu.enqueue_dma source(%arg6 : memref<32x128xf32, #tpu.memory_space<vmem>>) target(%dma_start3A_111 : memref<32x128xf32, #tpu.memory_space<vmem_shared>>) target_semaphore(%run_scoped3A : memref<!tpu.dma_semaphore, #tpu.memory_space<semaphore_mem>>)
      %dma_wait3A = arith.constant 0 : i32
      %dma_wait3A_112 = tpu.memref_slice %arg4[%add3A_69, %dma_wait3A] : memref<10240x128xf32, #tpu.memory_space<vmem_shared>> -> memref<32x128xf32, #tpu.memory_space<vmem_shared>>
      %dma_wait3A_113 = arith.constant 0 : i32
      %dma_wait3A_114 = tpu.memref_slice %arg4[%add3A_69, %dma_wait3A_113] : memref<10240x128xf32, #tpu.memory_space<vmem_shared>> -> memref<32x128xf32, #tpu.memory_space<vmem_shared>>
      tpu.wait_dma2 semaphore(%run_scoped3A : memref<!tpu.dma_semaphore, #tpu.memory_space<semaphore_mem>>) src(%arg6 : memref<32x128xf32, #tpu.memory_space<vmem>>) dst(%dma_wait3A_114 : memref<32x128xf32, #tpu.memory_space<vmem_shared>>)
      tpu.yield
    }) : () -> ()
    %mul3A_70 = arith.constant 640 : i32
    %mul3A_71 = arith.muli %arg1, %mul3A_70 : i32
    %add3A_72 = arith.constant 448 : i32
    %add3A_73 = arith.addi %mul3A_71, %add3A_72 : i32
    "tpu.region"() ({
      %run_scoped3A = tpu.sem_alloc : memref<!tpu.dma_semaphore, #tpu.memory_space<semaphore_mem>>
      %dma_start3A = arith.constant 0 : i32
      %dma_start3A_109 = tpu.memref_slice %arg4[%add3A_73, %dma_start3A] : memref<10240x128xf32, #tpu.memory_space<vmem_shared>> -> memref<32x128xf32, #tpu.memory_space<vmem_shared>>
      %dma_start3A_110 = arith.constant 0 : i32
      %dma_start3A_111 = tpu.memref_slice %arg4[%add3A_73, %dma_start3A_110] : memref<10240x128xf32, #tpu.memory_space<vmem_shared>> -> memref<32x128xf32, #tpu.memory_space<vmem_shared>>
      tpu.enqueue_dma source(%arg6 : memref<32x128xf32, #tpu.memory_space<vmem>>) target(%dma_start3A_111 : memref<32x128xf32, #tpu.memory_space<vmem_shared>>) target_semaphore(%run_scoped3A : memref<!tpu.dma_semaphore, #tpu.memory_space<semaphore_mem>>)
      %dma_wait3A = arith.constant 0 : i32
      %dma_wait3A_112 = tpu.memref_slice %arg4[%add3A_73, %dma_wait3A] : memref<10240x128xf32, #tpu.memory_space<vmem_shared>> -> memref<32x128xf32, #tpu.memory_space<vmem_shared>>
      %dma_wait3A_113 = arith.constant 0 : i32
      %dma_wait3A_114 = tpu.memref_slice %arg4[%add3A_73, %dma_wait3A_113] : memref<10240x128xf32, #tpu.memory_space<vmem_shared>> -> memref<32x128xf32, #tpu.memory_space<vmem_shared>>
      tpu.wait_dma2 semaphore(%run_scoped3A : memref<!tpu.dma_semaphore, #tpu.memory_space<semaphore_mem>>) src(%arg6 : memref<32x128xf32, #tpu.memory_space<vmem>>) dst(%dma_wait3A_114 : memref<32x128xf32, #tpu.memory_space<vmem_shared>>)
      tpu.yield
    }) : () -> ()
    %mul3A_74 = arith.constant 640 : i32
    %mul3A_75 = arith.muli %arg1, %mul3A_74 : i32
    %add3A_76 = arith.constant 480 : i32
    %add3A_77 = arith.addi %mul3A_75, %add3A_76 : i32
    "tpu.region"() ({
      %run_scoped3A = tpu.sem_alloc : memref<!tpu.dma_semaphore, #tpu.memory_space<semaphore_mem>>
      %dma_start3A = arith.constant 0 : i32
      %dma_start3A_109 = tpu.memref_slice %arg4[%add3A_77, %dma_start3A] : memref<10240x128xf32, #tpu.memory_space<vmem_shared>> -> memref<32x128xf32, #tpu.memory_space<vmem_shared>>
      %dma_start3A_110 = arith.constant 0 : i32
      %dma_start3A_111 = tpu.memref_slice %arg4[%add3A_77, %dma_start3A_110] : memref<10240x128xf32, #tpu.memory_space<vmem_shared>> -> memref<32x128xf32, #tpu.memory_space<vmem_shared>>
      tpu.enqueue_dma source(%arg6 : memref<32x128xf32, #tpu.memory_space<vmem>>) target(%dma_start3A_111 : memref<32x128xf32, #tpu.memory_space<vmem_shared>>) target_semaphore(%run_scoped3A : memref<!tpu.dma_semaphore, #tpu.memory_space<semaphore_mem>>)
      %dma_wait3A = arith.constant 0 : i32
      %dma_wait3A_112 = tpu.memref_slice %arg4[%add3A_77, %dma_wait3A] : memref<10240x128xf32, #tpu.memory_space<vmem_shared>> -> memref<32x128xf32, #tpu.memory_space<vmem_shared>>
      %dma_wait3A_113 = arith.constant 0 : i32
      %dma_wait3A_114 = tpu.memref_slice %arg4[%add3A_77, %dma_wait3A_113] : memref<10240x128xf32, #tpu.memory_space<vmem_shared>> -> memref<32x128xf32, #tpu.memory_space<vmem_shared>>
      tpu.wait_dma2 semaphore(%run_scoped3A : memref<!tpu.dma_semaphore, #tpu.memory_space<semaphore_mem>>) src(%arg6 : memref<32x128xf32, #tpu.memory_space<vmem>>) dst(%dma_wait3A_114 : memref<32x128xf32, #tpu.memory_space<vmem_shared>>)
      tpu.yield
    }) : () -> ()
    %mul3A_78 = arith.constant 640 : i32
    %mul3A_79 = arith.muli %arg1, %mul3A_78 : i32
    %add3A_80 = arith.constant 512 : i32
    %add3A_81 = arith.addi %mul3A_79, %add3A_80 : i32
    "tpu.region"() ({
      %run_scoped3A = tpu.sem_alloc : memref<!tpu.dma_semaphore, #tpu.memory_space<semaphore_mem>>
      %dma_start3A = arith.constant 0 : i32
      %dma_start3A_109 = tpu.memref_slice %arg4[%add3A_81, %dma_start3A] : memref<10240x128xf32, #tpu.memory_space<vmem_shared>> -> memref<32x128xf32, #tpu.memory_space<vmem_shared>>
      %dma_start3A_110 = arith.constant 0 : i32
      %dma_start3A_111 = tpu.memref_slice %arg4[%add3A_81, %dma_start3A_110] : memref<10240x128xf32, #tpu.memory_space<vmem_shared>> -> memref<32x128xf32, #tpu.memory_space<vmem_shared>>
      tpu.enqueue_dma source(%arg6 : memref<32x128xf32, #tpu.memory_space<vmem>>) target(%dma_start3A_111 : memref<32x128xf32, #tpu.memory_space<vmem_shared>>) target_semaphore(%run_scoped3A : memref<!tpu.dma_semaphore, #tpu.memory_space<semaphore_mem>>)
      %dma_wait3A = arith.constant 0 : i32
      %dma_wait3A_112 = tpu.memref_slice %arg4[%add3A_81, %dma_wait3A] : memref<10240x128xf32, #tpu.memory_space<vmem_shared>> -> memref<32x128xf32, #tpu.memory_space<vmem_shared>>
      %dma_wait3A_113 = arith.constant 0 : i32
      %dma_wait3A_114 = tpu.memref_slice %arg4[%add3A_81, %dma_wait3A_113] : memref<10240x128xf32, #tpu.memory_space<vmem_shared>> -> memref<32x128xf32, #tpu.memory_space<vmem_shared>>
      tpu.wait_dma2 semaphore(%run_scoped3A : memref<!tpu.dma_semaphore, #tpu.memory_space<semaphore_mem>>) src(%arg6 : memref<32x128xf32, #tpu.memory_space<vmem>>) dst(%dma_wait3A_114 : memref<32x128xf32, #tpu.memory_space<vmem_shared>>)
      tpu.yield
    }) : () -> ()
    %mul3A_82 = arith.constant 640 : i32
    %mul3A_83 = arith.muli %arg1, %mul3A_82 : i32
    %add3A_84 = arith.constant 544 : i32
    %add3A_85 = arith.addi %mul3A_83, %add3A_84 : i32
    "tpu.region"() ({
      %run_scoped3A = tpu.sem_alloc : memref<!tpu.dma_semaphore, #tpu.memory_space<semaphore_mem>>
      %dma_start3A = arith.constant 0 : i32
      %dma_start3A_109 = tpu.memref_slice %arg4[%add3A_85, %dma_start3A] : memref<10240x128xf32, #tpu.memory_space<vmem_shared>> -> memref<32x128xf32, #tpu.memory_space<vmem_shared>>
      %dma_start3A_110 = arith.constant 0 : i32
      %dma_start3A_111 = tpu.memref_slice %arg4[%add3A_85, %dma_start3A_110] : memref<10240x128xf32, #tpu.memory_space<vmem_shared>> -> memref<32x128xf32, #tpu.memory_space<vmem_shared>>
      tpu.enqueue_dma source(%arg6 : memref<32x128xf32, #tpu.memory_space<vmem>>) target(%dma_start3A_111 : memref<32x128xf32, #tpu.memory_space<vmem_shared>>) target_semaphore(%run_scoped3A : memref<!tpu.dma_semaphore, #tpu.memory_space<semaphore_mem>>)
      %dma_wait3A = arith.constant 0 : i32
      %dma_wait3A_112 = tpu.memref_slice %arg4[%add3A_85, %dma_wait3A] : memref<10240x128xf32, #tpu.memory_space<vmem_shared>> -> memref<32x128xf32, #tpu.memory_space<vmem_shared>>
      %dma_wait3A_113 = arith.constant 0 : i32
      %dma_wait3A_114 = tpu.memref_slice %arg4[%add3A_85, %dma_wait3A_113] : memref<10240x128xf32, #tpu.memory_space<vmem_shared>> -> memref<32x128xf32, #tpu.memory_space<vmem_shared>>
      tpu.wait_dma2 semaphore(%run_scoped3A : memref<!tpu.dma_semaphore, #tpu.memory_space<semaphore_mem>>) src(%arg6 : memref<32x128xf32, #tpu.memory_space<vmem>>) dst(%dma_wait3A_114 : memref<32x128xf32, #tpu.memory_space<vmem_shared>>)
      tpu.yield
    }) : () -> ()
    %mul3A_86 = arith.constant 640 : i32
    %mul3A_87 = arith.muli %arg1, %mul3A_86 : i32
    %add3A_88 = arith.constant 576 : i32
    %add3A_89 = arith.addi %mul3A_87, %add3A_88 : i32
    "tpu.region"() ({
      %run_scoped3A = tpu.sem_alloc : memref<!tpu.dma_semaphore, #tpu.memory_space<semaphore_mem>>
      %dma_start3A = arith.constant 0 : i32
      %dma_start3A_109 = tpu.memref_slice %arg4[%add3A_89, %dma_start3A] : memref<10240x128xf32, #tpu.memory_space<vmem_shared>> -> memref<32x128xf32, #tpu.memory_space<vmem_shared>>
      %dma_start3A_110 = arith.constant 0 : i32
      %dma_start3A_111 = tpu.memref_slice %arg4[%add3A_89, %dma_start3A_110] : memref<10240x128xf32, #tpu.memory_space<vmem_shared>> -> memref<32x128xf32, #tpu.memory_space<vmem_shared>>
      tpu.enqueue_dma source(%arg6 : memref<32x128xf32, #tpu.memory_space<vmem>>) target(%dma_start3A_111 : memref<32x128xf32, #tpu.memory_space<vmem_shared>>) target_semaphore(%run_scoped3A : memref<!tpu.dma_semaphore, #tpu.memory_space<semaphore_mem>>)
      %dma_wait3A = arith.constant 0 : i32
      %dma_wait3A_112 = tpu.memref_slice %arg4[%add3A_89, %dma_wait3A] : memref<10240x128xf32, #tpu.memory_space<vmem_shared>> -> memref<32x128xf32, #tpu.memory_space<vmem_shared>>
      %dma_wait3A_113 = arith.constant 0 : i32
      %dma_wait3A_114 = tpu.memref_slice %arg4[%add3A_89, %dma_wait3A_113] : memref<10240x128xf32, #tpu.memory_space<vmem_shared>> -> memref<32x128xf32, #tpu.memory_space<vmem_shared>>
      tpu.wait_dma2 semaphore(%run_scoped3A : memref<!tpu.dma_semaphore, #tpu.memory_space<semaphore_mem>>) src(%arg6 : memref<32x128xf32, #tpu.memory_space<vmem>>) dst(%dma_wait3A_114 : memref<32x128xf32, #tpu.memory_space<vmem_shared>>)
      tpu.yield
    }) : () -> ()
    %mul3A_90 = arith.constant 640 : i32
    %mul3A_91 = arith.muli %arg1, %mul3A_90 : i32
    %add3A_92 = arith.constant 608 : i32
    %add3A_93 = arith.addi %mul3A_91, %add3A_92 : i32
    "tpu.region"() ({
      %run_scoped3A = tpu.sem_alloc : memref<!tpu.dma_semaphore, #tpu.memory_space<semaphore_mem>>
      %dma_start3A = arith.constant 0 : i32
      %dma_start3A_109 = tpu.memref_slice %arg4[%add3A_93, %dma_start3A] : memref<10240x128xf32, #tpu.memory_space<vmem_shared>> -> memref<32x128xf32, #tpu.memory_space<vmem_shared>>
      %dma_start3A_110 = arith.constant 0 : i32
      %dma_start3A_111 = tpu.memref_slice %arg4[%add3A_93, %dma_start3A_110] : memref<10240x128xf32, #tpu.memory_space<vmem_shared>> -> memref<32x128xf32, #tpu.memory_space<vmem_shared>>
      tpu.enqueue_dma source(%arg6 : memref<32x128xf32, #tpu.memory_space<vmem>>) target(%dma_start3A_111 : memref<32x128xf32, #tpu.memory_space<vmem_shared>>) target_semaphore(%run_scoped3A : memref<!tpu.dma_semaphore, #tpu.memory_space<semaphore_mem>>)
      %dma_wait3A = arith.constant 0 : i32
      %dma_wait3A_112 = tpu.memref_slice %arg4[%add3A_93, %dma_wait3A] : memref<10240x128xf32, #tpu.memory_space<vmem_shared>> -> memref<32x128xf32, #tpu.memory_space<vmem_shared>>
      %dma_wait3A_113 = arith.constant 0 : i32
      %dma_wait3A_114 = tpu.memref_slice %arg4[%add3A_93, %dma_wait3A_113] : memref<10240x128xf32, #tpu.memory_space<vmem_shared>> -> memref<32x128xf32, #tpu.memory_space<vmem_shared>>
      tpu.wait_dma2 semaphore(%run_scoped3A : memref<!tpu.dma_semaphore, #tpu.memory_space<semaphore_mem>>) src(%arg6 : memref<32x128xf32, #tpu.memory_space<vmem>>) dst(%dma_wait3A_114 : memref<32x128xf32, #tpu.memory_space<vmem_shared>>)
      tpu.yield
    }) : () -> ()
    %barrier3A = arith.constant 0 : index
    tpu.barrier barrier_id(%barrier3A)
    %scan3A_94 = arith.constant 0 : i32
    %scan3A_95 = arith.constant 0 : i32
    %scan3A_96 = arith.constant 80 : i32
    %scan3A_97 = arith.addi %scan3A_95, %scan3A_96 : i32
    %scan3A_98 = arith.constant 1 : i32
    %scan3A_99 = scf.for %scan3A_109 = %scan3A_95 to %scan3A_97 step %scan3A_98 iter_args(%scan3A_110 = %scan3A_94) -> (i32)  : i32 {
      "tpu.region"() ({
        %run_scoped3A = tpu.sem_alloc : memref<!tpu.dma_semaphore, #tpu.memory_space<semaphore_mem>>
        %dma_start3A = arith.constant 0 : i32
        %dma_start3A_112 = tpu.memref_slice %arg7[%scan3A_109, %dma_start3A] : memref<80x125xi32, #tpu.memory_space<vmem>> -> memref<1x125xi32, #tpu.memory_space<vmem>>
        %dma_start3A_113 = tpu.memref_squeeze %dma_start3A_112 : memref<1x125xi32, #tpu.memory_space<vmem>> -> memref<125xi32, #tpu.memory_space<vmem>>
        %dma_start3A_114 = arith.constant 0 : i32
        %dma_start3A_115 = arith.constant 0 : i32
        %dma_start3A_116 = tpu.memref_slice %arg4[%dma_start3A_114, %dma_start3A_115] : memref<10240x128xf32, #tpu.memory_space<vmem_shared>> -> memref<10240x128xf32, #tpu.memory_space<vmem_shared>>
        tpu.enqueue_indirect_dma source(%arg5 : memref<125x128xf32, #tpu.memory_space<vmem>>) target(%dma_start3A_116 : memref<10240x128xf32, #tpu.memory_space<vmem_shared>>) offsets(%dma_start3A_113 : memref<125xi32, #tpu.memory_space<vmem>>) semaphore(%run_scoped3A : memref<!tpu.dma_semaphore, #tpu.memory_space<semaphore_mem>>) {add = true}
        %dma_wait3A = arith.constant 0 : i32
        %dma_wait3A_117 = tpu.memref_slice %arg7[%scan3A_109, %dma_wait3A] : memref<80x125xi32, #tpu.memory_space<vmem>> -> memref<1x125xi32, #tpu.memory_space<vmem>>
        %dma_wait3A_118 = tpu.memref_squeeze %dma_wait3A_117 : memref<1x125xi32, #tpu.memory_space<vmem>> -> memref<125xi32, #tpu.memory_space<vmem>>
        %dma_wait3A_119 = arith.constant 0 : i32
        %dma_wait3A_120 = arith.constant 0 : i32
        %dma_wait3A_121 = tpu.memref_slice %arg4[%dma_wait3A_119, %dma_wait3A_120] : memref<10240x128xf32, #tpu.memory_space<vmem_shared>> -> memref<10240x128xf32, #tpu.memory_space<vmem_shared>>
        tpu.wait_indirect_dma semaphore(%run_scoped3A : memref<!tpu.dma_semaphore, #tpu.memory_space<semaphore_mem>>) src(%arg5 : memref<125x128xf32, #tpu.memory_space<vmem>>) dst(%dma_wait3A_121 : memref<10240x128xf32, #tpu.memory_space<vmem_shared>>)
        tpu.yield
      }) : () -> ()
      %scan3A_111 = arith.constant 0 : i32
      scf.yield %scan3A_111 : i32
    }
    %scan3A_100 = arith.constant 80 : i32
    %barrier3A_101 = arith.constant 0 : index
    tpu.barrier barrier_id(%barrier3A_101)
    %mul3A_102 = arith.constant 640 : i32
    %mul3A_103 = arith.muli %arg1, %mul3A_102 : i32
    %mul3A_104 = arith.constant 10240 : i32
    %mul3A_105 = arith.muli %arg0, %mul3A_104 : i32
    %mul3A_106 = arith.constant 640 : i32
    %mul3A_107 = arith.muli %arg1, %mul3A_106 : i32
    %add3A_108 = arith.addi %mul3A_105, %mul3A_107 : i32
    "tpu.region"() ({
      %run_scoped3A = tpu.sem_alloc : memref<!tpu.dma_semaphore, #tpu.memory_space<semaphore_mem>>
      %dma_start3A = arith.constant 0 : i32
      %dma_start3A_109 = tpu.memref_slice %arg3[%add3A_108, %dma_start3A] : memref<20480x128xf32, #tpu.memory_space<hbm>> -> memref<640x128xf32, #tpu.memory_space<hbm>>
      %dma_start3A_110 = arith.constant 0 : i32
      %dma_start3A_111 = tpu.memref_slice %arg4[%mul3A_103, %dma_start3A_110] : memref<10240x128xf32, #tpu.memory_space<vmem_shared>> -> memref<640x128xf32, #tpu.memory_space<vmem_shared>>
      tpu.enqueue_dma source(%dma_start3A_111 : memref<640x128xf32, #tpu.memory_space<vmem_shared>>) target(%dma_start3A_109 : memref<640x128xf32, #tpu.memory_space<hbm>>) target_semaphore(%run_scoped3A : memref<!tpu.dma_semaphore, #tpu.memory_space<semaphore_mem>>)
      %dma_wait3A = arith.constant 0 : i32
      %dma_wait3A_112 = tpu.memref_slice %arg3[%add3A_108, %dma_wait3A] : memref<20480x128xf32, #tpu.memory_space<hbm>> -> memref<640x128xf32, #tpu.memory_space<hbm>>
      %dma_wait3A_113 = arith.constant 0 : i32
      %dma_wait3A_114 = tpu.memref_slice %arg4[%mul3A_103, %dma_wait3A_113] : memref<10240x128xf32, #tpu.memory_space<vmem_shared>> -> memref<640x128xf32, #tpu.memory_space<vmem_shared>>
      tpu.wait_dma2 semaphore(%run_scoped3A : memref<!tpu.dma_semaphore, #tpu.memory_space<semaphore_mem>>) src(%dma_wait3A_114 : memref<640x128xf32, #tpu.memory_space<vmem_shared>>) dst(%dma_wait3A_112 : memref<640x128xf32, #tpu.memory_space<hbm>>)
      tpu.yield
    }) : () -> ()
    return
  }
}

module attributes {stable_mosaic.version = 14 : i64} {
  func.func @_tc_h_body(%arg0: i32, %arg1: memref<512x128xf32, #tpu.memory_space<vmem>>, %arg2: memref<128x128xf32, #tpu.memory_space<vmem>>, %arg3: memref<512x128xf32, #tpu.memory_space<vmem>>) attributes {dimension_semantics = [#tpu.dimension_semantics<arbitrary>], iteration_bounds = array<i64: 20>, scalar_prefetch = 0 : i64, scratch_operands = 0 : i64, tpu.core_type = #tpu.core_type<tc>, window_params = [{transform_indices = @transform_0, window_bounds = array<i64: 512, 128>}, {pipeline_mode = #tpu.pipeline_mode<synchronous>, transform_indices = @transform_1, window_bounds = array<i64: 128, 128>}, {transform_indices = @transform_2, window_bounds = array<i64: 512, 128>}]} {
    %get3A = arith.constant 0 : index
    %get3A_0 = arith.constant 0 : index
    %get3A_1 = vector.load %arg1[%get3A, %get3A_0] : memref<512x128xf32, #tpu.memory_space<vmem>>, vector<512x128xf32>
    %get3A_2 = arith.constant 0 : index
    %get3A_3 = arith.constant 0 : index
    %get3A_4 = vector.load %arg2[%get3A_2, %get3A_3] : memref<128x128xf32, #tpu.memory_space<vmem>>, vector<128x128xf32>
    %dot_general3A = arith.constant dense<0.000000e+00> : vector<512x128xf32>
    %dot_general3A_5 = tpu.matmul %get3A_1, %get3A_4, %dot_general3A {dimension_numbers = #tpu.dot_dimension_numbers<[1], [0], [0], [1], [0, 0, 1, 1], [], []>, transpose_lhs_hint = false} : vector<512x128xf32>, vector<128x128xf32>, vector<512x128xf32> -> vector<512x128xf32>
    %swap3A = arith.constant 0 : index
    %swap3A_6 = arith.constant 0 : index
    %swap3A_7 = vector.load %arg3[%swap3A, %swap3A_6] : memref<512x128xf32, #tpu.memory_space<vmem>>, vector<512x128xf32>
    tpu.vector_store %arg3[%swap3A, %swap3A_6], %dot_general3A_5 {strides = array<i32>} : memref<512x128xf32, #tpu.memory_space<vmem>>, vector<512x128xf32>,
    return
  }
  func.func @transform_0(%arg0: i32) -> (i32, i32) {
    %c0_i32 = arith.constant 0 : i32
    %c0_i32_0 = arith.constant 0 : i32
    return %arg0, %c0_i32 : i32, i32
  }
  func.func @transform_1(%arg0: i32) -> (i32, i32) {
    %c0_i32 = arith.constant 0 : i32
    %c0_i32_0 = arith.constant 0 : i32
    %c0_i32_1 = arith.constant 0 : i32
    return %c0_i32, %c0_i32_0 : i32, i32
  }
  func.func @transform_2(%arg0: i32) -> (i32, i32) {
    %c0_i32 = arith.constant 0 : i32
    %c0_i32_0 = arith.constant 0 : i32
    return %arg0, %c0_i32 : i32, i32
  }
}

module attributes {stable_mosaic.version = 14 : i64} {
  func.func @_tc_g_body(%arg0: i32, %arg1: memref<512x128xf32, #tpu.memory_space<vmem>>, %arg2: memref<512x128xf32, #tpu.memory_space<vmem>>, %arg3: memref<512x128xf32, #tpu.memory_space<vmem>>, %arg4: memref<512x128xf32, #tpu.memory_space<vmem>>, %arg5: memref<512x8xf32, #tpu.memory_space<vmem>>) attributes {dimension_semantics = [#tpu.dimension_semantics<arbitrary>], iteration_bounds = array<i64: 20>, scalar_prefetch = 0 : i64, scratch_operands = 0 : i64, tpu.core_type = #tpu.core_type<tc>, window_params = [{transform_indices = @transform_0, window_bounds = array<i64: 512, 128>}, {transform_indices = @transform_1, window_bounds = array<i64: 512, 128>}, {transform_indices = @transform_2, window_bounds = array<i64: 512, 128>}, {transform_indices = @transform_3, window_bounds = array<i64: 512, 128>}, {transform_indices = @transform_4, window_bounds = array<i64: 512, 8>}]} {
    %get3A = arith.constant 0 : index
    %get3A_0 = arith.constant 0 : index
    %get3A_1 = vector.load %arg2[%get3A, %get3A_0] : memref<512x128xf32, #tpu.memory_space<vmem>>, vector<512x1xf32>
    %get3A_2 = arith.constant 0 : index
    %get3A_3 = arith.constant 0 : index
    %get3A_4 = vector.load %arg3[%get3A_2, %get3A_3] : memref<512x128xf32, #tpu.memory_space<vmem>>, vector<512x1xf32>
    %add3A = arith.addf %get3A_1, %get3A_4 : vector<512x1xf32>
    %add3A_5 = arith.constant 1.000000e+00 : f32
    %add3A_6 = vector.broadcast %add3A_5 : f32 to vector<512x1xf32>
    %add3A_7 = arith.addf %add3A, %add3A_6 : vector<512x1xf32>
    %rsqrt3A = math.rsqrt %add3A_7 : vector<512x1xf32>
    %get3A_8 = arith.constant 0 : index
    %get3A_9 = arith.constant 0 : index
    %get3A_10 = vector.load %arg1[%get3A_8, %get3A_9] : memref<512x128xf32, #tpu.memory_space<vmem>>, vector<512x128xf32>
    %mul3A = vector.broadcast %rsqrt3A : vector<512x1xf32> to vector<512x128xf32>
    %mul3A_11 = arith.mulf %get3A_10, %mul3A : vector<512x128xf32>
    %swap3A = arith.constant 0 : index
    %swap3A_12 = arith.constant 0 : index
    %swap3A_13 = vector.load %arg4[%swap3A, %swap3A_12] : memref<512x128xf32, #tpu.memory_space<vmem>>, vector<512x128xf32>
    tpu.vector_store %arg4[%swap3A, %swap3A_12], %mul3A_11 {strides = array<i32>} : memref<512x128xf32, #tpu.memory_space<vmem>>, vector<512x128xf32>,
    %broadcast_in_dim3A = vector.shape_cast %rsqrt3A : vector<512x1xf32> to vector<512x1xf32>
    %broadcast_in_dim3A_14 = vector.broadcast %broadcast_in_dim3A : vector<512x1xf32> to vector<512x8xf32>
    %swap3A_15 = arith.constant 0 : index
    %swap3A_16 = arith.constant 0 : index
    %swap3A_17 = vector.load %arg5[%swap3A_15, %swap3A_16] : memref<512x8xf32, #tpu.memory_space<vmem>>, vector<512x8xf32>
    tpu.vector_store %arg5[%swap3A_15, %swap3A_16], %broadcast_in_dim3A_14 {strides = array<i32>} : memref<512x8xf32, #tpu.memory_space<vmem>>, vector<512x8xf32>,
    return
  }
  func.func @transform_0(%arg0: i32) -> (i32, i32) {
    %c0_i32 = arith.constant 0 : i32
    %c0_i32_0 = arith.constant 0 : i32
    return %arg0, %c0_i32 : i32, i32
  }
  func.func @transform_1(%arg0: i32) -> (i32, i32) {
    %c0_i32 = arith.constant 0 : i32
    %c0_i32_0 = arith.constant 0 : i32
    return %arg0, %c0_i32 : i32, i32
  }
  func.func @transform_2(%arg0: i32) -> (i32, i32) {
    %add3A = arith.constant 20 : i32
    %add3A_0 = arith.addi %arg0, %add3A : i32
    %c0_i32 = arith.constant 0 : i32
    %c0_i32_1 = arith.constant 0 : i32
    return %add3A_0, %c0_i32 : i32, i32
  }
  func.func @transform_3(%arg0: i32) -> (i32, i32) {
    %c0_i32 = arith.constant 0 : i32
    %c0_i32_0 = arith.constant 0 : i32
    return %arg0, %c0_i32 : i32, i32
  }
  func.func @transform_4(%arg0: i32) -> (i32, i32) {
    %c0_i32 = arith.constant 0 : i32
    %c0_i32_0 = arith.constant 0 : i32
    return %arg0, %c0_i32 : i32, i32
  }
}

module attributes {stable_mosaic.version = 14 : i64} {
  func.func @_tc_final_body(%arg0: i32, %arg1: memref<512x128xf32, #tpu.memory_space<vmem>>, %arg2: memref<512x128xf32, #tpu.memory_space<vmem>>, %arg3: memref<512x128xf32, #tpu.memory_space<vmem>>, %arg4: memref<512x8xf32, #tpu.memory_space<vmem>>, %arg5: memref<1x128xf32, #tpu.memory_space<vmem>>, %arg6: memref<128x16xf32, #tpu.memory_space<vmem>>, %arg7: memref<1x16xf32, #tpu.memory_space<vmem>>, %arg8: memref<512x16xf32, #tpu.memory_space<vmem>>) attributes {dimension_semantics = [#tpu.dimension_semantics<arbitrary>], iteration_bounds = array<i64: 20>, scalar_prefetch = 0 : i64, scratch_operands = 0 : i64, tpu.core_type = #tpu.core_type<tc>, window_params = [{transform_indices = @transform_0, window_bounds = array<i64: 512, 128>}, {transform_indices = @transform_1, window_bounds = array<i64: 512, 128>}, {transform_indices = @transform_2, window_bounds = array<i64: 512, 128>}, {transform_indices = @transform_3, window_bounds = array<i64: 512, 8>}, {pipeline_mode = #tpu.pipeline_mode<synchronous>, transform_indices = @transform_4, window_bounds = array<i64: 1, 128>}, {pipeline_mode = #tpu.pipeline_mode<synchronous>, transform_indices = @transform_5, window_bounds = array<i64: 128, 16>}, {pipeline_mode = #tpu.pipeline_mode<synchronous>, transform_indices = @transform_6, window_bounds = array<i64: 1, 16>}, {transform_indices = @transform_7, window_bounds = array<i64: 512, 16>}]} {
    %get3A = arith.constant 0 : index
    %get3A_0 = arith.constant 0 : index
    %get3A_1 = vector.load %arg4[%get3A, %get3A_0] : memref<512x8xf32, #tpu.memory_space<vmem>>, vector<512x1xf32>
    %get3A_2 = arith.constant 0 : index
    %get3A_3 = arith.constant 0 : index
    %get3A_4 = vector.load %arg1[%get3A_2, %get3A_3] : memref<512x128xf32, #tpu.memory_space<vmem>>, vector<512x128xf32>
    %get3A_5 = arith.constant 0 : index
    %get3A_6 = arith.constant 0 : index
    %get3A_7 = vector.load %arg2[%get3A_5, %get3A_6] : memref<512x128xf32, #tpu.memory_space<vmem>>, vector<512x128xf32>
    %add3A = arith.addf %get3A_4, %get3A_7 : vector<512x128xf32>
    %get3A_8 = arith.constant 0 : index
    %get3A_9 = arith.constant 0 : index
    %get3A_10 = vector.load %arg3[%get3A_8, %get3A_9] : memref<512x128xf32, #tpu.memory_space<vmem>>, vector<512x128xf32>
    %add3A_11 = arith.addf %add3A, %get3A_10 : vector<512x128xf32>
    %mul3A = vector.broadcast %get3A_1 : vector<512x1xf32> to vector<512x128xf32>
    %mul3A_12 = arith.mulf %add3A_11, %mul3A : vector<512x128xf32>
    %get3A_13 = arith.constant 0 : index
    %get3A_14 = arith.constant 0 : index
    %get3A_15 = vector.load %arg5[%get3A_13, %get3A_14] : memref<1x128xf32, #tpu.memory_space<vmem>>, vector<1x128xf32>
    %add3A_16 = vector.broadcast %get3A_15 : vector<1x128xf32> to vector<512x128xf32>
    %add3A_17 = arith.addf %mul3A_12, %add3A_16 : vector<512x128xf32>
    %max3A = arith.constant 0.000000e+00 : f32
    %max3A_18 = vector.broadcast %max3A : f32 to vector<512x128xf32>
    %max3A_19 = arith.maximumf %add3A_17, %max3A_18 : vector<512x128xf32>
    %get3A_20 = arith.constant 0 : index
    %get3A_21 = arith.constant 0 : index
    %get3A_22 = vector.load %arg6[%get3A_20, %get3A_21] : memref<128x16xf32, #tpu.memory_space<vmem>>, vector<128x16xf32>
    %dot_general3A = arith.constant dense<0.000000e+00> : vector<512x16xf32>
    %dot_general3A_23 = tpu.matmul %max3A_19, %get3A_22, %dot_general3A {dimension_numbers = #tpu.dot_dimension_numbers<[1], [0], [0], [1], [0, 0, 1, 1], [], []>, transpose_lhs_hint = false} : vector<512x128xf32>, vector<128x16xf32>, vector<512x16xf32> -> vector<512x16xf32>
    %get3A_24 = arith.constant 0 : index
    %get3A_25 = arith.constant 0 : index
    %get3A_26 = vector.load %arg7[%get3A_24, %get3A_25] : memref<1x16xf32, #tpu.memory_space<vmem>>, vector<1x16xf32>
    %add3A_27 = vector.broadcast %get3A_26 : vector<1x16xf32> to vector<512x16xf32>
    %add3A_28 = arith.addf %dot_general3A_23, %add3A_27 : vector<512x16xf32>
    %reduce_max3A = arith.constant dense<0xFF800000> : vector<512xf32>
    %reduce_max3A_29 = vector.multi_reduction <maximumf>, %add3A_28, %reduce_max3A [1] : vector<512x16xf32> to vector<512xf32>
    %broadcast_in_dim3A = vector.shape_cast %reduce_max3A_29 : vector<512xf32> to vector<512x1xf32>
    %sub3A = vector.broadcast %broadcast_in_dim3A : vector<512x1xf32> to vector<512x16xf32>
    %sub3A_30 = arith.subf %add3A_28, %sub3A : vector<512x16xf32>
    %exp3A = math.exp %sub3A_30 : vector<512x16xf32>
    %reduce_sum3A = arith.constant dense<0.000000e+00> : vector<512xf32>
    %reduce_sum3A_31 = vector.multi_reduction <add>, %exp3A, %reduce_sum3A [1] : vector<512x16xf32> to vector<512xf32>
    %broadcast_in_dim3A_32 = vector.shape_cast %reduce_sum3A_31 : vector<512xf32> to vector<512x1xf32>
    %sub3A_33 = vector.broadcast %broadcast_in_dim3A : vector<512x1xf32> to vector<512x16xf32>
    %sub3A_34 = arith.subf %add3A_28, %sub3A_33 : vector<512x16xf32>
    %log3A = math.log %broadcast_in_dim3A_32 : vector<512x1xf32>
    %sub3A_35 = vector.broadcast %log3A : vector<512x1xf32> to vector<512x16xf32>
    %sub3A_36 = arith.subf %sub3A_34, %sub3A_35 : vector<512x16xf32>
    %swap3A = arith.constant 0 : index
    %swap3A_37 = arith.constant 0 : index
    %swap3A_38 = vector.load %arg8[%swap3A, %swap3A_37] : memref<512x16xf32, #tpu.memory_space<vmem>>, vector<512x16xf32>
    tpu.vector_store %arg8[%swap3A, %swap3A_37], %sub3A_36 {strides = array<i32>} : memref<512x16xf32, #tpu.memory_space<vmem>>, vector<512x16xf32>,
    return
  }
  func.func @transform_0(%arg0: i32) -> (i32, i32) {
    %c0_i32 = arith.constant 0 : i32
    %c0_i32_0 = arith.constant 0 : i32
    return %arg0, %c0_i32 : i32, i32
  }
  func.func @transform_1(%arg0: i32) -> (i32, i32) {
    %add3A = arith.constant 20 : i32
    %add3A_0 = arith.addi %arg0, %add3A : i32
    %c0_i32 = arith.constant 0 : i32
    %c0_i32_1 = arith.constant 0 : i32
    return %add3A_0, %c0_i32 : i32, i32
  }
  func.func @transform_2(%arg0: i32) -> (i32, i32) {
    %c0_i32 = arith.constant 0 : i32
    %c0_i32_0 = arith.constant 0 : i32
    return %arg0, %c0_i32 : i32, i32
  }
  func.func @transform_3(%arg0: i32) -> (i32, i32) {
    %c0_i32 = arith.constant 0 : i32
    %c0_i32_0 = arith.constant 0 : i32
    return %arg0, %c0_i32 : i32, i32
  }
  func.func @transform_4(%arg0: i32) -> (i32, i32) {
    %c0_i32 = arith.constant 0 : i32
    %c0_i32_0 = arith.constant 0 : i32
    %c0_i32_1 = arith.constant 0 : i32
    return %c0_i32, %c0_i32_0 : i32, i32
  }
  func.func @transform_5(%arg0: i32) -> (i32, i32) {
    %c0_i32 = arith.constant 0 : i32
    %c0_i32_0 = arith.constant 0 : i32
    %c0_i32_1 = arith.constant 0 : i32
    return %c0_i32, %c0_i32_0 : i32, i32
  }
  func.func @transform_6(%arg0: i32) -> (i32, i32) {
    %c0_i32 = arith.constant 0 : i32
    %c0_i32_0 = arith.constant 0 : i32
    %c0_i32_1 = arith.constant 0 : i32
    return %c0_i32, %c0_i32_0 : i32, i32
  }
  func.func @transform_7(%arg0: i32) -> (i32, i32) {
    %c0_i32 = arith.constant 0 : i32
    %c0_i32_0 = arith.constant 0 : i32
    return %arg0, %c0_i32 : i32, i32
  }
}

</mosaic_0001>

<sc_bundles>
// kernel: kernel.10.cloned.1.call-start
scs
__scs_entry_jumppad:
0x0: {  	(pc) =	sbr.rel $0x88, $3  }
0x1: {  	(tag) =	ssettag $0x0;
	lr =	simm.s32 $0x1  }
0x2: {  	[smem:$0x3F9B] =	sst lr;
	_ =	strace $0xD0000000  }
0x3: {  	_ = 	snop  }
0x4: {  	_ = 	snop  }
0x5: {  	_ = 	snop  }
0x6: {  	_ = 	snop  }
0x7: {  	_ = 	snop  }
__scs_overlays_trampoline_lowered:
0x8: {  	[smem:$0x3FAA] =	sst s0  }
0x9: {  	[smem:$0x3FAB] =	sst s1  }
0xa: {  	[smem:$0x3FAC] =	sst s2  }
0xb: {  	[smem:$0x3FAD] =	sst s3  }
0xc: {  	[smem:$0x3FAE] =	sst s4  }
0xd: {  	[smem:$0x3FAF] =	sst s5  }
0xe: {  	[smem:$0x3FB0] =	sst s6  }
0xf: {  	[smem:$0x3FB1] =	sst s7  }
0x10: {  	[smem:$0x3FB2] =	sst s8  }
0x11: {  	[smem:$0x3FB3] =	sst s9;
	s0 =	simm.s32 @!p0 $0x0  }
0x12: {  	s1 =	sld [smem:$0x3F99];
	s0 =	simm.s32 @p0 $0x1  }
0x13: {  	[smem:$0x3FB4] =	sst s0;
	s0 =	simm.s32 @!p1 $0x0  }
0x14: {  	s2 =	sld [smem:$0x3F98];
	s0 =	simm.s32 @p1 $0x1  }
0x15: {  	[smem:$0x3FB5] =	sst s0;
	s0 =	simm.s32 @!p2 $0x0  }
0x16: {  	s3 =	sld [smem:$0x3FDB];
	s0 =	simm.s32 @p2 $0x1  }
0x17: {  	s4 =	simm.s32 $0x1BF5;
	[smem:$0x3FB7] =	sst s0  }
0x18: {  	s0 =	sld [smem:$0x3F9A];
	_ =	swait.ge [sflag:s4], $0x0  }
0x19: {  	s7 =	sld [smem:$0x3F9B]  }
0x1a: {  	s8 =	sadd.s32 $0xFFFFE003, lr  }
0x1b: {  	s9 =	sadd.s32 $0xFFFFFEF7, lr;
	s5 =	simm.s32 $0xFFFFFFFF;
	p2 =	slt.u32 s8, $0xFFFFF086  }
0x1c: {  	p1 =	slt.u32 s9, $0xF7A;
	s5 =	simm.s32 @!p2 $0x0  }
0x1d: {  	s5 =	simm.s32 @p1 $0x1;
	p0 =	seq.s32 s7, s2  }
0x1e: {  	s7 =	smul.u32 @!p0 $0xF7A, s2;
	p2 =	seq.s32 @!p0 s5, $0x0  }
0x1f: {  	s9 =	smul.u32 $0xF7A, s1;
	s8 =	simm.s32 @!p0 $0x1BF5;
	p2 =	por !p2, p0  }
0x20: {  	[sflag:s8] =	ssyncset.s32 @!p0 $0xFFFFF086;
	s6 =	sadd.s32 @!p0 s3, s7;
	s7 =	simm.s32 @!p0 $0x108  }
0x21: {  	s3 =	sadd.s32 s3, s9;
	s6 =	sadd.s32 @!p0 $0x88, s6;
	s7 =	simm.s32 @p2 $0x1082  }
0x22: {  	[simem:s7], [sflag:s8] =	dma.local @!p0 [hbm:s6], $0xF7A  }
0x23: {  	s9 =	sor.u32 $0xD0000000, s2;
	s6 =	simm.s32 $0x108;
	_ =	swait.ge @!p0 [sflag:s8], $0x0  }
0x24: {  	s3 =	sadd.s32 $0x88, s3;
	s6 =	simm.s32 @!p1 $0x1082;
	[sflag:s4] =	ssyncset.s32 $0xFFFFF086  }
0x25: {  	[simem:s6], [sflag:s4] =	dma.local [hbm:s3], $0xF7A  }
0x26: {  	[smem:$0x3F9B] =	sst s1;
	(tag) =	ssettag s2;
	_ =	strace s9  }
0x27: {  	s1 =	sld [smem:$0x3FAB]  }
0x28: {  	s2 =	sld [smem:$0x3FAC]  }
0x29: {  	s4 =	sld [smem:$0x3FAE]  }
0x2a: {  	p0 =	seq.s32 s5, $0x0;
	s5 =	sld [smem:$0x3FAF]  }
0x2b: {  	s6 =	sld [smem:$0x3FB0]  }
0x2c: {  	s7 =	sld [smem:$0x3FB1]  }
0x2d: {  	s3 =	simm.s32 $0x108;
	s8 =	sld [smem:$0x3FB2]  }
0x2e: {  	s3 =	simm.s32 @!p0 $0x1082;
	s9 =	sld [smem:$0x3FB3]  }
0x2f: {  	lr =	sadd.s32 s0, s3;
	s0 =	sld [smem:$0x3FAA]  }
0x30: {  	s3 =	sld [smem:$0x3FAD]  }
0x31: {  	[smem:$0x3FB6] =	sst s10  }
0x32: {  	s10 =	sld [smem:$0x3FB4];
	_ =	sdelay $0x3  }
0x33: {  	p0 =	seq.s32 s10, $0x1;
	s10 =	sld [smem:$0x3FB6];
	_ =	sdelay $0x3  }
0x34: {  	[smem:$0x3FB6] =	sst s10  }
0x35: {  	s10 =	sld [smem:$0x3FB5];
	_ =	sdelay $0x3  }
0x36: {  	p1 =	seq.s32 s10, $0x1;
	s10 =	sld [smem:$0x3FB6];
	_ =	sdelay $0x3  }
0x37: {  	[smem:$0x3FB6] =	sst s10  }
0x38: {  	s10 =	sld [smem:$0x3FB7]  }
0x39: {  	_ = 	snop;
	(pc) =	sbr.ind lr, $3  }
0x3a: {  	_ = 	snop  }
0x3b: {  	_ = 	snop  }
0x3c: {  	p2 =	seq.s32 s10, $0x1;
	s10 =	sld [smem:$0x3FB6]  }
0x3d: {  	_ =	shalt  }
0x3e: {  	_ =	shalt  }
0x3f: {  	_ =	shalt  }
0x40: {  	_ =	shalt  }
0x41: {  	_ =	shalt  }
0x42: {  	_ =	shalt  }
0x43: {  	_ =	shalt  }
0x44: {  	_ =	shalt  }
0x45: {  	_ =	shalt  }
0x46: {  	_ =	shalt  }
0x47: {  	_ =	shalt  }
0x48: {  	_ =	shalt  }
0x49: {  	_ =	shalt  }
0x4a: {  	_ =	shalt  }
0x4b: {  	_ =	shalt  }
0x4c: {  	_ =	shalt  }
0x4d: {  	_ =	shalt  }
0x4e: {  	_ =	shalt  }
0x4f: {  	_ =	shalt  }
0x50: {  	_ =	shalt  }
0x51: {  	_ =	shalt  }
0x52: {  	_ =	shalt  }
0x53: {  	_ =	shalt  }
0x54: {  	_ =	shalt  }
0x55: {  	_ =	shalt  }
0x56: {  	_ =	shalt  }
0x57: {  	_ =	shalt  }
0x58: {  	_ =	shalt  }
0x59: {  	_ =	shalt  }
0x5a: {  	_ =	shalt  }
0x5b: {  	_ =	shalt  }
0x5c: {  	_ =	shalt  }
0x5d: {  	_ =	shalt  }
0x5e: {  	_ =	shalt  }
0x5f: {  	_ =	shalt  }
0x60: {  	_ =	shalt  }
0x61: {  	_ =	shalt  }
0x62: {  	_ =	shalt  }
0x63: {  	_ =	shalt  }
0x64: {  	_ =	shalt  }
0x65: {  	_ =	shalt  }
0x66: {  	_ =	shalt  }
0x67: {  	_ =	shalt  }
0x68: {  	_ =	shalt  }
0x69: {  	_ =	shalt  }
0x6a: {  	_ =	shalt  }
0x6b: {  	_ =	shalt  }
0x6c: {  	_ =	shalt  }
0x6d: {  	_ =	shalt  }
0x6e: {  	_ =	shalt  }
0x6f: {  	_ =	shalt  }
0x70: {  	_ =	shalt  }
0x71: {  	_ =	shalt  }
0x72: {  	_ =	shalt  }
0x73: {  	_ =	shalt  }
0x74: {  	_ =	shalt  }
0x75: {  	_ =	shalt  }
0x76: {  	_ =	shalt  }
0x77: {  	_ =	shalt  }
0x78: {  	_ =	shalt  }
0x79: {  	_ =	shalt  }
0x7a: {  	_ =	shalt  }
0x7b: {  	_ =	shalt  }
0x7c: {  	_ =	shalt  }
0x7d: {  	_ =	shalt  }
0x7e: {  	_ =	shalt  }
0x7f: {  	_ =	shalt  }
0x80: {  	_ =	shalt  }
0x81: {  	_ =	shalt  }
0x82: {  	_ =	shalt  }
0x83: {  	_ =	shalt  }
0x84: {  	_ =	shalt  }
0x85: {  	_ =	shalt  }
0x86: {  	_ =	shalt  }
0x87: {  	_ =	shalt  }
.Lfunc_end0:
.L_simem_size_0:
called_computation.1_lowered:
.L_overlay_start_0:
0x88: {  	s2 =	sld [smem:$0x3FD9]  }
0x89: {  	s3 =	sld [smem:$0x3FFE];
	_ =	sdelay $0x1  }
0x8a: {  	s1 =	srdreg.scid  }
0x8b: {  	s0 =	sand.u32 $0x1, s1  }
0x8c: {  	s16 =	sshll.u32 s0, $0xA;
	s2 =	sadd.s32 s3, s2  }
0x8d: {  	s2 =	sadd.s32 s2, s16  }
0x8e: {  	[smem:$0x3FC2] =	sst s2  }
0x8f: {  	_ = 	snop  }
0x90: {  	(tm) =	ssettm $0x1  }
0x91: {  	s17 =	sld [smem:$0x3FFB];
	_ =	sdelay $0x3  }
0x92: {  	_ =	strace s17  }
0x93: {  	s2 =	sld [smem:$0x3FFC];
	_ =	sdelay $0x3  }
0x94: {  	_ =	strace s2  }
0x95: {  	s2 =	sld [smem:$0x3FFD];
	_ =	sdelay $0x3  }
0x96: {  	_ =	strace s2  }
0x97: {  	_ =	strace $0x8FFFFFFF  }
0x98: {  	s18 =	sld [smem:$0x3FDB];
	_ =	sdelay $0x1  }
0x99: {  	s19 =	simm.s32 $_scs_section_size  }
0x9a: {  	s4 =	simm.s32 $_size__tile_overlayer_lowered;
	s5 =	simm.s32 $_tile_overlayer_lowered  }
0x9b: {  	s22 =	simm.s32 $0x1BFF;
	s21 =	sshll.u32 s5, $0x1;
	s2 =	sadd.s32 s19, s18  }
0x9c: {  	s6 =	simm.s32 $0x0;
	s20 =	sshll.u32 s4, $0x1;
	s4 =	sadd.s32 s21, s2  }
0x9d: {  	[timem:s6], [sflag:s22] =	dma.local [hbm:s4], s20  }
0x9e: {  	_ =	swait.ge [sflag:s22], s20  }
0x9f: {  	s3 =	ssub.s32 $0x0, s20;
	[sflag:s22] =	ssyncset.done $0x0  }
0xa0: {  	[sflag:s22] =	ssyncadd.s32 s3;
	_ =	sdelay $0x1  }
0xa1: {  	s23 =	simm.s32 $0x1B8B  }
0xa2: {  	_ =	swait.ge [sflag:s23], $0x1  }
0xa3: {  	[sflag:s23] =	ssyncset.done $0x0  }
0xa4: {  	s25 =	simm.s32 $0x1B8E;
	s24 =	sld [smem:$0x3FFE];
	[sflag:s23] =	ssyncadd.s32 $0xFFFFFFFF  }
0xa5: {  	s26 =	simm.s32 $execute0_lowered;
	[smem:$0x3FD2] =	sst s25  }
0xa6: {  	s4 =	sshll.u32 s26, $0x1;
	_ =	strace $0x80000049;
	[dreg:$0x1] =	wrdreg $0xFFFFFFFF  }
0xa7: {  	s28 =	simm.s32 $_size_execute0_lowered;
	s2 =	sadd.s32 s2, s4;
	[dreg:$0x0] =	wrdreg $0x0  }
0xa8: {  	s4 =	sshll.u32 s28, $0x1;
	[dreg:$0x2] =	wrdreg s2  }
0xa9: {  	[dreg:$0x3] =	wrdreg s4  }
0xaa: {  	[dreg:$0x4] =	wrdreg $0xC0  }
0xab: {  	_ =	task [dreg:s6], $0x5FFFF  }
0xac: {  	[dreg:$0x1] =	wrdreg $0xFFFFFFFF  }
0xad: {  	[dreg:$0x0] =	wrdreg $0x60  }
0xae: {  	[dreg:$0x2] =	wrdreg s24  }
0xaf: {  	[dreg:$0x3] =	wrdreg $0x0  }
0xb0: {  	[dreg:$0x4] =	wrdreg $0x9  }
0xb1: {  	_ =	task.clear_ibuf [dreg:s6], $0x5FFFF;
	_ =	strace $0x90000049  }
0xb2: {  	s29 =	simm.s32 $0x9;
	_ =	strace $0x8000004B  }
0xb3: {  	_ =	swait.ge [sflag:s29], $0x1  }
0xb4: {  	[sflag:s29] =	ssyncadd.s32 $0xFFFFFFFF  }
0xb5: {  	_ =	strace $0x9000004B  }
0xb6: {  	_ =	sfence  }
0xb7: {  	s30 =	sld [smem:$0x0];
	_ =	sdelay $0x2  }
0xb8: {  	s31 =	sshll.u32 s1, $0xD;
	s1 =	sshrl.u32 s1, $0x2  }
0xb9: {  	s3 =	sand.u32 $0x4000, s31;
	s1 =	sadd.s32 s1, s30  }
0xba: {  	s0 =	sor.u32 s3, s0;
	s1 =	sshll.u32 s1, $0x11  }
0xbb: {  	s0 =	sor.u32 s1, s0  }
0xbc: {  	s0 =	sadd.s32 $0x8F2B, s0  }
0xbd: {  	[sflag:s0] =	ssyncadd.remote.s32 $0x1  }
0xbe: {  	_ =	sfence.sel $0xFFFF  }
0xbf: {  	[dreg:$0x0] =	wrdreg $0xFFFFFFFF;
	(pc) =	sbr.abs _section_cstart, $3  }
0xc0: {  	[dreg:$0x1] =	wrdreg $0xFFFFFFFF  }
0xc1: {  	_ =	task.clear_ibuf [dreg:s6], $0x2FFFF;
	_ =	strace $0x9FFFFFFF  }
0xc2: {  	(tm) =	ssettm $0x7FFFFFFF  }
0xc3: {  	_ =	shalt  }
tec
execute0_lowered:
.L_overlay_start_1:
0x0: {  	(tag) =	ssettag $0x1  }
0x1: {  	s10 =	stileid.u32  }
0x2: {  	s1 =	srdreg.scid;
	s5 =	smul.u32 $0x2800, s10  }
0x3: {  	s1 =	sand.u32 $0x1, s1;
	s7 =	smul.u32 $0x50000, s10  }
0x4: {  	s0 =	rddreg [dreg:$0x0];
	s6 =	smul.u32 $0x28000, s1  }
0x5: {  	s2 =	rddreg [dreg:$0x1];
	s3 =	simm.s32 $0x0;
	s4 =	sadd.s32 $0x1C00, s0  }
0x6: {  	s8 =	sadd.s32 $0x65C00, s0;
	s7 =	sshrl.u32 s7, $0x2;
	s5 =	sadd.s32 s5, s6  }
0x7: {  	s9 =	sadd.s32 $0x5BC00, s0;
	s0 =	sadd.s32 s5, s0;
	s5 =	sadd.s32 s7, s2  }
0x8: {  	[smem:$0x7FF] =	sst s3;
	s12 =	sadd.s32 $0x1000, s5  }
0x9: {  	_ =	strace $0x8000004A;
	s13 =	sadd.s32 $0x2000, s5;
	[dreg:$0x3] =	wrdreg s12  }
0xa: {  	s10 =	sshll.u32 s10, $0x1;
	s14 =	sadd.s32 $0x3000, s5;
	[dreg:$0x4] =	wrdreg s13  }
0xb: {  	s26 =	ssub.s32 $0x2, s1;
	s15 =	sadd.s32 $0x4000, s5;
	[dreg:$0x5] =	wrdreg s14  }
0xc: {  	s1 =	sor.u32 s1, s10;
	s16 =	sadd.s32 $0x5000, s5;
	[dreg:$0x6] =	wrdreg s15  }
0xd: {  	s10 =	simm.s32 $0x18000;
	s17 =	sadd.s32 $0x6000, s5;
	[dreg:$0x7] =	wrdreg s16  }
0xe: {  	s11 =	sshrl.u32 s26, $0x1;
	s18 =	sadd.s32 $0x7000, s5;
	[dreg:$0x8] =	wrdreg s17  }
0xf: {  	s1 =	smul.u32 $0x2800, s1;
	s19 =	sadd.s32 $0x8000, s5;
	[dreg:$0x9] =	wrdreg s18  }
0x10: {  	s6 =	ssub.s32 s26, s11;
	s20 =	sadd.s32 $0x9000, s5;
	[dreg:$0xa] =	wrdreg s19  }
0x11: {  	s11 =	simm.s32 $0x1;
	s21 =	sadd.s32 $0xA000, s5;
	[dreg:$0xb] =	wrdreg s20  }
0x12: {  	s1 =	sshrl.u32 s1, $0x3;
	s22 =	sadd.s32 $0xB000, s5;
	[dreg:$0xc] =	wrdreg s21  }
0x13: {  	s7 =	simm.s32 $0x1E400;
	s23 =	sadd.s32 $0xC000, s5;
	[dreg:$0xd] =	wrdreg s22  }
0x14: {  	s24 =	sadd.s32 $0xD000, s5;
	s25 =	sadd.s32 $0x280, s1;
	[dreg:$0xe] =	wrdreg s23  }
0x15: {  	s26 =	sadd.s32 s8, s1;
	s1 =	sadd.s32 s9, s1;
	[dreg:$0xf] =	wrdreg s24  }
0x16: {  	s28 =	sadd.s32 $0x10000, s5;
	s29 =	sadd.s32 $0x11000, s5;
	[dreg:$0x10] =	wrdreg s26  }
0x17: {  	s30 =	sadd.s32 $0x12000, s5;
	s31 =	sadd.s32 $0x13000, s5;
	[dreg:$0x11] =	wrdreg s1  }
0x18: {  	s21 =	sadd.s32 s8, s25;
	s22 =	sadd.s32 s9, s25;
	s23 =	sadd.s32 $0xE000, s5  }
0x19: {  	s24 =	sadd.s32 $0x6FC00, s0;
	s25 =	smax.u32 s6, $0x1;
	s26 =	sadd.s32 $0xF000, s5  }
0x1a: {  	s0 =	simm.s32 $0x1C000;
	s1 =	simm.s32 $0x3;
	s6 =	simm.s32 $0x1D000  }
0x1b: {  	s8 =	simm.s32 $0x7D;
	s9 =	simm.s32 $0x14000;
	s12 =	simm.s32 $0x2  }
0x1c: {  	v0 =	vimm.f32 $0.0e+00;
	s13 =	simm.s32 $0x1E380;
	s14 =	simm.s32 $0x1F700;
	s15 =	simm.s32 $0x1F780  }
.LBB2_1:
0x1d: {  	s16 =	simm.s32 $0x0;
	s17 =	simm.s32 $0x200  }
.LBB2_2:
0x1e: {  	p0 =	sne.s32 s17, $0x3E00;
	[tilespmem:s16+$0x1C070] =	vst v0  }
0x1f: {  	[tilespmem:s16+$0x1C000] =	vst v0  }
0x20: {  	[tilespmem:s16+$0x1C010] =	vst v0  }
.Ltmp0:
0x21: {  	[tilespmem:s16+$0x1C020] =	vst v0;
	(pc) =	sbr.rel @p0 .LBB2_2-.Ltmp0, $4  }
0x22: {  	[tilespmem:s16+$0x1C030] =	vst v0  }
0x23: {  	[tilespmem:s16+$0x1C040] =	vst v0  }
0x24: {  	[tilespmem:s16+$0x1C050] =	vst v0  }
0x25: {  	[tilespmem:s16+$0x1C060] =	vst v0;
	s16 =	sshra.s32 s17, $0x2;
	s17 =	sadd.s32 $0x200, s17  }
0x26: {  	[tilespmem:s16+$0x1C070] =	vst v0  }
0x27: {  	[tilespmem:s16+$0x1C000] =	vst v0  }
0x28: {  	[tilespmem:s16+$0x1C010] =	vst v0  }
0x29: {  	[tilespmem:s16+$0x1C020] =	vst v0  }
0x2a: {  	[tilespmem:s16+$0x1C030] =	vst v0  }
0x2b: {  	[tilespmem:s16+$0x1C040] =	vst v0  }
0x2c: {  	[tilespmem:s16+$0x1C050] =	vst v0  }
0x2d: {  	[tilespmem:s16+$0x1C060] =	vst v0  }
0x2e: {  	[spmem:s5] =	stream.linear.scatter [tilespmem:s0], [sflag:$0x3], $0x1000, $0x38;
	[tilespmem:$0x1F800] =	vst v63  }
0x2f: {  	_ =	swait.ge [sflag:s1], $0x1000  }
0x30: {  	[sflag:s1] =	ssyncset.done $0x0  }
0x31: {  	s18 =	rddreg [dreg:$0x3];
	[sflag:s1] =	ssyncadd.s32 $0xFFFFF000  }
0x32: {  	[spmem:s18] =	stream.linear.scatter [tilespmem:s0], [sflag:$0x3], $0x1000, $0x38;
	[tilespmem:$0x1F800] =	vst v63  }
0x33: {  	_ =	swait.ge [sflag:s1], $0x1000  }
0x34: {  	[sflag:s1] =	ssyncset.done $0x0  }
0x35: {  	s19 =	rddreg [dreg:$0x4];
	[sflag:s1] =	ssyncadd.s32 $0xFFFFF000  }
0x36: {  	[spmem:s19] =	stream.linear.scatter [tilespmem:s0], [sflag:$0x3], $0x1000, $0x38;
	[tilespmem:$0x1F800] =	vst v63  }
0x37: {  	_ =	swait.ge [sflag:s1], $0x1000  }
0x38: {  	[sflag:s1] =	ssyncset.done $0x0  }
0x39: {  	s20 =	rddreg [dreg:$0x5];
	[sflag:s1] =	ssyncadd.s32 $0xFFFFF000  }
0x3a: {  	[spmem:s20] =	stream.linear.scatter [tilespmem:s0], [sflag:$0x3], $0x1000, $0x38;
	[tilespmem:$0x1F800] =	vst v63  }
0x3b: {  	_ =	swait.ge [sflag:s1], $0x1000  }
0x3c: {  	[sflag:s1] =	ssyncset.done $0x0  }
0x3d: {  	s17 =	rddreg [dreg:$0x6];
	[sflag:s1] =	ssyncadd.s32 $0xFFFFF000  }
0x3e: {  	[spmem:s17] =	stream.linear.scatter [tilespmem:s0], [sflag:$0x3], $0x1000, $0x38;
	[tilespmem:$0x1F800] =	vst v63  }
0x3f: {  	_ =	swait.ge [sflag:s1], $0x1000  }
0x40: {  	[sflag:s1] =	ssyncset.done $0x0  }
0x41: {  	s18 =	rddreg [dreg:$0x7];
	[sflag:s1] =	ssyncadd.s32 $0xFFFFF000  }
0x42: {  	[spmem:s18] =	stream.linear.scatter [tilespmem:s0], [sflag:$0x3], $0x1000, $0x38;
	[tilespmem:$0x1F800] =	vst v63  }
0x43: {  	_ =	swait.ge [sflag:s1], $0x1000  }
0x44: {  	[sflag:s1] =	ssyncset.done $0x0  }
0x45: {  	s19 =	rddreg [dreg:$0x8];
	[sflag:s1] =	ssyncadd.s32 $0xFFFFF000  }
0x46: {  	[spmem:s19] =	stream.linear.scatter [tilespmem:s0], [sflag:$0x3], $0x1000, $0x38;
	[tilespmem:$0x1F800] =	vst v63  }
0x47: {  	_ =	swait.ge [sflag:s1], $0x1000  }
0x48: {  	[sflag:s1] =	ssyncset.done $0x0  }
0x49: {  	s20 =	rddreg [dreg:$0x9];
	[sflag:s1] =	ssyncadd.s32 $0xFFFFF000  }
0x4a: {  	[spmem:s20] =	stream.linear.scatter [tilespmem:s0], [sflag:$0x3], $0x1000, $0x38;
	[tilespmem:$0x1F800] =	vst v63  }
0x4b: {  	_ =	swait.ge [sflag:s1], $0x1000  }
0x4c: {  	[sflag:s1] =	ssyncset.done $0x0  }
0x4d: {  	s17 =	rddreg [dreg:$0xa];
	[sflag:s1] =	ssyncadd.s32 $0xFFFFF000  }
0x4e: {  	[spmem:s17] =	stream.linear.scatter [tilespmem:s0], [sflag:$0x3], $0x1000, $0x38;
	[tilespmem:$0x1F800] =	vst v63  }
0x4f: {  	_ =	swait.ge [sflag:s1], $0x1000  }
0x50: {  	[sflag:s1] =	ssyncset.done $0x0  }
0x51: {  	s18 =	rddreg [dreg:$0xb];
	[sflag:s1] =	ssyncadd.s32 $0xFFFFF000  }
0x52: {  	[spmem:s18] =	stream.linear.scatter [tilespmem:s0], [sflag:$0x3], $0x1000, $0x38;
	[tilespmem:$0x1F800] =	vst v63  }
0x53: {  	_ =	swait.ge [sflag:s1], $0x1000  }
0x54: {  	[sflag:s1] =	ssyncset.done $0x0  }
0x55: {  	s19 =	rddreg [dreg:$0xc];
	[sflag:s1] =	ssyncadd.s32 $0xFFFFF000  }
0x56: {  	[spmem:s19] =	stream.linear.scatter [tilespmem:s0], [sflag:$0x3], $0x1000, $0x38;
	[tilespmem:$0x1F800] =	vst v63  }
0x57: {  	_ =	swait.ge [sflag:s1], $0x1000  }
0x58: {  	[sflag:s1] =	ssyncset.done $0x0  }
0x59: {  	s20 =	rddreg [dreg:$0xd];
	[sflag:s1] =	ssyncadd.s32 $0xFFFFF000  }
0x5a: {  	[spmem:s20] =	stream.linear.scatter [tilespmem:s0], [sflag:$0x3], $0x1000, $0x38;
	[tilespmem:$0x1F800] =	vst v63  }
0x5b: {  	_ =	swait.ge [sflag:s1], $0x1000  }
0x5c: {  	[sflag:s1] =	ssyncset.done $0x0  }
0x5d: {  	s17 =	rddreg [dreg:$0xe];
	[sflag:s1] =	ssyncadd.s32 $0xFFFFF000  }
0x5e: {  	[spmem:s17] =	stream.linear.scatter [tilespmem:s0], [sflag:$0x3], $0x1000, $0x38;
	[tilespmem:$0x1F800] =	vst v63  }
0x5f: {  	_ =	swait.ge [sflag:s1], $0x1000  }
0x60: {  	[sflag:s1] =	ssyncset.done $0x0  }
0x61: {  	s18 =	rddreg [dreg:$0xf];
	[sflag:s1] =	ssyncadd.s32 $0xFFFFF000  }
0x62: {  	[spmem:s18] =	stream.linear.scatter [tilespmem:s0], [sflag:$0x3], $0x1000, $0x38;
	[tilespmem:$0x1F800] =	vst v63  }
0x63: {  	_ =	swait.ge [sflag:s1], $0x1000  }
0x64: {  	[sflag:s1] =	ssyncset.done $0x0  }
0x65: {  	[sflag:s1] =	ssyncadd.s32 $0xFFFFF000  }
0x66: {  	[spmem:s23] =	stream.linear.scatter [tilespmem:s0], [sflag:$0x3], $0x1000, $0x38;
	[tilespmem:$0x1F800] =	vst v63  }
0x67: {  	_ =	swait.ge [sflag:s1], $0x1000  }
0x68: {  	[sflag:s1] =	ssyncset.done $0x0  }
0x69: {  	[sflag:s1] =	ssyncadd.s32 $0xFFFFF000  }
0x6a: {  	[spmem:s26] =	stream.linear.scatter [tilespmem:s0], [sflag:$0x3], $0x1000, $0x38;
	[tilespmem:$0x1F800] =	vst v63  }
0x6b: {  	_ =	swait.ge [sflag:s1], $0x1000  }
0x6c: {  	[sflag:s1] =	ssyncset.done $0x0  }
0x6d: {  	[sflag:s1] =	ssyncadd.s32 $0xFFFFF000  }
0x6e: {  	[spmem:s28] =	stream.linear.scatter [tilespmem:s0], [sflag:$0x3], $0x1000, $0x38;
	[tilespmem:$0x1F800] =	vst v63  }
0x6f: {  	_ =	swait.ge [sflag:s1], $0x1000  }
0x70: {  	[sflag:s1] =	ssyncset.done $0x0  }
0x71: {  	[sflag:s1] =	ssyncadd.s32 $0xFFFFF000  }
0x72: {  	[spmem:s29] =	stream.linear.scatter [tilespmem:s0], [sflag:$0x3], $0x1000, $0x38;
	[tilespmem:$0x1F800] =	vst v63  }
0x73: {  	_ =	swait.ge [sflag:s1], $0x1000  }
0x74: {  	[sflag:s1] =	ssyncset.done $0x0  }
0x75: {  	[sflag:s1] =	ssyncadd.s32 $0xFFFFF000  }
0x76: {  	[spmem:s30] =	stream.linear.scatter [tilespmem:s0], [sflag:$0x3], $0x1000, $0x38;
	[tilespmem:$0x1F800] =	vst v63  }
0x77: {  	_ =	swait.ge [sflag:s1], $0x1000  }
0x78: {  	[sflag:s1] =	ssyncset.done $0x0  }
0x79: {  	[sflag:s1] =	ssyncadd.s32 $0xFFFFF000  }
0x7a: {  	[spmem:s31] =	stream.linear.scatter [tilespmem:s0], [sflag:$0x3], $0x1000, $0x38;
	[tilespmem:$0x1F800] =	vst v63  }
0x7b: {  	_ =	swait.ge [sflag:s1], $0x1000  }
0x7c: {  	[sflag:s1] =	ssyncset.done $0x0  }
0x7d: {  	[sflag:s1] =	ssyncadd.s32 $0xFFFFF000  }
0x7e: {  	[bflag:$0x0] =	sbarrier.arrive $0xFFFF  }
0x7f: {  	s19 =	simm.s32 $0x0;
	s17 =	rddreg [dreg:$0x10]  }
0x80: {  	[tilespmem:s6], [sflag:$0x3] =	stream.linear.gather [hbm4b:s17+s19], $0x1400, $0x38;
	[tilespmem:$0x1F800] =	vst v63  }
0x81: {  	_ =	swait.ge [sflag:s1], $0x1400  }
0x82: {  	[sflag:s1] =	ssyncset.done $0x0  }
0x83: {  	s20 =	rddreg [dreg:$0x11];
	[sflag:s1] =	ssyncadd.s32 $0xFFFFEC00  }
0x84: {  	[tilespmem:s7], [sflag:$0x3] =	stream.linear.gather [hbm4b:s20+s19], $0x1400, $0x38;
	[tilespmem:$0x1F800] =	vst v63  }
0x85: {  	_ =	swait.ge [sflag:s1], $0x1400  }
0x86: {  	[sflag:s1] =	ssyncset.done $0x0  }
0x87: {  	[sflag:s1] =	ssyncadd.s32 $0xFFFFEC00  }
0x88: {  	[tilespmem:s9], [sflag:$0x1] =	stream.indirect.gather [hbm4b:s4+s8], $0x80, s6, s8, $0xb8;
	[tilespmem:$0x1F800] =	vst v63  }
0x89: {  	s17 =	simm.s32 $0x1D080  }
0x8a: {  	[tilespmem:s10], [sflag:$0x2] =	stream.indirect.gather [hbm4b:s4+s8], $0x80, s17, s8, $0xb8;
	[tilespmem:$0x1F800] =	vst v63  }
0x8b: {  	_ =	swait.ge [sflag:s11], $0x3E80  }
0x8c: {  	[sflag:s11] =	ssyncset.done $0x0  }
0x8d: {  	s18 =	simm.s32 $0x1E400;
	[sflag:s11] =	ssyncadd.s32 $0xFFFFC180  }
0x8e: {  	[spmem:s2] =	stream.indirect.scatter.add.f32 [tilespmem:s9], [sflag:$0x3], $0x80, s18, s8, $0xb8;
	[tilespmem:$0x1F800] =	vst v63  }
0x8f: {  	_ =	swait.ge [sflag:s1], $0x3E80  }
0x90: {  	[sflag:s1] =	ssyncset.done $0x0  }
0x91: {  	s19 =	simm.s32 $0x1D100;
	[sflag:s1] =	ssyncadd.s32 $0xFFFFC180  }
0x92: {  	[tilespmem:s9], [sflag:$0x1] =	stream.indirect.gather [hbm4b:s4+s8], $0x80, s19, s8, $0xb8;
	[tilespmem:$0x1F800] =	vst v63  }
0x93: {  	_ =	swait.ge [sflag:s12], $0x3E80  }
0x94: {  	[sflag:s12] =	ssyncset.done $0x0  }
0x95: {  	s20 =	simm.s32 $0x1E480;
	[sflag:s12] =	ssyncadd.s32 $0xFFFFC180  }
0x96: {  	[spmem:s2] =	stream.indirect.scatter.add.f32 [tilespmem:s10], [sflag:$0x3], $0x80, s20, s8, $0xb8;
	[tilespmem:$0x1F800] =	vst v63  }
0x97: {  	_ =	swait.ge [sflag:s1], $0x3E80  }
0x98: {  	s16 =	simm.s32 $0x100;
	s17 =	simm.s32 $0x800;
	[sflag:s1] =	ssyncset.done $0x0  }
.LBB2_4:
0x99: {  	s18 =	sadd.s32 $0x1D080, s16  }
0x9a: {  	[sflag:s1] =	ssyncadd.s32 $0xFFFFC180;
	s19 =	smov.u32 s17;
	s20 =	sadd.s32 $0x400, s17  }
0x9b: {  	[tilespmem:s10], [sflag:$0x2] =	stream.indirect.gather [hbm4b:s4+s8], $0x80, s18, s8, $0xb8;
	[tilespmem:$0x1F800] =	vst v63  }
0x9c: {  	p0 =	sne.s32 s17, $0x4800;
	_ =	swait.ge [sflag:s11], $0x3E80  }
0x9d: {  	[sflag:s11] =	ssyncset.done $0x0  }
0x9e: {  	s17 =	sadd.s32 $0x1E400, s16;
	[sflag:s11] =	ssyncadd.s32 $0xFFFFC180  }
0x9f: {  	[spmem:s2] =	stream.indirect.scatter.add.f32 [tilespmem:s9], [sflag:$0x3], $0x80, s17, s8, $0xb8;
	[tilespmem:$0x1F800] =	vst v63  }
0xa0: {  	_ =	swait.ge [sflag:s1], $0x3E80  }
0xa1: {  	[sflag:s1] =	ssyncset.done $0x0  }
0xa2: {  	s17 =	sadd.s32 $0x1D100, s16;
	[sflag:s1] =	ssyncadd.s32 $0xFFFFC180  }
0xa3: {  	[tilespmem:s9], [sflag:$0x1] =	stream.indirect.gather [hbm4b:s4+s8], $0x80, s17, s8, $0xb8;
	[tilespmem:$0x1F800] =	vst v63  }
0xa4: {  	_ =	swait.ge [sflag:s12], $0x3E80  }
.Ltmp1:
0xa5: {  	[sflag:s12] =	ssyncset.done $0x0;
	(pc) =	sbr.rel @p0 .LBB2_4-.Ltmp1, $4  }
0xa6: {  	s16 =	sadd.s32 $0x1E480, s16;
	[sflag:s12] =	ssyncadd.s32 $0xFFFFC180  }
0xa7: {  	[spmem:s2] =	stream.indirect.scatter.add.f32 [tilespmem:s10], [sflag:$0x3], $0x80, s16, s8, $0xb8;
	[tilespmem:$0x1F800] =	vst v63  }
0xa8: {  	_ =	swait.ge [sflag:s1], $0x3E80  }
0xa9: {  	s17 =	smov.u32 s20;
	s16 =	sshra.s32 s19, $0x2;
	[sflag:s1] =	ssyncset.done $0x0  }
0xaa: {  	s17 =	sadd.s32 $0x1D080, s16;
	[sflag:s1] =	ssyncadd.s32 $0xFFFFC180  }
0xab: {  	[tilespmem:s10], [sflag:$0x2] =	stream.indirect.gather [hbm4b:s4+s8], $0x80, s17, s8, $0xb8;
	[tilespmem:$0x1F800] =	vst v63  }
0xac: {  	_ =	swait.ge [sflag:s11], $0x3E80  }
0xad: {  	[sflag:s11] =	ssyncset.done $0x0  }
0xae: {  	s20 =	sadd.s32 $0x1E400, s16;
	[sflag:s11] =	ssyncadd.s32 $0xFFFFC180  }
0xaf: {  	[spmem:s2] =	stream.indirect.scatter.add.f32 [tilespmem:s9], [sflag:$0x3], $0x80, s20, s8, $0xb8;
	[tilespmem:$0x1F800] =	vst v63  }
0xb0: {  	_ =	swait.ge [sflag:s1], $0x3E80  }
0xb1: {  	[sflag:s1] =	ssyncset.done $0x0  }
0xb2: {  	s18 =	sadd.s32 $0x1D100, s16;
	[sflag:s1] =	ssyncadd.s32 $0xFFFFC180  }
0xb3: {  	[tilespmem:s9], [sflag:$0x1] =	stream.indirect.gather [hbm4b:s4+s8], $0x80, s18, s8, $0xb8;
	[tilespmem:$0x1F800] =	vst v63  }
0xb4: {  	_ =	swait.ge [sflag:s12], $0x3E80  }
0xb5: {  	[sflag:s12] =	ssyncset.done $0x0  }
0xb6: {  	s19 =	sadd.s32 $0x1E480, s16;
	[sflag:s12] =	ssyncadd.s32 $0xFFFFC180  }
0xb7: {  	[spmem:s2] =	stream.indirect.scatter.add.f32 [tilespmem:s10], [sflag:$0x3], $0x80, s19, s8, $0xb8;
	[tilespmem:$0x1F800] =	vst v63  }
0xb8: {  	_ =	swait.ge [sflag:s1], $0x3E80  }
0xb9: {  	[sflag:s1] =	ssyncset.done $0x0  }
0xba: {  	[sflag:s1] =	ssyncadd.s32 $0xFFFFC180  }
0xbb: {  	[tilespmem:s10], [sflag:$0x2] =	stream.indirect.gather [hbm4b:s4+s8], $0x80, s13, s8, $0xb8;
	[tilespmem:$0x1F800] =	vst v63  }
0xbc: {  	_ =	swait.ge [sflag:s11], $0x3E80  }
0xbd: {  	[sflag:s11] =	ssyncset.done $0x0  }
0xbe: {  	[sflag:s11] =	ssyncadd.s32 $0xFFFFC180  }
0xbf: {  	[spmem:s2] =	stream.indirect.scatter.add.f32 [tilespmem:s9], [sflag:$0x3], $0x80, s14, s8, $0xb8;
	[tilespmem:$0x1F800] =	vst v63  }
0xc0: {  	_ =	swait.ge [sflag:s1], $0x3E80  }
0xc1: {  	[sflag:s1] =	ssyncset.done $0x0  }
0xc2: {  	[sflag:s1] =	ssyncadd.s32 $0xFFFFC180  }
0xc3: {  	_ =	swait.ge [sflag:s12], $0x3E80  }
0xc4: {  	[sflag:s12] =	ssyncset.done $0x0  }
0xc5: {  	[sflag:s12] =	ssyncadd.s32 $0xFFFFC180  }
0xc6: {  	[spmem:s2] =	stream.indirect.scatter.add.f32 [tilespmem:s10], [sflag:$0x3], $0x80, s15, s8, $0xb8;
	[tilespmem:$0x1F800] =	vst v63  }
0xc7: {  	_ =	swait.ge [sflag:s1], $0x3E80  }
0xc8: {  	[sflag:s1] =	ssyncset.done $0x0  }
0xc9: {  	s20 =	simm.s32 $0x0;
	[sflag:s1] =	ssyncadd.s32 $0xFFFFC180  }
0xca: {  	[tilespmem:s6], [sflag:$0x3] =	stream.linear.gather [hbm4b:s21+s20], $0x1400, $0x38;
	[tilespmem:$0x1F800] =	vst v63  }
0xcb: {  	_ =	swait.ge [sflag:s1], $0x1400  }
0xcc: {  	[sflag:s1] =	ssyncset.done $0x0  }
0xcd: {  	[sflag:s1] =	ssyncadd.s32 $0xFFFFEC00  }
0xce: {  	[tilespmem:s7], [sflag:$0x3] =	stream.linear.gather [hbm4b:s22+s20], $0x1400, $0x38;
	[tilespmem:$0x1F800] =	vst v63  }
0xcf: {  	_ =	swait.ge [sflag:s1], $0x1400  }
0xd0: {  	[sflag:s1] =	ssyncset.done $0x0  }
0xd1: {  	[sflag:s1] =	ssyncadd.s32 $0xFFFFEC00  }
0xd2: {  	[tilespmem:s9], [sflag:$0x1] =	stream.indirect.gather [hbm4b:s4+s8], $0x80, s6, s8, $0xb8;
	[tilespmem:$0x1F800] =	vst v63  }
0xd3: {  	s17 =	simm.s32 $0x1D080  }
0xd4: {  	[tilespmem:s10], [sflag:$0x2] =	stream.indirect.gather [hbm4b:s4+s8], $0x80, s17, s8, $0xb8;
	[tilespmem:$0x1F800] =	vst v63  }
0xd5: {  	_ =	swait.ge [sflag:s11], $0x3E80  }
0xd6: {  	[sflag:s11] =	ssyncset.done $0x0  }
0xd7: {  	s18 =	simm.s32 $0x1E400;
	[sflag:s11] =	ssyncadd.s32 $0xFFFFC180  }
0xd8: {  	[spmem:s2] =	stream.indirect.scatter.add.f32 [tilespmem:s9], [sflag:$0x3], $0x80, s18, s8, $0xb8;
	[tilespmem:$0x1F800] =	vst v63  }
0xd9: {  	_ =	swait.ge [sflag:s1], $0x3E80  }
0xda: {  	[sflag:s1] =	ssyncset.done $0x0  }
0xdb: {  	s19 =	simm.s32 $0x1D100;
	[sflag:s1] =	ssyncadd.s32 $0xFFFFC180  }
0xdc: {  	[tilespmem:s9], [sflag:$0x1] =	stream.indirect.gather [hbm4b:s4+s8], $0x80, s19, s8, $0xb8;
	[tilespmem:$0x1F800] =	vst v63  }
0xdd: {  	_ =	swait.ge [sflag:s12], $0x3E80  }
0xde: {  	[sflag:s12] =	ssyncset.done $0x0  }
0xdf: {  	s20 =	simm.s32 $0x1E480;
	[sflag:s12] =	ssyncadd.s32 $0xFFFFC180  }
0xe0: {  	[spmem:s2] =	stream.indirect.scatter.add.f32 [tilespmem:s10], [sflag:$0x3], $0x80, s20, s8, $0xb8;
	[tilespmem:$0x1F800] =	vst v63  }
0xe1: {  	_ =	swait.ge [sflag:s1], $0x3E80  }
0xe2: {  	s16 =	simm.s32 $0x100;
	s17 =	simm.s32 $0x800;
	[sflag:s1] =	ssyncset.done $0x0  }
.LBB2_6:
0xe3: {  	s18 =	sadd.s32 $0x1D080, s16  }
0xe4: {  	[sflag:s1] =	ssyncadd.s32 $0xFFFFC180;
	s19 =	smov.u32 s17;
	s20 =	sadd.s32 $0x400, s17  }
0xe5: {  	[tilespmem:s10], [sflag:$0x2] =	stream.indirect.gather [hbm4b:s4+s8], $0x80, s18, s8, $0xb8;
	[tilespmem:$0x1F800] =	vst v63  }
0xe6: {  	p0 =	sne.s32 s17, $0x4800;
	_ =	swait.ge [sflag:s11], $0x3E80  }
0xe7: {  	[sflag:s11] =	ssyncset.done $0x0  }
0xe8: {  	s17 =	sadd.s32 $0x1E400, s16;
	[sflag:s11] =	ssyncadd.s32 $0xFFFFC180  }
0xe9: {  	[spmem:s2] =	stream.indirect.scatter.add.f32 [tilespmem:s9], [sflag:$0x3], $0x80, s17, s8, $0xb8;
	[tilespmem:$0x1F800] =	vst v63  }
0xea: {  	_ =	swait.ge [sflag:s1], $0x3E80  }
0xeb: {  	[sflag:s1] =	ssyncset.done $0x0  }
0xec: {  	s17 =	sadd.s32 $0x1D100, s16;
	[sflag:s1] =	ssyncadd.s32 $0xFFFFC180  }
0xed: {  	[tilespmem:s9], [sflag:$0x1] =	stream.indirect.gather [hbm4b:s4+s8], $0x80, s17, s8, $0xb8;
	[tilespmem:$0x1F800] =	vst v63  }
0xee: {  	_ =	swait.ge [sflag:s12], $0x3E80  }
.Ltmp2:
0xef: {  	[sflag:s12] =	ssyncset.done $0x0;
	(pc) =	sbr.rel @p0 .LBB2_6-.Ltmp2, $4  }
0xf0: {  	s16 =	sadd.s32 $0x1E480, s16;
	[sflag:s12] =	ssyncadd.s32 $0xFFFFC180  }
0xf1: {  	[spmem:s2] =	stream.indirect.scatter.add.f32 [tilespmem:s10], [sflag:$0x3], $0x80, s16, s8, $0xb8;
	[tilespmem:$0x1F800] =	vst v63  }
0xf2: {  	_ =	swait.ge [sflag:s1], $0x3E80  }
0xf3: {  	s17 =	smov.u32 s20;
	s16 =	sshra.s32 s19, $0x2;
	[sflag:s1] =	ssyncset.done $0x0  }
0xf4: {  	s17 =	sadd.s32 $0x1D080, s16;
	[sflag:s1] =	ssyncadd.s32 $0xFFFFC180  }
0xf5: {  	[tilespmem:s10], [sflag:$0x2] =	stream.indirect.gather [hbm4b:s4+s8], $0x80, s17, s8, $0xb8;
	[tilespmem:$0x1F800] =	vst v63  }
0xf6: {  	_ =	swait.ge [sflag:s11], $0x3E80  }
0xf7: {  	[sflag:s11] =	ssyncset.done $0x0  }
0xf8: {  	s19 =	sadd.s32 $0x1E400, s16;
	[sflag:s11] =	ssyncadd.s32 $0xFFFFC180  }
0xf9: {  	[spmem:s2] =	stream.indirect.scatter.add.f32 [tilespmem:s9], [sflag:$0x3], $0x80, s19, s8, $0xb8;
	[tilespmem:$0x1F800] =	vst v63  }
0xfa: {  	_ =	swait.ge [sflag:s1], $0x3E80  }
0xfb: {  	[sflag:s1] =	ssyncset.done $0x0  }
0xfc: {  	s20 =	sadd.s32 $0x1D100, s16;
	[sflag:s1] =	ssyncadd.s32 $0xFFFFC180  }
0xfd: {  	[tilespmem:s9], [sflag:$0x1] =	stream.indirect.gather [hbm4b:s4+s8], $0x80, s20, s8, $0xb8;
	[tilespmem:$0x1F800] =	vst v63  }
0xfe: {  	_ =	swait.ge [sflag:s12], $0x3E80  }
0xff: {  	[sflag:s12] =	ssyncset.done $0x0  }
0x100: {  	s18 =	sadd.s32 $0x1E480, s16;
	[sflag:s12] =	ssyncadd.s32 $0xFFFFC180  }
0x101: {  	[spmem:s2] =	stream.indirect.scatter.add.f32 [tilespmem:s10], [sflag:$0x3], $0x80, s18, s8, $0xb8;
	[tilespmem:$0x1F800] =	vst v63  }
0x102: {  	_ =	swait.ge [sflag:s1], $0x3E80  }
0x103: {  	[sflag:s1] =	ssyncset.done $0x0  }
0x104: {  	[sflag:s1] =	ssyncadd.s32 $0xFFFFC180  }
0x105: {  	[tilespmem:s10], [sflag:$0x2] =	stream.indirect.gather [hbm4b:s4+s8], $0x80, s13, s8, $0xb8;
	[tilespmem:$0x1F800] =	vst v63  }
0x106: {  	_ =	swait.ge [sflag:s11], $0x3E80  }
0x107: {  	[sflag:s11] =	ssyncset.done $0x0  }
0x108: {  	[sflag:s11] =	ssyncadd.s32 $0xFFFFC180  }
0x109: {  	[spmem:s2] =	stream.indirect.scatter.add.f32 [tilespmem:s9], [sflag:$0x3], $0x80, s14, s8, $0xb8;
	[tilespmem:$0x1F800] =	vst v63  }
0x10a: {  	_ =	swait.ge [sflag:s1], $0x3E80  }
0x10b: {  	[sflag:s1] =	ssyncset.done $0x0  }
0x10c: {  	[sflag:s1] =	ssyncadd.s32 $0xFFFFC180  }
0x10d: {  	_ =	swait.ge [sflag:s12], $0x3E80  }
0x10e: {  	[sflag:s12] =	ssyncset.done $0x0  }
0x10f: {  	[sflag:s12] =	ssyncadd.s32 $0xFFFFC180  }
0x110: {  	[spmem:s2] =	stream.indirect.scatter.add.f32 [tilespmem:s10], [sflag:$0x3], $0x80, s15, s8, $0xb8;
	[tilespmem:$0x1F800] =	vst v63  }
0x111: {  	s19 =	stileid.u32;
	_ =	swait.ge [sflag:s1], $0x3E80  }
0x112: {  	s3 =	sadd.s32 $0x1, s3;
	s16 =	sshll.u32 s19, $0x6;
	[sflag:s1] =	ssyncset.done $0x0  }
0x113: {  	p0 =	sne.s32 s3, s25;
	s16 =	sor.u32 $0x1C03, s16;
	[sflag:s1] =	ssyncadd.s32 $0xFFFFC180  }
.Ltmp3:
0x114: {  	s20 =	sshrl.u32 s5, $0x3;
	[bflag:$0x0] =	sbarrier.arrive $0xFFFF;
	(pc) =	sbr.rel @p0 .LBB2_1-.Ltmp3, $4  }
0x115: {  	[hbm:s24], [sflag:s16] =	dma.local [spmem:s20], $0x2800  }
0x116: {  	_ =	swait.ge [sflag:s1], $0x2800  }
0x117: {  	[sflag:s1] =	ssyncset.done $0x0  }
0x118: {  	[sflag:s1] =	ssyncadd.s32 $0xFFFFD800  }
0x119: {  	_ =	sfence.sel $0x180000  }
0x11a: {  	[bflag:$0x0] =	sbarrier.arrive $0xFFFF  }
0x11b: {  	_ =	strace $0x9000004A  }
0x11c: {  	s0 =	stileid.u32;
	[bflag:$0x2] =	sbarrier.arrive $0xFFFF  }
0x11d: {  	p0 =	sne.s32 s0, $0x0;
	s0 =	rddreg [dreg:$0x2]  }
0x11e: {  	s0 =	sadd.s32 @!p0 $0x100000, s0  }
0x11f: {  	[sflag:s0] =	ssyncadd.tile.s32 @!p0 $0x1;
	_ =	shalt  }
.Lfunc_end2:
_tile_overlayer_lowered:
.L_overlay_start_2:
0x120: {  	(tag) =	ssettag $0x2  }
0x121: {  	s0 =	rddreg [dreg:$0x0];
	s2 =	stileid.u32  }
0x122: {  	s1 =	rddreg [dreg:$0x1];
	p0 =	sne.s32 s2, $0x0  }
0x123: {  	s3 =	rddreg [dreg:$0x2];
	[bflag:$0x3] =	sbarrier.arrive $0xFFFF;
	s2 =	simm.s32 @!p0 $0x1C03  }
0x124: {  	[timem:s3], [sflag:s2] =	dma.local @!p0 [hbm:s0], s1  }
0x125: {  	s0 =	simm.s32 @!p0 $0x3  }
0x126: {  	_ =	swait.ge @!p0 [sflag:s0], s1  }
0x127: {  	s1 =	ssub.s32 @!p0 $0x0, s1;
	[sflag:s0] =	ssyncset.done @!p0 $0x0  }
0x128: {  	[sflag:s0] =	ssyncadd.s32 @!p0 s1  }
0x129: {  	[bflag:$0x3] =	sbarrier.arrive $0xFFFF  }
0x12a: {  	_ =	shalt  }

// kernel: kernel.7.cloned.1.call-start
scs
__scs_entry_jumppad:
0x0: {  	(pc) =	sbr.rel $0x88, $3  }
0x1: {  	(tag) =	ssettag $0x0;
	lr =	simm.s32 $0x1  }
0x2: {  	[smem:$0x3F9B] =	sst lr;
	_ =	strace $0xD0000000  }
0x3: {  	_ = 	snop  }
0x4: {  	_ = 	snop  }
0x5: {  	_ = 	snop  }
0x6: {  	_ = 	snop  }
0x7: {  	_ = 	snop  }
__scs_overlays_trampoline_lowered:
0x8: {  	[smem:$0x3FAA] =	sst s0  }
0x9: {  	[smem:$0x3FAB] =	sst s1  }
0xa: {  	[smem:$0x3FAC] =	sst s2  }
0xb: {  	[smem:$0x3FAD] =	sst s3  }
0xc: {  	[smem:$0x3FAE] =	sst s4  }
0xd: {  	[smem:$0x3FAF] =	sst s5  }
0xe: {  	[smem:$0x3FB0] =	sst s6  }
0xf: {  	[smem:$0x3FB1] =	sst s7  }
0x10: {  	[smem:$0x3FB2] =	sst s8  }
0x11: {  	[smem:$0x3FB3] =	sst s9;
	s0 =	simm.s32 @!p0 $0x0  }
0x12: {  	s1 =	sld [smem:$0x3F99];
	s0 =	simm.s32 @p0 $0x1  }
0x13: {  	[smem:$0x3FB4] =	sst s0;
	s0 =	simm.s32 @!p1 $0x0  }
0x14: {  	s2 =	sld [smem:$0x3F98];
	s0 =	simm.s32 @p1 $0x1  }
0x15: {  	[smem:$0x3FB5] =	sst s0;
	s0 =	simm.s32 @!p2 $0x0  }
0x16: {  	s3 =	sld [smem:$0x3FDB];
	s0 =	simm.s32 @p2 $0x1  }
0x17: {  	s4 =	simm.s32 $0x1BF5;
	[smem:$0x3FB7] =	sst s0  }
0x18: {  	s0 =	sld [smem:$0x3F9A];
	_ =	swait.ge [sflag:s4], $0x0  }
0x19: {  	s7 =	sld [smem:$0x3F9B]  }
0x1a: {  	s8 =	sadd.s32 $0xFFFFE003, lr  }
0x1b: {  	s9 =	sadd.s32 $0xFFFFFEF7, lr;
	s5 =	simm.s32 $0xFFFFFFFF;
	p2 =	slt.u32 s8, $0xFFFFF086  }
0x1c: {  	p1 =	slt.u32 s9, $0xF7A;
	s5 =	simm.s32 @!p2 $0x0  }
0x1d: {  	s5 =	simm.s32 @p1 $0x1;
	p0 =	seq.s32 s7, s2  }
0x1e: {  	s7 =	smul.u32 @!p0 $0xF7A, s2;
	p2 =	seq.s32 @!p0 s5, $0x0  }
0x1f: {  	s9 =	smul.u32 $0xF7A, s1;
	s8 =	simm.s32 @!p0 $0x1BF5;
	p2 =	por !p2, p0  }
0x20: {  	[sflag:s8] =	ssyncset.s32 @!p0 $0xFFFFF086;
	s6 =	sadd.s32 @!p0 s3, s7;
	s7 =	simm.s32 @!p0 $0x108  }
0x21: {  	s3 =	sadd.s32 s3, s9;
	s6 =	sadd.s32 @!p0 $0x88, s6;
	s7 =	simm.s32 @p2 $0x1082  }
0x22: {  	[simem:s7], [sflag:s8] =	dma.local @!p0 [hbm:s6], $0xF7A  }
0x23: {  	s9 =	sor.u32 $0xD0000000, s2;
	s6 =	simm.s32 $0x108;
	_ =	swait.ge @!p0 [sflag:s8], $0x0  }
0x24: {  	s3 =	sadd.s32 $0x88, s3;
	s6 =	simm.s32 @!p1 $0x1082;
	[sflag:s4] =	ssyncset.s32 $0xFFFFF086  }
0x25: {  	[simem:s6], [sflag:s4] =	dma.local [hbm:s3], $0xF7A  }
0x26: {  	[smem:$0x3F9B] =	sst s1;
	(tag) =	ssettag s2;
	_ =	strace s9  }
0x27: {  	s1 =	sld [smem:$0x3FAB]  }
0x28: {  	s2 =	sld [smem:$0x3FAC]  }
0x29: {  	s4 =	sld [smem:$0x3FAE]  }
0x2a: {  	p0 =	seq.s32 s5, $0x0;
	s5 =	sld [smem:$0x3FAF]  }
0x2b: {  	s6 =	sld [smem:$0x3FB0]  }
0x2c: {  	s7 =	sld [smem:$0x3FB1]  }
0x2d: {  	s3 =	simm.s32 $0x108;
	s8 =	sld [smem:$0x3FB2]  }
0x2e: {  	s3 =	simm.s32 @!p0 $0x1082;
	s9 =	sld [smem:$0x3FB3]  }
0x2f: {  	lr =	sadd.s32 s0, s3;
	s0 =	sld [smem:$0x3FAA]  }
0x30: {  	s3 =	sld [smem:$0x3FAD]  }
0x31: {  	[smem:$0x3FB6] =	sst s10  }
0x32: {  	s10 =	sld [smem:$0x3FB4];
	_ =	sdelay $0x3  }
0x33: {  	p0 =	seq.s32 s10, $0x1;
	s10 =	sld [smem:$0x3FB6];
	_ =	sdelay $0x3  }
0x34: {  	[smem:$0x3FB6] =	sst s10  }
0x35: {  	s10 =	sld [smem:$0x3FB5];
	_ =	sdelay $0x3  }
0x36: {  	p1 =	seq.s32 s10, $0x1;
	s10 =	sld [smem:$0x3FB6];
	_ =	sdelay $0x3  }
0x37: {  	[smem:$0x3FB6] =	sst s10  }
0x38: {  	s10 =	sld [smem:$0x3FB7]  }
0x39: {  	_ = 	snop;
	(pc) =	sbr.ind lr, $3  }
0x3a: {  	_ = 	snop  }
0x3b: {  	_ = 	snop  }
0x3c: {  	p2 =	seq.s32 s10, $0x1;
	s10 =	sld [smem:$0x3FB6]  }
0x3d: {  	_ =	shalt  }
0x3e: {  	_ =	shalt  }
0x3f: {  	_ =	shalt  }
0x40: {  	_ =	shalt  }
0x41: {  	_ =	shalt  }
0x42: {  	_ =	shalt  }
0x43: {  	_ =	shalt  }
0x44: {  	_ =	shalt  }
0x45: {  	_ =	shalt  }
0x46: {  	_ =	shalt  }
0x47: {  	_ =	shalt  }
0x48: {  	_ =	shalt  }
0x49: {  	_ =	shalt  }
0x4a: {  	_ =	shalt  }
0x4b: {  	_ =	shalt  }
0x4c: {  	_ =	shalt  }
0x4d: {  	_ =	shalt  }
0x4e: {  	_ =	shalt  }
0x4f: {  	_ =	shalt  }
0x50: {  	_ =	shalt  }
0x51: {  	_ =	shalt  }
0x52: {  	_ =	shalt  }
0x53: {  	_ =	shalt  }
0x54: {  	_ =	shalt  }
0x55: {  	_ =	shalt  }
0x56: {  	_ =	shalt  }
0x57: {  	_ =	shalt  }
0x58: {  	_ =	shalt  }
0x59: {  	_ =	shalt  }
0x5a: {  	_ =	shalt  }
0x5b: {  	_ =	shalt  }
0x5c: {  	_ =	shalt  }
0x5d: {  	_ =	shalt  }
0x5e: {  	_ =	shalt  }
0x5f: {  	_ =	shalt  }
0x60: {  	_ =	shalt  }
0x61: {  	_ =	shalt  }
0x62: {  	_ =	shalt  }
0x63: {  	_ =	shalt  }
0x64: {  	_ =	shalt  }
0x65: {  	_ =	shalt  }
0x66: {  	_ =	shalt  }
0x67: {  	_ =	shalt  }
0x68: {  	_ =	shalt  }
0x69: {  	_ =	shalt  }
0x6a: {  	_ =	shalt  }
0x6b: {  	_ =	shalt  }
0x6c: {  	_ =	shalt  }
0x6d: {  	_ =	shalt  }
0x6e: {  	_ =	shalt  }
0x6f: {  	_ =	shalt  }
0x70: {  	_ =	shalt  }
0x71: {  	_ =	shalt  }
0x72: {  	_ =	shalt  }
0x73: {  	_ =	shalt  }
0x74: {  	_ =	shalt  }
0x75: {  	_ =	shalt  }
0x76: {  	_ =	shalt  }
0x77: {  	_ =	shalt  }
0x78: {  	_ =	shalt  }
0x79: {  	_ =	shalt  }
0x7a: {  	_ =	shalt  }
0x7b: {  	_ =	shalt  }
0x7c: {  	_ =	shalt  }
0x7d: {  	_ =	shalt  }
0x7e: {  	_ =	shalt  }
0x7f: {  	_ =	shalt  }
0x80: {  	_ =	shalt  }
0x81: {  	_ =	shalt  }
0x82: {  	_ =	shalt  }
0x83: {  	_ =	shalt  }
0x84: {  	_ =	shalt  }
0x85: {  	_ =	shalt  }
0x86: {  	_ =	shalt  }
0x87: {  	_ =	shalt  }
.Lfunc_end0:
.L_simem_size_0:
called_computation_lowered:
.L_overlay_start_0:
0x88: {  	s2 =	sld [smem:$0x3FD9]  }
0x89: {  	s3 =	sld [smem:$0x3FFE];
	_ =	sdelay $0x1  }
0x8a: {  	s1 =	srdreg.scid  }
0x8b: {  	s0 =	sand.u32 $0x1, s1  }
0x8c: {  	s16 =	sshll.u32 s0, $0xA;
	s2 =	sadd.s32 s3, s2  }
0x8d: {  	s2 =	sadd.s32 s2, s16  }
0x8e: {  	[smem:$0x3FC2] =	sst s2  }
0x8f: {  	_ = 	snop  }
0x90: {  	(tm) =	ssettm $0x1  }
0x91: {  	s17 =	sld [smem:$0x3FFB];
	_ =	sdelay $0x3  }
0x92: {  	_ =	strace s17  }
0x93: {  	s2 =	sld [smem:$0x3FFC];
	_ =	sdelay $0x3  }
0x94: {  	_ =	strace s2  }
0x95: {  	s2 =	sld [smem:$0x3FFD];
	_ =	sdelay $0x3  }
0x96: {  	_ =	strace s2  }
0x97: {  	_ =	strace $0x8FFFFFFF  }
0x98: {  	s18 =	sld [smem:$0x3FDB];
	_ =	sdelay $0x1  }
0x99: {  	s19 =	simm.s32 $_scs_section_size  }
0x9a: {  	s4 =	simm.s32 $_size__tile_overlayer_lowered;
	s5 =	simm.s32 $_tile_overlayer_lowered  }
0x9b: {  	s22 =	simm.s32 $0x1BFF;
	s21 =	sshll.u32 s5, $0x1;
	s2 =	sadd.s32 s19, s18  }
0x9c: {  	s6 =	simm.s32 $0x0;
	s20 =	sshll.u32 s4, $0x1;
	s4 =	sadd.s32 s21, s2  }
0x9d: {  	[timem:s6], [sflag:s22] =	dma.local [hbm:s4], s20  }
0x9e: {  	_ =	swait.ge [sflag:s22], s20  }
0x9f: {  	s3 =	ssub.s32 $0x0, s20;
	[sflag:s22] =	ssyncset.done $0x0  }
0xa0: {  	[sflag:s22] =	ssyncadd.s32 s3;
	_ =	sdelay $0x1  }
0xa1: {  	s23 =	simm.s32 $0x1B8B  }
0xa2: {  	_ =	swait.ge [sflag:s23], $0x1  }
0xa3: {  	[sflag:s23] =	ssyncset.done $0x0  }
0xa4: {  	s25 =	simm.s32 $0x1B8E;
	s24 =	sld [smem:$0x3FFE];
	[sflag:s23] =	ssyncadd.s32 $0xFFFFFFFF  }
0xa5: {  	s26 =	simm.s32 $execute0_lowered;
	[smem:$0x3FD2] =	sst s25  }
0xa6: {  	s4 =	sshll.u32 s26, $0x1;
	_ =	strace $0x80000046;
	[dreg:$0x1] =	wrdreg $0xFFFFFFFF  }
0xa7: {  	s28 =	simm.s32 $_size_execute0_lowered;
	s2 =	sadd.s32 s2, s4;
	[dreg:$0x0] =	wrdreg $0x0  }
0xa8: {  	s4 =	sshll.u32 s28, $0x1;
	[dreg:$0x2] =	wrdreg s2  }
0xa9: {  	[dreg:$0x3] =	wrdreg s4  }
0xaa: {  	[dreg:$0x4] =	wrdreg $0xC0  }
0xab: {  	_ =	task [dreg:s6], $0x5FFFF  }
0xac: {  	[dreg:$0x1] =	wrdreg $0xFFFFFFFF  }
0xad: {  	[dreg:$0x0] =	wrdreg $0x60  }
0xae: {  	[dreg:$0x2] =	wrdreg s24  }
0xaf: {  	[dreg:$0x3] =	wrdreg $0x0  }
0xb0: {  	[dreg:$0x4] =	wrdreg $0x9  }
0xb1: {  	_ =	task.clear_ibuf [dreg:s6], $0x5FFFF;
	_ =	strace $0x90000046  }
0xb2: {  	s29 =	simm.s32 $0x9;
	_ =	strace $0x80000048  }
0xb3: {  	_ =	swait.ge [sflag:s29], $0x1  }
0xb4: {  	[sflag:s29] =	ssyncadd.s32 $0xFFFFFFFF  }
0xb5: {  	_ =	strace $0x90000048  }
0xb6: {  	_ =	sfence  }
0xb7: {  	s30 =	sld [smem:$0x0];
	_ =	sdelay $0x2  }
0xb8: {  	s31 =	sshll.u32 s1, $0xD;
	s1 =	sshrl.u32 s1, $0x2  }
0xb9: {  	s3 =	sand.u32 $0x4000, s31;
	s1 =	sadd.s32 s1, s30  }
0xba: {  	s0 =	sor.u32 s3, s0;
	s1 =	sshll.u32 s1, $0x11  }
0xbb: {  	s0 =	sor.u32 s1, s0  }
0xbc: {  	s0 =	sadd.s32 $0x8F2B, s0  }
0xbd: {  	[sflag:s0] =	ssyncadd.remote.s32 $0x1  }
0xbe: {  	_ =	sfence.sel $0xFFFF  }
0xbf: {  	[dreg:$0x0] =	wrdreg $0xFFFFFFFF;
	(pc) =	sbr.abs _section_cstart, $3  }
0xc0: {  	[dreg:$0x1] =	wrdreg $0xFFFFFFFF  }
0xc1: {  	_ =	task.clear_ibuf [dreg:s6], $0x2FFFF;
	_ =	strace $0x9FFFFFFF  }
0xc2: {  	(tm) =	ssettm $0x7FFFFFFF  }
0xc3: {  	_ =	shalt  }
tec
execute0_lowered:
.L_overlay_start_1:
0x0: {  	(tag) =	ssettag $0x1  }
0x1: {  	s0 =	srdreg.scid;
	s3 =	rddreg [dreg:$0x0]  }
0x2: {  	s6 =	stileid.u32;
	s2 =	rddreg [dreg:$0x1]  }
0x3: {  	s5 =	simm.s32 $0x0;
	s29 =	simm.s32 $0x1;
	s30 =	simm.s32 $0x18000  }
0x4: {  	s31 =	simm.s32 $0x7D;
	s0 =	sand.u32 $0x1, s0;
	s4 =	smul.u32 $0x2800, s6  }
0x5: {  	s1 =	sshll.u32 s6, $0x1;
	[smem:$0x7FF] =	sst s5;
	s6 =	smul.u32 $0x50000, s6  }
0x6: {  	s1 =	sor.u32 s0, s1;
	s25 =	smul.u32 $0x28000, s0;
	s0 =	ssub.s32 $0x2, s0  }
0x7: {  	_ =	strace $0x80000047;
	s1 =	smul.u32 $0x500, s1;
	s26 =	sshrl.u32 s0, $0x1  }
0x8: {  	s28 =	sshrl.u32 s6, $0x2;
	s4 =	sadd.s32 s4, s25;
	s0 =	ssub.s32 s0, s26  }
0x9: {  	s5 =	sadd.s32 s28, s2;
	s1 =	sadd.s32 s1, s3;
	s3 =	sadd.s32 s4, s3  }
0xa: {  	s6 =	sadd.s32 $0x1000, s5;
	s7 =	sadd.s32 $0x2000, s5;
	s8 =	sadd.s32 $0x3000, s5  }
0xb: {  	s9 =	sadd.s32 $0x4000, s5;
	s10 =	sadd.s32 $0x5000, s5;
	s11 =	sadd.s32 $0x6000, s5  }
0xc: {  	s12 =	sadd.s32 $0x7000, s5;
	s13 =	sadd.s32 $0x8000, s5;
	s14 =	sadd.s32 $0x9000, s5  }
0xd: {  	s15 =	sadd.s32 $0xA000, s5;
	s16 =	sadd.s32 $0xB000, s5;
	s17 =	sadd.s32 $0xC000, s5  }
0xe: {  	s18 =	sadd.s32 $0xD000, s5;
	s19 =	sadd.s32 $0xE000, s5;
	s20 =	sadd.s32 $0xF000, s5  }
0xf: {  	s21 =	sadd.s32 $0x10000, s5;
	s22 =	sadd.s32 $0x11000, s5;
	s23 =	sadd.s32 $0x12000, s5  }
0x10: {  	s25 =	smax.u32 s0, $0x1;
	s26 =	sadd.s32 $0x13000, s5;
	s4 =	sadd.s32 $0x1C00, s1  }
0x11: {  	v0 =	vimm.f32 $1.000000000e+00;
	v1 =	vimm.f32 $0.0e+00;
	s24 =	sadd.s32 $0xBC00, s3;
	s1 =	simm.s32 $0x14000;
	s3 =	simm.s32 $0x0  }
.LBB2_1:
0x12: {  	s0 =	simm.s32 $0x0;
	s28 =	simm.s32 $0x19000  }
0x13: {  	[tilespmem:s28], [sflag:$0x1] =	stream.linear.gather [hbm4b:s4+s0], $0x2800, $0x38;
	[tilespmem:$0x1B800] =	vst v63  }
0x14: {  	_ =	swait.ge [sflag:s29], $0x2800  }
0x15: {  	[sflag:s29] =	ssyncset.done $0x0  }
0x16: {  	s0 =	simm.s32 $0x0;
	s28 =	simm.s32 $0x200;
	[sflag:s29] =	ssyncadd.s32 $0xFFFFD800  }
.LBB2_2:
0x17: {  	p0 =	sne.s32 s28, $0xF800;
	[tilespmem:s0+$0x14070] =	vst v0  }
0x18: {  	[tilespmem:s0+$0x14000] =	vst v0  }
0x19: {  	[tilespmem:s0+$0x14010] =	vst v0  }
.Ltmp0:
0x1a: {  	[tilespmem:s0+$0x14020] =	vst v0;
	(pc) =	sbr.rel @p0 .LBB2_2-.Ltmp0, $4  }
0x1b: {  	[tilespmem:s0+$0x14030] =	vst v0  }
0x1c: {  	[tilespmem:s0+$0x14040] =	vst v0  }
0x1d: {  	[tilespmem:s0+$0x14050] =	vst v0  }
0x1e: {  	[tilespmem:s0+$0x14060] =	vst v0;
	s0 =	sshra.s32 s28, $0x2;
	s28 =	sadd.s32 $0x200, s28  }
0x1f: {  	[tilespmem:s0+$0x14070] =	vst v0  }
0x20: {  	[tilespmem:s0+$0x14000] =	vst v0  }
0x21: {  	[tilespmem:s0+$0x14010] =	vst v0  }
0x22: {  	[tilespmem:s0+$0x14020] =	vst v0  }
0x23: {  	[tilespmem:s0+$0x14030] =	vst v0  }
0x24: {  	[tilespmem:s0+$0x14040] =	vst v0  }
0x25: {  	[tilespmem:s0+$0x14050] =	vst v0  }
0x26: {  	[tilespmem:s0+$0x14060] =	vst v0;
	s0 =	simm.s32 $0x0;
	s28 =	simm.s32 $0x200  }
.LBB2_4:
0x27: {  	p0 =	sne.s32 s28, $0x3E00;
	[tilespmem:s0+$0x18070] =	vst v1  }
0x28: {  	[tilespmem:s0+$0x18000] =	vst v1  }
0x29: {  	[tilespmem:s0+$0x18010] =	vst v1  }
.Ltmp1:
0x2a: {  	[tilespmem:s0+$0x18020] =	vst v1;
	(pc) =	sbr.rel @p0 .LBB2_4-.Ltmp1, $4  }
0x2b: {  	[tilespmem:s0+$0x18030] =	vst v1  }
0x2c: {  	[tilespmem:s0+$0x18040] =	vst v1  }
0x2d: {  	[tilespmem:s0+$0x18050] =	vst v1  }
0x2e: {  	[tilespmem:s0+$0x18060] =	vst v1;
	s0 =	sshra.s32 s28, $0x2;
	s28 =	sadd.s32 $0x200, s28  }
0x2f: {  	[tilespmem:s0+$0x18070] =	vst v1  }
0x30: {  	[tilespmem:s0+$0x18000] =	vst v1  }
0x31: {  	[tilespmem:s0+$0x18010] =	vst v1  }
0x32: {  	[tilespmem:s0+$0x18020] =	vst v1  }
0x33: {  	[tilespmem:s0+$0x18030] =	vst v1  }
0x34: {  	[tilespmem:s0+$0x18040] =	vst v1  }
0x35: {  	[tilespmem:s0+$0x18050] =	vst v1  }
0x36: {  	[tilespmem:s0+$0x18060] =	vst v1  }
0x37: {  	[spmem:s5] =	stream.linear.scatter [tilespmem:s30], [sflag:$0x1], $0x1000, $0x38;
	[tilespmem:$0x1B800] =	vst v63  }
0x38: {  	_ =	swait.ge [sflag:s29], $0x1000  }
0x39: {  	[sflag:s29] =	ssyncset.done $0x0  }
0x3a: {  	[sflag:s29] =	ssyncadd.s32 $0xFFFFF000  }
0x3b: {  	[spmem:s6] =	stream.linear.scatter [tilespmem:s30], [sflag:$0x1], $0x1000, $0x38;
	[tilespmem:$0x1B800] =	vst v63  }
0x3c: {  	_ =	swait.ge [sflag:s29], $0x1000  }
0x3d: {  	[sflag:s29] =	ssyncset.done $0x0  }
0x3e: {  	[sflag:s29] =	ssyncadd.s32 $0xFFFFF000  }
0x3f: {  	[spmem:s7] =	stream.linear.scatter [tilespmem:s30], [sflag:$0x1], $0x1000, $0x38;
	[tilespmem:$0x1B800] =	vst v63  }
0x40: {  	_ =	swait.ge [sflag:s29], $0x1000  }
0x41: {  	[sflag:s29] =	ssyncset.done $0x0  }
0x42: {  	[sflag:s29] =	ssyncadd.s32 $0xFFFFF000  }
0x43: {  	[spmem:s8] =	stream.linear.scatter [tilespmem:s30], [sflag:$0x1], $0x1000, $0x38;
	[tilespmem:$0x1B800] =	vst v63  }
0x44: {  	_ =	swait.ge [sflag:s29], $0x1000  }
0x45: {  	[sflag:s29] =	ssyncset.done $0x0  }
0x46: {  	[sflag:s29] =	ssyncadd.s32 $0xFFFFF000  }
0x47: {  	[spmem:s9] =	stream.linear.scatter [tilespmem:s30], [sflag:$0x1], $0x1000, $0x38;
	[tilespmem:$0x1B800] =	vst v63  }
0x48: {  	_ =	swait.ge [sflag:s29], $0x1000  }
0x49: {  	[sflag:s29] =	ssyncset.done $0x0  }
0x4a: {  	[sflag:s29] =	ssyncadd.s32 $0xFFFFF000  }
0x4b: {  	[spmem:s10] =	stream.linear.scatter [tilespmem:s30], [sflag:$0x1], $0x1000, $0x38;
	[tilespmem:$0x1B800] =	vst v63  }
0x4c: {  	_ =	swait.ge [sflag:s29], $0x1000  }
0x4d: {  	[sflag:s29] =	ssyncset.done $0x0  }
0x4e: {  	[sflag:s29] =	ssyncadd.s32 $0xFFFFF000  }
0x4f: {  	[spmem:s11] =	stream.linear.scatter [tilespmem:s30], [sflag:$0x1], $0x1000, $0x38;
	[tilespmem:$0x1B800] =	vst v63  }
0x50: {  	_ =	swait.ge [sflag:s29], $0x1000  }
0x51: {  	[sflag:s29] =	ssyncset.done $0x0  }
0x52: {  	[sflag:s29] =	ssyncadd.s32 $0xFFFFF000  }
0x53: {  	[spmem:s12] =	stream.linear.scatter [tilespmem:s30], [sflag:$0x1], $0x1000, $0x38;
	[tilespmem:$0x1B800] =	vst v63  }
0x54: {  	_ =	swait.ge [sflag:s29], $0x1000  }
0x55: {  	[sflag:s29] =	ssyncset.done $0x0  }
0x56: {  	[sflag:s29] =	ssyncadd.s32 $0xFFFFF000  }
0x57: {  	[spmem:s13] =	stream.linear.scatter [tilespmem:s30], [sflag:$0x1], $0x1000, $0x38;
	[tilespmem:$0x1B800] =	vst v63  }
0x58: {  	_ =	swait.ge [sflag:s29], $0x1000  }
0x59: {  	[sflag:s29] =	ssyncset.done $0x0  }
0x5a: {  	[sflag:s29] =	ssyncadd.s32 $0xFFFFF000  }
0x5b: {  	[spmem:s14] =	stream.linear.scatter [tilespmem:s30], [sflag:$0x1], $0x1000, $0x38;
	[tilespmem:$0x1B800] =	vst v63  }
0x5c: {  	_ =	swait.ge [sflag:s29], $0x1000  }
0x5d: {  	[sflag:s29] =	ssyncset.done $0x0  }
0x5e: {  	[sflag:s29] =	ssyncadd.s32 $0xFFFFF000  }
0x5f: {  	[spmem:s15] =	stream.linear.scatter [tilespmem:s30], [sflag:$0x1], $0x1000, $0x38;
	[tilespmem:$0x1B800] =	vst v63  }
0x60: {  	_ =	swait.ge [sflag:s29], $0x1000  }
0x61: {  	[sflag:s29] =	ssyncset.done $0x0  }
0x62: {  	[sflag:s29] =	ssyncadd.s32 $0xFFFFF000  }
0x63: {  	[spmem:s16] =	stream.linear.scatter [tilespmem:s30], [sflag:$0x1], $0x1000, $0x38;
	[tilespmem:$0x1B800] =	vst v63  }
0x64: {  	_ =	swait.ge [sflag:s29], $0x1000  }
0x65: {  	[sflag:s29] =	ssyncset.done $0x0  }
0x66: {  	[sflag:s29] =	ssyncadd.s32 $0xFFFFF000  }
0x67: {  	[spmem:s17] =	stream.linear.scatter [tilespmem:s30], [sflag:$0x1], $0x1000, $0x38;
	[tilespmem:$0x1B800] =	vst v63  }
0x68: {  	_ =	swait.ge [sflag:s29], $0x1000  }
0x69: {  	[sflag:s29] =	ssyncset.done $0x0  }
0x6a: {  	[sflag:s29] =	ssyncadd.s32 $0xFFFFF000  }
0x6b: {  	[spmem:s18] =	stream.linear.scatter [tilespmem:s30], [sflag:$0x1], $0x1000, $0x38;
	[tilespmem:$0x1B800] =	vst v63  }
0x6c: {  	_ =	swait.ge [sflag:s29], $0x1000  }
0x6d: {  	[sflag:s29] =	ssyncset.done $0x0  }
0x6e: {  	[sflag:s29] =	ssyncadd.s32 $0xFFFFF000  }
0x6f: {  	[spmem:s19] =	stream.linear.scatter [tilespmem:s30], [sflag:$0x1], $0x1000, $0x38;
	[tilespmem:$0x1B800] =	vst v63  }
0x70: {  	_ =	swait.ge [sflag:s29], $0x1000  }
0x71: {  	[sflag:s29] =	ssyncset.done $0x0  }
0x72: {  	[sflag:s29] =	ssyncadd.s32 $0xFFFFF000  }
0x73: {  	[spmem:s20] =	stream.linear.scatter [tilespmem:s30], [sflag:$0x1], $0x1000, $0x38;
	[tilespmem:$0x1B800] =	vst v63  }
0x74: {  	_ =	swait.ge [sflag:s29], $0x1000  }
0x75: {  	[sflag:s29] =	ssyncset.done $0x0  }
0x76: {  	[sflag:s29] =	ssyncadd.s32 $0xFFFFF000  }
0x77: {  	[spmem:s21] =	stream.linear.scatter [tilespmem:s30], [sflag:$0x1], $0x1000, $0x38;
	[tilespmem:$0x1B800] =	vst v63  }
0x78: {  	_ =	swait.ge [sflag:s29], $0x1000  }
0x79: {  	[sflag:s29] =	ssyncset.done $0x0  }
0x7a: {  	[sflag:s29] =	ssyncadd.s32 $0xFFFFF000  }
0x7b: {  	[spmem:s22] =	stream.linear.scatter [tilespmem:s30], [sflag:$0x1], $0x1000, $0x38;
	[tilespmem:$0x1B800] =	vst v63  }
0x7c: {  	_ =	swait.ge [sflag:s29], $0x1000  }
0x7d: {  	[sflag:s29] =	ssyncset.done $0x0  }
0x7e: {  	[sflag:s29] =	ssyncadd.s32 $0xFFFFF000  }
0x7f: {  	[spmem:s23] =	stream.linear.scatter [tilespmem:s30], [sflag:$0x1], $0x1000, $0x38;
	[tilespmem:$0x1B800] =	vst v63  }
0x80: {  	_ =	swait.ge [sflag:s29], $0x1000  }
0x81: {  	[sflag:s29] =	ssyncset.done $0x0  }
0x82: {  	[sflag:s29] =	ssyncadd.s32 $0xFFFFF000  }
0x83: {  	[spmem:s26] =	stream.linear.scatter [tilespmem:s30], [sflag:$0x1], $0x1000, $0x38;
	[tilespmem:$0x1B800] =	vst v63  }
0x84: {  	_ =	swait.ge [sflag:s29], $0x1000  }
0x85: {  	[sflag:s29] =	ssyncset.done $0x0  }
0x86: {  	[sflag:s29] =	ssyncadd.s32 $0xFFFFF000  }
0x87: {  	s28 =	simm.s32 $0x19000;
	[bflag:$0x0] =	sbarrier.arrive $0xFFFF  }
0x88: {  	[spmem:s2] =	stream.indirect.scatter.add.f32 [tilespmem:s1], [sflag:$0x1], $0x80, s28, s31, $0xb8;
	[tilespmem:$0x1B800] =	vst v63  }
0x89: {  	s0 =	simm.s32 $0x200;
	_ =	swait.ge [sflag:s29], $0x3E80  }
.LBB2_6:
0x8a: {  	s28 =	sshra.s32 s0, $0x2;
	[sflag:s29] =	ssyncset.done $0x0;
	p0 =	sne.s32 s0, $0x9E00  }
.Ltmp2:
0x8b: {  	s28 =	sadd.s32 $0x19000, s28;
	[sflag:s29] =	ssyncadd.s32 $0xFFFFC180;
	(pc) =	sbr.rel @p0 .LBB2_6-.Ltmp2, $3  }
0x8c: {  	[spmem:s2] =	stream.indirect.scatter.add.f32 [tilespmem:s1], [sflag:$0x1], $0x80, s28, s31, $0xb8;
	[tilespmem:$0x1B800] =	vst v63  }
0x8d: {  	s0 =	sadd.s32 $0x200, s0;
	_ =	sdelay $0x1  }
0x8e: {  	_ =	swait.ge [sflag:s29], $0x3E80  }
0x8f: {  	[sflag:s29] =	ssyncset.done $0x0  }
0x90: {  	s0 =	stileid.u32;
	s28 =	sshrl.u32 s5, $0x3;
	s3 =	sadd.s32 $0x1, s3  }
0x91: {  	[sflag:s29] =	ssyncadd.s32 $0xFFFFC180;
	s0 =	sshll.u32 s0, $0x6;
	p0 =	sne.s32 s3, s25  }
.Ltmp3:
0x92: {  	[bflag:$0x0] =	sbarrier.arrive $0xFFFF;
	s0 =	sor.u32 $0x1C01, s0;
	(pc) =	sbr.rel @p0 .LBB2_1-.Ltmp3, $4  }
0x93: {  	[hbm:s24], [sflag:s0] =	dma.local [spmem:s28], $0x2800  }
0x94: {  	_ =	swait.ge [sflag:s29], $0x2800  }
0x95: {  	[sflag:s29] =	ssyncset.done $0x0  }
0x96: {  	[sflag:s29] =	ssyncadd.s32 $0xFFFFD800  }
0x97: {  	_ =	sfence.sel $0x180000  }
0x98: {  	[bflag:$0x0] =	sbarrier.arrive $0xFFFF  }
0x99: {  	_ =	strace $0x90000047  }
0x9a: {  	s0 =	stileid.u32;
	[bflag:$0x2] =	sbarrier.arrive $0xFFFF  }
0x9b: {  	p0 =	sne.s32 s0, $0x0;
	s0 =	rddreg [dreg:$0x2]  }
0x9c: {  	s0 =	sadd.s32 @!p0 $0x100000, s0  }
0x9d: {  	[sflag:s0] =	ssyncadd.tile.s32 @!p0 $0x1;
	_ =	shalt  }
.Lfunc_end2:
_tile_overlayer_lowered:
.L_overlay_start_2:
0x9e: {  	(tag) =	ssettag $0x2  }
0x9f: {  	s0 =	rddreg [dreg:$0x0];
	s2 =	stileid.u32  }
0xa0: {  	s1 =	rddreg [dreg:$0x1];
	p0 =	sne.s32 s2, $0x0  }
0xa1: {  	s3 =	rddreg [dreg:$0x2];
	[bflag:$0x3] =	sbarrier.arrive $0xFFFF;
	s2 =	simm.s32 @!p0 $0x1C01  }
0xa2: {  	[timem:s3], [sflag:s2] =	dma.local @!p0 [hbm:s0], s1  }
0xa3: {  	s0 =	simm.s32 @!p0 $0x1  }
0xa4: {  	_ =	swait.ge @!p0 [sflag:s0], s1  }
0xa5: {  	s1 =	ssub.s32 @!p0 $0x0, s1;
	[sflag:s0] =	ssyncset.done @!p0 $0x0  }
0xa6: {  	[sflag:s0] =	ssyncadd.s32 @!p0 s1  }
0xa7: {  	[bflag:$0x3] =	sbarrier.arrive $0xFFFF  }
0xa8: {  	_ =	shalt  }

</sc_bundles>
